<compile_context>
chip_gen: v7x
topology: tpu7x:2x2x1
jax: 0.10.2.dev20260603
libtpu: 0.0.44.dev20260713+nightly
codegen_flags: <defaults>
</compile_context>

<pallas_src>
import jax
import jax.numpy as jnp
from jax import lax
from jax.experimental import pallas as pl
from jax.experimental.pallas import tpu as pltpu
from jax.experimental.pallas import tpu_sc as plsc

N_COLS = 14
N_ROWS = 131072
N_WORKERS = 32
LANES_PER_WORKER = N_ROWS // N_WORKERS
CHUNK_LENS = [512, 1536, 1536, 512]
CHUNK_OFFS = [0, 512, 2048, 3584]
N_CHUNKS = len(CHUNK_LENS)
MAX_CHUNK = max(CHUNK_LENS)

PARENT = [0, 1] + [c // 2 - 1 for c in range(2, N_COLS)]


def _tree_softmax_body(in_hbm, out_hbm, in0, in1, out0, out1,
                       in_sems, out_sems):
    in_bufs = [in0, in1]
    out_bufs = [out0, out1]
    wid = lax.axis_index("s") * 2 + lax.axis_index("c")
    base = pl.multiple_of(wid * LANES_PER_WORKER, 512)

    def chunk_slice(i):
        off = pl.multiple_of(base + CHUNK_OFFS[i], 512)
        return pl.ds(off, CHUNK_LENS[i])

    def copy_in(i, slot):
        return pltpu.make_async_copy(
            in_hbm.at[:, chunk_slice(i)],
            in_bufs[slot].at[:, pl.ds(0, CHUNK_LENS[i])], in_sems.at[slot])

    def copy_out(i, slot):
        return pltpu.make_async_copy(
            out_bufs[slot].at[:, pl.ds(0, CHUNK_LENS[i])],
            out_hbm.at[:, chunk_slice(i)], out_sems.at[slot])

    def compute(i, slot):
        src = in_bufs[slot]
        dst = out_bufs[slot]

        @plsc.parallel_loop(0, CHUNK_LENS[i] // 16, unroll=2)
        def group(g):
            sl = pl.ds(g * 16, 16)
            x = [src[c, sl] for c in range(N_COLS)]
            f = [None] * N_COLS
            for i in range(N_COLS // 2):
                a, b = x[2 * i], x[2 * i + 1]
                inv = 1.0 / (1.0 + jnp.exp(b - a))
                f[2 * i] = inv
                f[2 * i + 1] = 1.0 - inv
            for c in range(2, N_COLS):
                f[c] = f[c] * f[PARENT[c]]
            for c in range(N_COLS):
                dst[c, sl] = f[c]

    copy_in(0, 0).start()
    for i in range(N_CHUNKS):
        slot = i % 2
        if i + 1 < N_CHUNKS:
            copy_in(i + 1, 1 - slot).start()
        copy_in(i, slot).wait()
        if i >= 2:
            copy_out(i - 2, slot).wait()
        compute(i, slot)
        copy_out(i, slot).start()
    copy_out(N_CHUNKS - 2, N_CHUNKS % 2).wait()
    copy_out(N_CHUNKS - 1, (N_CHUNKS - 1) % 2).wait()


@jax.jit
def kernel(input):
    mesh = plsc.VectorSubcoreMesh(core_axis_name="c", subcore_axis_name="s")
    out_t = pl.kernel(
        _tree_softmax_body,
        out_type=jax.ShapeDtypeStruct((N_COLS, N_ROWS), jnp.float32),
        mesh=mesh,
        compiler_params=pltpu.CompilerParams(
            needs_layout_passes=False, use_tc_tiling_on_sc=True),
        scratch_types=[
            pltpu.VMEM((N_COLS, MAX_CHUNK), jnp.float32),
            pltpu.VMEM((N_COLS, MAX_CHUNK), jnp.float32),
            pltpu.VMEM((N_COLS, MAX_CHUNK), jnp.float32),
            pltpu.VMEM((N_COLS, MAX_CHUNK), jnp.float32),
            pltpu.SemaphoreType.DMA((2,)),
            pltpu.SemaphoreType.DMA((2,)),
        ],
    )(input.T)
    return out_t.T

# --- scband reference (transcript-rebuilt; emitter-appended) ---
"""Pipeline reference for scband-tree-softmax-1803886264584 (READ-ONLY COPY).

The authoritative reference and input builder live on the scoring server;
editing this copy changes nothing except your own understanding.
"""

import jax, jax.numpy as jnp
import numpy as np

N = 15
ADJ = np.zeros((N, N), dtype=np.int64)
for i in range(7):
    ADJ[i, 2 * i + 1] = 1
    ADJ[i, 2 * i + 2] = 1


def setup_inputs(seed: int = 0) -> dict:
    key = jax.random.key(seed)
    x = jax.random.normal(key, (131072, N - 1), dtype=jnp.float32)
    return {"input": x}


def reference(input):
    axis = 1
    result = [None] * (N - 1)
    # sibling-group softmaxes
    for row_idx in range(N):
        sibling_indices = np.where(ADJ[row_idx, :])[0] - 1
        if len(sibling_indices) > 0:
            g = jnp.take(input, jnp.asarray(sibling_indices), axis=axis)
            p_max = jnp.max(g, axis=axis, keepdims=True)
            g_exp = jnp.exp(g - p_max)
            p_sum = jnp.sum(g_exp, axis=axis, keepdims=True)
            p = g_exp / p_sum
            for tensor_idx, sibling_idx in enumerate(sibling_indices):
                result[sibling_idx] = jnp.take(p, jnp.asarray([tensor_idx]), axis=axis)
    # propagate probabilities down the tree (multiply by parent prob)
    nodes_to_process = list(np.where(ADJ[0, :])[0])
    while len(nodes_to_process) > 0:
        child_nodes = []
        for parent_idx in nodes_to_process:
            child_indices = np.where(ADJ[parent_idx, :])[0]
            child_nodes.extend(child_indices)
            for child_idx in child_indices:
                result[child_idx - 1] = result[child_idx - 1] * result[parent_idx - 1]
        nodes_to_process = child_nodes
    return jnp.concatenate([jnp.concatenate(result[i:i + 32], axis=axis) for i in range(0, len(result), 32)], axis=axis)

if __name__ == "__main__":
    import jax
    _d = setup_inputs()
    print(jax.jit(kernel)(*tuple(_d.values())))

</pallas_src>

<mosaic_0001>
#map = affine_map<(d0, d1) -> (0, 0)>
module attributes {stable_mosaic.version = 14 : i64} {
  func.func @_tree_softmax_body(%arg0: i32, %arg1: i32, %arg2: memref<14x131072xf32, #tpu.memory_space<hbm>>, %arg3: memref<14x131072xf32, #tpu.memory_space<hbm>>, %arg4: memref<14x1536xf32, #tpu.memory_space<vmem>>, %arg5: memref<14x1536xf32, #tpu.memory_space<vmem>>, %arg6: memref<14x1536xf32, #tpu.memory_space<vmem>>, %arg7: memref<14x1536xf32, #tpu.memory_space<vmem>>, %arg8: memref<2x!tpu.dma_semaphore, #tpu.memory_space<semaphore_mem>>, %arg9: memref<2x!tpu.dma_semaphore, #tpu.memory_space<semaphore_mem>>) attributes {dimension_semantics = [#tpu.dimension_semantics<core_parallel>, #tpu.dimension_semantics<subcore_parallel>], iteration_bounds = array<i64: 2, 16>, scalar_prefetch = 0 : i64, scratch_operands = 6 : i64, tpu.core_type = #tpu.core_type<sc_vector_subcore>, window_params = [{transform_indices = #map}, {transform_indices = #map}]} {
    %mul3A = arith.constant 2 : i32
    %mul3A_0 = arith.muli %arg1, %mul3A : i32
    %add3A = arith.addi %mul3A_0, %arg0 : i32
    %mul3A_1 = arith.constant 4096 : i32
    %mul3A_2 = arith.muli %add3A, %mul3A_1 : i32
    %multiple_of3A = tpu.assume_multiple %mul3A_2, 512 : i32
    %add3A_3 = arith.constant 0 : i32
    %add3A_4 = arith.addi %multiple_of3A, %add3A_3 : i32
    %multiple_of3A_5 = tpu.assume_multiple %add3A_4, 512 : i32
    %dma_start3A = arith.constant 0 : i32
    %dma_start3A_6 = arith.constant 0 : i32
    %dma_start3A_7 = arith.constant 0 : i32
    %dma_start3A_8 = tpu.memref_slice %arg4[%dma_start3A_6, %dma_start3A_7] : memref<14x1536xf32, #tpu.memory_space<vmem>> -> memref<14x512xf32, #tpu.memory_space<vmem>>
    %dma_start3A_9 = arith.constant 0 : i32
    %dma_start3A_10 = tpu.memref_slice %arg2[%dma_start3A_9, %multiple_of3A_5] : memref<14x131072xf32, #tpu.memory_space<hbm>> -> memref<14x512xf32, #tpu.memory_space<hbm>>
    %dma_start3A_11 = tpu.memref_slice %arg8[%dma_start3A] : memref<2x!tpu.dma_semaphore, #tpu.memory_space<semaphore_mem>> -> memref<1x!tpu.dma_semaphore, #tpu.memory_space<semaphore_mem>>
    %dma_start3A_12 = tpu.memref_squeeze %dma_start3A_11 : memref<1x!tpu.dma_semaphore, #tpu.memory_space<semaphore_mem>> -> memref<!tpu.dma_semaphore, #tpu.memory_space<semaphore_mem>>
    %dma_start3A_13 = arith.constant 0 : i32
    %dma_start3A_14 = arith.constant 0 : i32
    %dma_start3A_15 = tpu.memref_slice %arg4[%dma_start3A_13, %dma_start3A_14] : memref<14x1536xf32, #tpu.memory_space<vmem>> -> memref<14x512xf32, #tpu.memory_space<vmem>>
    %dma_start3A_16 = arith.constant 0 : i32
    %dma_start3A_17 = tpu.memref_slice %arg2[%dma_start3A_16, %multiple_of3A_5] : memref<14x131072xf32, #tpu.memory_space<hbm>> -> memref<14x512xf32, #tpu.memory_space<hbm>>
    tpu.enqueue_dma source(%dma_start3A_17 : memref<14x512xf32, #tpu.memory_space<hbm>>) target(%dma_start3A_15 : memref<14x512xf32, #tpu.memory_space<vmem>>) target_semaphore(%dma_start3A_12 : memref<!tpu.dma_semaphore, #tpu.memory_space<semaphore_mem>>)
    %add3A_18 = arith.constant 512 : i32
    %add3A_19 = arith.addi %multiple_of3A, %add3A_18 : i32
    %multiple_of3A_20 = tpu.assume_multiple %add3A_19, 512 : i32
    %dma_start3A_21 = arith.constant 1 : i32
    %dma_start3A_22 = arith.constant 0 : i32
    %dma_start3A_23 = arith.constant 0 : i32
    %dma_start3A_24 = tpu.memref_slice %arg5[%dma_start3A_22, %dma_start3A_23] : memref<14x1536xf32, #tpu.memory_space<vmem>> -> memref<14x1536xf32, #tpu.memory_space<vmem>>
    %dma_start3A_25 = arith.constant 0 : i32
    %dma_start3A_26 = tpu.memref_slice %arg2[%dma_start3A_25, %multiple_of3A_20] : memref<14x131072xf32, #tpu.memory_space<hbm>> -> memref<14x1536xf32, #tpu.memory_space<hbm>>
    %dma_start3A_27 = tpu.memref_slice %arg8[%dma_start3A_21] : memref<2x!tpu.dma_semaphore, #tpu.memory_space<semaphore_mem>> -> memref<1x!tpu.dma_semaphore, #tpu.memory_space<semaphore_mem>>
    %dma_start3A_28 = tpu.memref_squeeze %dma_start3A_27 : memref<1x!tpu.dma_semaphore, #tpu.memory_space<semaphore_mem>> -> memref<!tpu.dma_semaphore, #tpu.memory_space<semaphore_mem>>
    %dma_start3A_29 = arith.constant 0 : i32
    %dma_start3A_30 = arith.constant 0 : i32
    %dma_start3A_31 = tpu.memref_slice %arg5[%dma_start3A_29, %dma_start3A_30] : memref<14x1536xf32, #tpu.memory_space<vmem>> -> memref<14x1536xf32, #tpu.memory_space<vmem>>
    %dma_start3A_32 = arith.constant 0 : i32
    %dma_start3A_33 = tpu.memref_slice %arg2[%dma_start3A_32, %multiple_of3A_20] : memref<14x131072xf32, #tpu.memory_space<hbm>> -> memref<14x1536xf32, #tpu.memory_space<hbm>>
    tpu.enqueue_dma source(%dma_start3A_33 : memref<14x1536xf32, #tpu.memory_space<hbm>>) target(%dma_start3A_31 : memref<14x1536xf32, #tpu.memory_space<vmem>>) target_semaphore(%dma_start3A_28 : memref<!tpu.dma_semaphore, #tpu.memory_space<semaphore_mem>>)
    %add3A_34 = arith.constant 0 : i32
    %add3A_35 = arith.addi %multiple_of3A, %add3A_34 : i32
    %multiple_of3A_36 = tpu.assume_multiple %add3A_35, 512 : i32
    %dma_wait3A = arith.constant 0 : i32
    %dma_wait3A_37 = arith.constant 0 : i32
    %dma_wait3A_38 = arith.constant 0 : i32
    %dma_wait3A_39 = tpu.memref_slice %arg4[%dma_wait3A_37, %dma_wait3A_38] : memref<14x1536xf32, #tpu.memory_space<vmem>> -> memref<14x512xf32, #tpu.memory_space<vmem>>
    %dma_wait3A_40 = arith.constant 0 : i32
    %dma_wait3A_41 = tpu.memref_slice %arg2[%dma_wait3A_40, %multiple_of3A_36] : memref<14x131072xf32, #tpu.memory_space<hbm>> -> memref<14x512xf32, #tpu.memory_space<hbm>>
    %dma_wait3A_42 = tpu.memref_slice %arg8[%dma_wait3A] : memref<2x!tpu.dma_semaphore, #tpu.memory_space<semaphore_mem>> -> memref<1x!tpu.dma_semaphore, #tpu.memory_space<semaphore_mem>>
    %dma_wait3A_43 = tpu.memref_squeeze %dma_wait3A_42 : memref<1x!tpu.dma_semaphore, #tpu.memory_space<semaphore_mem>> -> memref<!tpu.dma_semaphore, #tpu.memory_space<semaphore_mem>>
    %dma_wait3A_44 = arith.constant 0 : i32
    %dma_wait3A_45 = arith.constant 0 : i32
    %dma_wait3A_46 = tpu.memref_slice %arg4[%dma_wait3A_44, %dma_wait3A_45] : memref<14x1536xf32, #tpu.memory_space<vmem>> -> memref<14x512xf32, #tpu.memory_space<vmem>>
    %dma_wait3A_47 = arith.constant 0 : i32
    %dma_wait3A_48 = tpu.memref_slice %arg2[%dma_wait3A_47, %multiple_of3A_36] : memref<14x131072xf32, #tpu.memory_space<hbm>> -> memref<14x512xf32, #tpu.memory_space<hbm>>
    tpu.wait_dma2 semaphore(%dma_wait3A_43 : memref<!tpu.dma_semaphore, #tpu.memory_space<semaphore_mem>>) src(%dma_wait3A_48 : memref<14x512xf32, #tpu.memory_space<hbm>>) dst(%dma_wait3A_46 : memref<14x512xf32, #tpu.memory_space<vmem>>)
    %parallel_loop3A = arith.constant 0 : i32
    %parallel_loop3A_49 = arith.constant 32 : i32
    %parallel_loop3A_50 = arith.constant 1 : i32
    scf.for %parallel_loop3A_268 = %parallel_loop3A to %parallel_loop3A_49 step %parallel_loop3A_50  : i32 {
      %parallel_loop3A_269 = arith.constant 16 : i32
      %parallel_loop3A_270 = arith.muli %parallel_loop3A_268, %parallel_loop3A_269 : i32
      %parallel_loop3A_271 = arith.constant 0 : i32
      %parallel_loop3A_272 = arith.index_cast %parallel_loop3A_271 : i32 to index
      %parallel_loop3A_273 = arith.index_cast %parallel_loop3A_270 : i32 to index
      %parallel_loop3A_274 = tpu.vector_load %arg4[%parallel_loop3A_272, %parallel_loop3A_273] {strides = array<i32>} : memref<14x1536xf32, #tpu.memory_space<vmem>>, vector<16xf32>,
      %parallel_loop3A_275 = arith.constant 1 : i32
      %parallel_loop3A_276 = arith.index_cast %parallel_loop3A_275 : i32 to index
      %parallel_loop3A_277 = arith.index_cast %parallel_loop3A_270 : i32 to index
      %parallel_loop3A_278 = tpu.vector_load %arg4[%parallel_loop3A_276, %parallel_loop3A_277] {strides = array<i32>} : memref<14x1536xf32, #tpu.memory_space<vmem>>, vector<16xf32>,
      %parallel_loop3A_279 = arith.constant 2 : i32
      %parallel_loop3A_280 = arith.index_cast %parallel_loop3A_279 : i32 to index
      %parallel_loop3A_281 = arith.index_cast %parallel_loop3A_270 : i32 to index
      %parallel_loop3A_282 = tpu.vector_load %arg4[%parallel_loop3A_280, %parallel_loop3A_281] {strides = array<i32>} : memref<14x1536xf32, #tpu.memory_space<vmem>>, vector<16xf32>,
      %parallel_loop3A_283 = arith.constant 3 : i32
      %parallel_loop3A_284 = arith.index_cast %parallel_loop3A_283 : i32 to index
      %parallel_loop3A_285 = arith.index_cast %parallel_loop3A_270 : i32 to index
      %parallel_loop3A_286 = tpu.vector_load %arg4[%parallel_loop3A_284, %parallel_loop3A_285] {strides = array<i32>} : memref<14x1536xf32, #tpu.memory_space<vmem>>, vector<16xf32>,
      %parallel_loop3A_287 = arith.constant 4 : i32
      %parallel_loop3A_288 = arith.index_cast %parallel_loop3A_287 : i32 to index
      %parallel_loop3A_289 = arith.index_cast %parallel_loop3A_270 : i32 to index
      %parallel_loop3A_290 = tpu.vector_load %arg4[%parallel_loop3A_288, %parallel_loop3A_289] {strides = array<i32>} : memref<14x1536xf32, #tpu.memory_space<vmem>>, vector<16xf32>,
      %parallel_loop3A_291 = arith.constant 5 : i32
      %parallel_loop3A_292 = arith.index_cast %parallel_loop3A_291 : i32 to index
      %parallel_loop3A_293 = arith.index_cast %parallel_loop3A_270 : i32 to index
      %parallel_loop3A_294 = tpu.vector_load %arg4[%parallel_loop3A_292, %parallel_loop3A_293] {strides = array<i32>} : memref<14x1536xf32, #tpu.memory_space<vmem>>, vector<16xf32>,
      %parallel_loop3A_295 = arith.constant 6 : i32
      %parallel_loop3A_296 = arith.index_cast %parallel_loop3A_295 : i32 to index
      %parallel_loop3A_297 = arith.index_cast %parallel_loop3A_270 : i32 to index
      %parallel_loop3A_298 = tpu.vector_load %arg4[%parallel_loop3A_296, %parallel_loop3A_297] {strides = array<i32>} : memref<14x1536xf32, #tpu.memory_space<vmem>>, vector<16xf32>,
      %parallel_loop3A_299 = arith.constant 7 : i32
      %parallel_loop3A_300 = arith.index_cast %parallel_loop3A_299 : i32 to index
      %parallel_loop3A_301 = arith.index_cast %parallel_loop3A_270 : i32 to index
      %parallel_loop3A_302 = tpu.vector_load %arg4[%parallel_loop3A_300, %parallel_loop3A_301] {strides = array<i32>} : memref<14x1536xf32, #tpu.memory_space<vmem>>, vector<16xf32>,
      %parallel_loop3A_303 = arith.constant 8 : i32
      %parallel_loop3A_304 = arith.index_cast %parallel_loop3A_303 : i32 to index
      %parallel_loop3A_305 = arith.index_cast %parallel_loop3A_270 : i32 to index
      %parallel_loop3A_306 = tpu.vector_load %arg4[%parallel_loop3A_304, %parallel_loop3A_305] {strides = array<i32>} : memref<14x1536xf32, #tpu.memory_space<vmem>>, vector<16xf32>,
      %parallel_loop3A_307 = arith.constant 9 : i32
      %parallel_loop3A_308 = arith.index_cast %parallel_loop3A_307 : i32 to index
      %parallel_loop3A_309 = arith.index_cast %parallel_loop3A_270 : i32 to index
      %parallel_loop3A_310 = tpu.vector_load %arg4[%parallel_loop3A_308, %parallel_loop3A_309] {strides = array<i32>} : memref<14x1536xf32, #tpu.memory_space<vmem>>, vector<16xf32>,
      %parallel_loop3A_311 = arith.constant 10 : i32
      %parallel_loop3A_312 = arith.index_cast %parallel_loop3A_311 : i32 to index
      %parallel_loop3A_313 = arith.index_cast %parallel_loop3A_270 : i32 to index
      %parallel_loop3A_314 = tpu.vector_load %arg4[%parallel_loop3A_312, %parallel_loop3A_313] {strides = array<i32>} : memref<14x1536xf32, #tpu.memory_space<vmem>>, vector<16xf32>,
      %parallel_loop3A_315 = arith.constant 11 : i32
      %parallel_loop3A_316 = arith.index_cast %parallel_loop3A_315 : i32 to index
      %parallel_loop3A_317 = arith.index_cast %parallel_loop3A_270 : i32 to index
      %parallel_loop3A_318 = tpu.vector_load %arg4[%parallel_loop3A_316, %parallel_loop3A_317] {strides = array<i32>} : memref<14x1536xf32, #tpu.memory_space<vmem>>, vector<16xf32>,
      %parallel_loop3A_319 = arith.constant 12 : i32
      %parallel_loop3A_320 = arith.index_cast %parallel_loop3A_319 : i32 to index
      %parallel_loop3A_321 = arith.index_cast %parallel_loop3A_270 : i32 to index
      %parallel_loop3A_322 = tpu.vector_load %arg4[%parallel_loop3A_320, %parallel_loop3A_321] {strides = array<i32>} : memref<14x1536xf32, #tpu.memory_space<vmem>>, vector<16xf32>,
      %parallel_loop3A_323 = arith.constant 13 : i32
      %parallel_loop3A_324 = arith.index_cast %parallel_loop3A_323 : i32 to index
      %parallel_loop3A_325 = arith.index_cast %parallel_loop3A_270 : i32 to index
      %parallel_loop3A_326 = tpu.vector_load %arg4[%parallel_loop3A_324, %parallel_loop3A_325] {strides = array<i32>} : memref<14x1536xf32, #tpu.memory_space<vmem>>, vector<16xf32>,
      %parallel_loop3A_327 = arith.subf %parallel_loop3A_278, %parallel_loop3A_274 : vector<16xf32>
      %parallel_loop3A_328 = math.exp %parallel_loop3A_327 : vector<16xf32>
      %parallel_loop3A_329 = arith.constant 1.000000e+00 : f32
      %parallel_loop3A_330 = vector.broadcast %parallel_loop3A_329 : f32 to vector<16xf32>
      %parallel_loop3A_331 = arith.addf %parallel_loop3A_330, %parallel_loop3A_328 : vector<16xf32>
      %parallel_loop3A_332 = arith.constant 1.000000e+00 : f32
      %parallel_loop3A_333 = vector.broadcast %parallel_loop3A_332 : f32 to vector<16xf32>
      %parallel_loop3A_334 = arith.divf %parallel_loop3A_333, %parallel_loop3A_331 : vector<16xf32>
      %parallel_loop3A_335 = arith.constant 1.000000e+00 : f32
      %parallel_loop3A_336 = vector.broadcast %parallel_loop3A_335 : f32 to vector<16xf32>
      %parallel_loop3A_337 = arith.subf %parallel_loop3A_336, %parallel_loop3A_334 : vector<16xf32>
      %parallel_loop3A_338 = arith.subf %parallel_loop3A_286, %parallel_loop3A_282 : vector<16xf32>
      %parallel_loop3A_339 = math.exp %parallel_loop3A_338 : vector<16xf32>
      %parallel_loop3A_340 = arith.constant 1.000000e+00 : f32
      %parallel_loop3A_341 = vector.broadcast %parallel_loop3A_340 : f32 to vector<16xf32>
      %parallel_loop3A_342 = arith.addf %parallel_loop3A_341, %parallel_loop3A_339 : vector<16xf32>
      %parallel_loop3A_343 = arith.constant 1.000000e+00 : f32
      %parallel_loop3A_344 = vector.broadcast %parallel_loop3A_343 : f32 to vector<16xf32>
      %parallel_loop3A_345 = arith.divf %parallel_loop3A_344, %parallel_loop3A_342 : vector<16xf32>
      %parallel_loop3A_346 = arith.constant 1.000000e+00 : f32
      %parallel_loop3A_347 = vector.broadcast %parallel_loop3A_346 : f32 to vector<16xf32>
      %parallel_loop3A_348 = arith.subf %parallel_loop3A_347, %parallel_loop3A_345 : vector<16xf32>
      %parallel_loop3A_349 = arith.subf %parallel_loop3A_294, %parallel_loop3A_290 : vector<16xf32>
      %parallel_loop3A_350 = math.exp %parallel_loop3A_349 : vector<16xf32>
      %parallel_loop3A_351 = arith.constant 1.000000e+00 : f32
      %parallel_loop3A_352 = vector.broadcast %parallel_loop3A_351 : f32 to vector<16xf32>
      %parallel_loop3A_353 = arith.addf %parallel_loop3A_352, %parallel_loop3A_350 : vector<16xf32>
      %parallel_loop3A_354 = arith.constant 1.000000e+00 : f32
      %parallel_loop3A_355 = vector.broadcast %parallel_loop3A_354 : f32 to vector<16xf32>
      %parallel_loop3A_356 = arith.divf %parallel_loop3A_355, %parallel_loop3A_353 : vector<16xf32>
      %parallel_loop3A_357 = arith.constant 1.000000e+00 : f32
      %parallel_loop3A_358 = vector.broadcast %parallel_loop3A_357 : f32 to vector<16xf32>
      %parallel_loop3A_359 = arith.subf %parallel_loop3A_358, %parallel_loop3A_356 : vector<16xf32>
      %parallel_loop3A_360 = arith.subf %parallel_loop3A_302, %parallel_loop3A_298 : vector<16xf32>
      %parallel_loop3A_361 = math.exp %parallel_loop3A_360 : vector<16xf32>
      %parallel_loop3A_362 = arith.constant 1.000000e+00 : f32
      %parallel_loop3A_363 = vector.broadcast %parallel_loop3A_362 : f32 to vector<16xf32>
      %parallel_loop3A_364 = arith.addf %parallel_loop3A_363, %parallel_loop3A_361 : vector<16xf32>
      %parallel_loop3A_365 = arith.constant 1.000000e+00 : f32
      %parallel_loop3A_366 = vector.broadcast %parallel_loop3A_365 : f32 to vector<16xf32>
      %parallel_loop3A_367 = arith.divf %parallel_loop3A_366, %parallel_loop3A_364 : vector<16xf32>
      %parallel_loop3A_368 = arith.constant 1.000000e+00 : f32
      %parallel_loop3A_369 = vector.broadcast %parallel_loop3A_368 : f32 to vector<16xf32>
      %parallel_loop3A_370 = arith.subf %parallel_loop3A_369, %parallel_loop3A_367 : vector<16xf32>
      %parallel_loop3A_371 = arith.subf %parallel_loop3A_310, %parallel_loop3A_306 : vector<16xf32>
      %parallel_loop3A_372 = math.exp %parallel_loop3A_371 : vector<16xf32>
      %parallel_loop3A_373 = arith.constant 1.000000e+00 : f32
      %parallel_loop3A_374 = vector.broadcast %parallel_loop3A_373 : f32 to vector<16xf32>
      %parallel_loop3A_375 = arith.addf %parallel_loop3A_374, %parallel_loop3A_372 : vector<16xf32>
      %parallel_loop3A_376 = arith.constant 1.000000e+00 : f32
      %parallel_loop3A_377 = vector.broadcast %parallel_loop3A_376 : f32 to vector<16xf32>
      %parallel_loop3A_378 = arith.divf %parallel_loop3A_377, %parallel_loop3A_375 : vector<16xf32>
      %parallel_loop3A_379 = arith.constant 1.000000e+00 : f32
      %parallel_loop3A_380 = vector.broadcast %parallel_loop3A_379 : f32 to vector<16xf32>
      %parallel_loop3A_381 = arith.subf %parallel_loop3A_380, %parallel_loop3A_378 : vector<16xf32>
      %parallel_loop3A_382 = arith.subf %parallel_loop3A_318, %parallel_loop3A_314 : vector<16xf32>
      %parallel_loop3A_383 = math.exp %parallel_loop3A_382 : vector<16xf32>
      %parallel_loop3A_384 = arith.constant 1.000000e+00 : f32
      %parallel_loop3A_385 = vector.broadcast %parallel_loop3A_384 : f32 to vector<16xf32>
      %parallel_loop3A_386 = arith.addf %parallel_loop3A_385, %parallel_loop3A_383 : vector<16xf32>
      %parallel_loop3A_387 = arith.constant 1.000000e+00 : f32
      %parallel_loop3A_388 = vector.broadcast %parallel_loop3A_387 : f32 to vector<16xf32>
      %parallel_loop3A_389 = arith.divf %parallel_loop3A_388, %parallel_loop3A_386 : vector<16xf32>
      %parallel_loop3A_390 = arith.constant 1.000000e+00 : f32
      %parallel_loop3A_391 = vector.broadcast %parallel_loop3A_390 : f32 to vector<16xf32>
      %parallel_loop3A_392 = arith.subf %parallel_loop3A_391, %parallel_loop3A_389 : vector<16xf32>
      %parallel_loop3A_393 = arith.subf %parallel_loop3A_326, %parallel_loop3A_322 : vector<16xf32>
      %parallel_loop3A_394 = math.exp %parallel_loop3A_393 : vector<16xf32>
      %parallel_loop3A_395 = arith.constant 1.000000e+00 : f32
      %parallel_loop3A_396 = vector.broadcast %parallel_loop3A_395 : f32 to vector<16xf32>
      %parallel_loop3A_397 = arith.addf %parallel_loop3A_396, %parallel_loop3A_394 : vector<16xf32>
      %parallel_loop3A_398 = arith.constant 1.000000e+00 : f32
      %parallel_loop3A_399 = vector.broadcast %parallel_loop3A_398 : f32 to vector<16xf32>
      %parallel_loop3A_400 = arith.divf %parallel_loop3A_399, %parallel_loop3A_397 : vector<16xf32>
      %parallel_loop3A_401 = arith.constant 1.000000e+00 : f32
      %parallel_loop3A_402 = vector.broadcast %parallel_loop3A_401 : f32 to vector<16xf32>
      %parallel_loop3A_403 = arith.subf %parallel_loop3A_402, %parallel_loop3A_400 : vector<16xf32>
      %parallel_loop3A_404 = arith.mulf %parallel_loop3A_345, %parallel_loop3A_334 : vector<16xf32>
      %parallel_loop3A_405 = arith.mulf %parallel_loop3A_348, %parallel_loop3A_334 : vector<16xf32>
      %parallel_loop3A_406 = arith.mulf %parallel_loop3A_356, %parallel_loop3A_337 : vector<16xf32>
      %parallel_loop3A_407 = arith.mulf %parallel_loop3A_359, %parallel_loop3A_337 : vector<16xf32>
      %parallel_loop3A_408 = arith.mulf %parallel_loop3A_367, %parallel_loop3A_404 : vector<16xf32>
      %parallel_loop3A_409 = arith.mulf %parallel_loop3A_370, %parallel_loop3A_404 : vector<16xf32>
      %parallel_loop3A_410 = arith.mulf %parallel_loop3A_378, %parallel_loop3A_405 : vector<16xf32>
      %parallel_loop3A_411 = arith.mulf %parallel_loop3A_381, %parallel_loop3A_405 : vector<16xf32>
      %parallel_loop3A_412 = arith.mulf %parallel_loop3A_389, %parallel_loop3A_406 : vector<16xf32>
      %parallel_loop3A_413 = arith.mulf %parallel_loop3A_392, %parallel_loop3A_406 : vector<16xf32>
      %parallel_loop3A_414 = arith.mulf %parallel_loop3A_400, %parallel_loop3A_407 : vector<16xf32>
      %parallel_loop3A_415 = arith.mulf %parallel_loop3A_403, %parallel_loop3A_407 : vector<16xf32>
      %parallel_loop3A_416 = arith.constant 0 : i32
      %parallel_loop3A_417 = arith.index_cast %parallel_loop3A_416 : i32 to index
      %parallel_loop3A_418 = arith.index_cast %parallel_loop3A_270 : i32 to index
      %parallel_loop3A_419 = tpu.vector_load %arg6[%parallel_loop3A_417, %parallel_loop3A_418] {strides = array<i32>} : memref<14x1536xf32, #tpu.memory_space<vmem>>, vector<16xf32>,
      tpu.vector_store %arg6[%parallel_loop3A_417, %parallel_loop3A_418], %parallel_loop3A_334 {strides = array<i32>} : memref<14x1536xf32, #tpu.memory_space<vmem>>, vector<16xf32>,
      %parallel_loop3A_420 = arith.constant 1 : i32
      %parallel_loop3A_421 = arith.index_cast %parallel_loop3A_420 : i32 to index
      %parallel_loop3A_422 = arith.index_cast %parallel_loop3A_270 : i32 to index
      %parallel_loop3A_423 = tpu.vector_load %arg6[%parallel_loop3A_421, %parallel_loop3A_422] {strides = array<i32>} : memref<14x1536xf32, #tpu.memory_space<vmem>>, vector<16xf32>,
      tpu.vector_store %arg6[%parallel_loop3A_421, %parallel_loop3A_422], %parallel_loop3A_337 {strides = array<i32>} : memref<14x1536xf32, #tpu.memory_space<vmem>>, vector<16xf32>,
      %parallel_loop3A_424 = arith.constant 2 : i32
      %parallel_loop3A_425 = arith.index_cast %parallel_loop3A_424 : i32 to index
      %parallel_loop3A_426 = arith.index_cast %parallel_loop3A_270 : i32 to index
      %parallel_loop3A_427 = tpu.vector_load %arg6[%parallel_loop3A_425, %parallel_loop3A_426] {strides = array<i32>} : memref<14x1536xf32, #tpu.memory_space<vmem>>, vector<16xf32>,
      tpu.vector_store %arg6[%parallel_loop3A_425, %parallel_loop3A_426], %parallel_loop3A_404 {strides = array<i32>} : memref<14x1536xf32, #tpu.memory_space<vmem>>, vector<16xf32>,
      %parallel_loop3A_428 = arith.constant 3 : i32
      %parallel_loop3A_429 = arith.index_cast %parallel_loop3A_428 : i32 to index
      %parallel_loop3A_430 = arith.index_cast %parallel_loop3A_270 : i32 to index
      %parallel_loop3A_431 = tpu.vector_load %arg6[%parallel_loop3A_429, %parallel_loop3A_430] {strides = array<i32>} : memref<14x1536xf32, #tpu.memory_space<vmem>>, vector<16xf32>,
      tpu.vector_store %arg6[%parallel_loop3A_429, %parallel_loop3A_430], %parallel_loop3A_405 {strides = array<i32>} : memref<14x1536xf32, #tpu.memory_space<vmem>>, vector<16xf32>,
      %parallel_loop3A_432 = arith.constant 4 : i32
      %parallel_loop3A_433 = arith.index_cast %parallel_loop3A_432 : i32 to index
      %parallel_loop3A_434 = arith.index_cast %parallel_loop3A_270 : i32 to index
      %parallel_loop3A_435 = tpu.vector_load %arg6[%parallel_loop3A_433, %parallel_loop3A_434] {strides = array<i32>} : memref<14x1536xf32, #tpu.memory_space<vmem>>, vector<16xf32>,
      tpu.vector_store %arg6[%parallel_loop3A_433, %parallel_loop3A_434], %parallel_loop3A_406 {strides = array<i32>} : memref<14x1536xf32, #tpu.memory_space<vmem>>, vector<16xf32>,
      %parallel_loop3A_436 = arith.constant 5 : i32
      %parallel_loop3A_437 = arith.index_cast %parallel_loop3A_436 : i32 to index
      %parallel_loop3A_438 = arith.index_cast %parallel_loop3A_270 : i32 to index
      %parallel_loop3A_439 = tpu.vector_load %arg6[%parallel_loop3A_437, %parallel_loop3A_438] {strides = array<i32>} : memref<14x1536xf32, #tpu.memory_space<vmem>>, vector<16xf32>,
      tpu.vector_store %arg6[%parallel_loop3A_437, %parallel_loop3A_438], %parallel_loop3A_407 {strides = array<i32>} : memref<14x1536xf32, #tpu.memory_space<vmem>>, vector<16xf32>,
      %parallel_loop3A_440 = arith.constant 6 : i32
      %parallel_loop3A_441 = arith.index_cast %parallel_loop3A_440 : i32 to index
      %parallel_loop3A_442 = arith.index_cast %parallel_loop3A_270 : i32 to index
      %parallel_loop3A_443 = tpu.vector_load %arg6[%parallel_loop3A_441, %parallel_loop3A_442] {strides = array<i32>} : memref<14x1536xf32, #tpu.memory_space<vmem>>, vector<16xf32>,
      tpu.vector_store %arg6[%parallel_loop3A_441, %parallel_loop3A_442], %parallel_loop3A_408 {strides = array<i32>} : memref<14x1536xf32, #tpu.memory_space<vmem>>, vector<16xf32>,
      %parallel_loop3A_444 = arith.constant 7 : i32
      %parallel_loop3A_445 = arith.index_cast %parallel_loop3A_444 : i32 to index
      %parallel_loop3A_446 = arith.index_cast %parallel_loop3A_270 : i32 to index
      %parallel_loop3A_447 = tpu.vector_load %arg6[%parallel_loop3A_445, %parallel_loop3A_446] {strides = array<i32>} : memref<14x1536xf32, #tpu.memory_space<vmem>>, vector<16xf32>,
      tpu.vector_store %arg6[%parallel_loop3A_445, %parallel_loop3A_446], %parallel_loop3A_409 {strides = array<i32>} : memref<14x1536xf32, #tpu.memory_space<vmem>>, vector<16xf32>,
      %parallel_loop3A_448 = arith.constant 8 : i32
      %parallel_loop3A_449 = arith.index_cast %parallel_loop3A_448 : i32 to index
      %parallel_loop3A_450 = arith.index_cast %parallel_loop3A_270 : i32 to index
      %parallel_loop3A_451 = tpu.vector_load %arg6[%parallel_loop3A_449, %parallel_loop3A_450] {strides = array<i32>} : memref<14x1536xf32, #tpu.memory_space<vmem>>, vector<16xf32>,
      tpu.vector_store %arg6[%parallel_loop3A_449, %parallel_loop3A_450], %parallel_loop3A_410 {strides = array<i32>} : memref<14x1536xf32, #tpu.memory_space<vmem>>, vector<16xf32>,
      %parallel_loop3A_452 = arith.constant 9 : i32
      %parallel_loop3A_453 = arith.index_cast %parallel_loop3A_452 : i32 to index
      %parallel_loop3A_454 = arith.index_cast %parallel_loop3A_270 : i32 to index
      %parallel_loop3A_455 = tpu.vector_load %arg6[%parallel_loop3A_453, %parallel_loop3A_454] {strides = array<i32>} : memref<14x1536xf32, #tpu.memory_space<vmem>>, vector<16xf32>,
      tpu.vector_store %arg6[%parallel_loop3A_453, %parallel_loop3A_454], %parallel_loop3A_411 {strides = array<i32>} : memref<14x1536xf32, #tpu.memory_space<vmem>>, vector<16xf32>,
      %parallel_loop3A_456 = arith.constant 10 : i32
      %parallel_loop3A_457 = arith.index_cast %parallel_loop3A_456 : i32 to index
      %parallel_loop3A_458 = arith.index_cast %parallel_loop3A_270 : i32 to index
      %parallel_loop3A_459 = tpu.vector_load %arg6[%parallel_loop3A_457, %parallel_loop3A_458] {strides = array<i32>} : memref<14x1536xf32, #tpu.memory_space<vmem>>, vector<16xf32>,
      tpu.vector_store %arg6[%parallel_loop3A_457, %parallel_loop3A_458], %parallel_loop3A_412 {strides = array<i32>} : memref<14x1536xf32, #tpu.memory_space<vmem>>, vector<16xf32>,
      %parallel_loop3A_460 = arith.constant 11 : i32
      %parallel_loop3A_461 = arith.index_cast %parallel_loop3A_460 : i32 to index
      %parallel_loop3A_462 = arith.index_cast %parallel_loop3A_270 : i32 to index
      %parallel_loop3A_463 = tpu.vector_load %arg6[%parallel_loop3A_461, %parallel_loop3A_462] {strides = array<i32>} : memref<14x1536xf32, #tpu.memory_space<vmem>>, vector<16xf32>,
      tpu.vector_store %arg6[%parallel_loop3A_461, %parallel_loop3A_462], %parallel_loop3A_413 {strides = array<i32>} : memref<14x1536xf32, #tpu.memory_space<vmem>>, vector<16xf32>,
      %parallel_loop3A_464 = arith.constant 12 : i32
      %parallel_loop3A_465 = arith.index_cast %parallel_loop3A_464 : i32 to index
      %parallel_loop3A_466 = arith.index_cast %parallel_loop3A_270 : i32 to index
      %parallel_loop3A_467 = tpu.vector_load %arg6[%parallel_loop3A_465, %parallel_loop3A_466] {strides = array<i32>} : memref<14x1536xf32, #tpu.memory_space<vmem>>, vector<16xf32>,
      tpu.vector_store %arg6[%parallel_loop3A_465, %parallel_loop3A_466], %parallel_loop3A_414 {strides = array<i32>} : memref<14x1536xf32, #tpu.memory_space<vmem>>, vector<16xf32>,
      %parallel_loop3A_468 = arith.constant 13 : i32
      %parallel_loop3A_469 = arith.index_cast %parallel_loop3A_468 : i32 to index
      %parallel_loop3A_470 = arith.index_cast %parallel_loop3A_270 : i32 to index
      %parallel_loop3A_471 = tpu.vector_load %arg6[%parallel_loop3A_469, %parallel_loop3A_470] {strides = array<i32>} : memref<14x1536xf32, #tpu.memory_space<vmem>>, vector<16xf32>,
      tpu.vector_store %arg6[%parallel_loop3A_469, %parallel_loop3A_470], %parallel_loop3A_415 {strides = array<i32>} : memref<14x1536xf32, #tpu.memory_space<vmem>>, vector<16xf32>,
    } {sc.loop_unroll_factor = 2 : i64, sc.parallel_access}
    %add3A_51 = arith.constant 0 : i32
    %add3A_52 = arith.addi %multiple_of3A, %add3A_51 : i32
    %multiple_of3A_53 = tpu.assume_multiple %add3A_52, 512 : i32
    %dma_start3A_54 = arith.constant 0 : i32
    %dma_start3A_55 = arith.constant 0 : i32
    %dma_start3A_56 = arith.constant 0 : i32
    %dma_start3A_57 = tpu.memref_slice %arg6[%dma_start3A_55, %dma_start3A_56] : memref<14x1536xf32, #tpu.memory_space<vmem>> -> memref<14x512xf32, #tpu.memory_space<vmem>>
    %dma_start3A_58 = arith.constant 0 : i32
    %dma_start3A_59 = tpu.memref_slice %arg3[%dma_start3A_58, %multiple_of3A_53] : memref<14x131072xf32, #tpu.memory_space<hbm>> -> memref<14x512xf32, #tpu.memory_space<hbm>>
    %dma_start3A_60 = tpu.memref_slice %arg9[%dma_start3A_54] : memref<2x!tpu.dma_semaphore, #tpu.memory_space<semaphore_mem>> -> memref<1x!tpu.dma_semaphore, #tpu.memory_space<semaphore_mem>>
    %dma_start3A_61 = tpu.memref_squeeze %dma_start3A_60 : memref<1x!tpu.dma_semaphore, #tpu.memory_space<semaphore_mem>> -> memref<!tpu.dma_semaphore, #tpu.memory_space<semaphore_mem>>
    %dma_start3A_62 = arith.constant 0 : i32
    %dma_start3A_63 = tpu.memref_slice %arg3[%dma_start3A_62, %multiple_of3A_53] : memref<14x131072xf32, #tpu.memory_space<hbm>> -> memref<14x512xf32, #tpu.memory_space<hbm>>
    %dma_start3A_64 = arith.constant 0 : i32
    %dma_start3A_65 = arith.constant 0 : i32
    %dma_start3A_66 = tpu.memref_slice %arg6[%dma_start3A_64, %dma_start3A_65] : memref<14x1536xf32, #tpu.memory_space<vmem>> -> memref<14x512xf32, #tpu.memory_space<vmem>>
    tpu.enqueue_dma source(%dma_start3A_66 : memref<14x512xf32, #tpu.memory_space<vmem>>) target(%dma_start3A_63 : memref<14x512xf32, #tpu.memory_space<hbm>>) target_semaphore(%dma_start3A_61 : memref<!tpu.dma_semaphore, #tpu.memory_space<semaphore_mem>>)
    %add3A_67 = arith.constant 2048 : i32
    %add3A_68 = arith.addi %multiple_of3A, %add3A_67 : i32
    %multiple_of3A_69 = tpu.assume_multiple %add3A_68, 512 : i32
    %dma_start3A_70 = arith.constant 0 : i32
    %dma_start3A_71 = arith.constant 0 : i32
    %dma_start3A_72 = arith.constant 0 : i32
    %dma_start3A_73 = tpu.memref_slice %arg4[%dma_start3A_71, %dma_start3A_72] : memref<14x1536xf32, #tpu.memory_space<vmem>> -> memref<14x1536xf32, #tpu.memory_space<vmem>>
    %dma_start3A_74 = arith.constant 0 : i32
    %dma_start3A_75 = tpu.memref_slice %arg2[%dma_start3A_74, %multiple_of3A_69] : memref<14x131072xf32, #tpu.memory_space<hbm>> -> memref<14x1536xf32, #tpu.memory_space<hbm>>
    %dma_start3A_76 = tpu.memref_slice %arg8[%dma_start3A_70] : memref<2x!tpu.dma_semaphore, #tpu.memory_space<semaphore_mem>> -> memref<1x!tpu.dma_semaphore, #tpu.memory_space<semaphore_mem>>
    %dma_start3A_77 = tpu.memref_squeeze %dma_start3A_76 : memref<1x!tpu.dma_semaphore, #tpu.memory_space<semaphore_mem>> -> memref<!tpu.dma_semaphore, #tpu.memory_space<semaphore_mem>>
    %dma_start3A_78 = arith.constant 0 : i32
    %dma_start3A_79 = arith.constant 0 : i32
    %dma_start3A_80 = tpu.memref_slice %arg4[%dma_start3A_78, %dma_start3A_79] : memref<14x1536xf32, #tpu.memory_space<vmem>> -> memref<14x1536xf32, #tpu.memory_space<vmem>>
    %dma_start3A_81 = arith.constant 0 : i32
    %dma_start3A_82 = tpu.memref_slice %arg2[%dma_start3A_81, %multiple_of3A_69] : memref<14x131072xf32, #tpu.memory_space<hbm>> -> memref<14x1536xf32, #tpu.memory_space<hbm>>
    tpu.enqueue_dma source(%dma_start3A_82 : memref<14x1536xf32, #tpu.memory_space<hbm>>) target(%dma_start3A_80 : memref<14x1536xf32, #tpu.memory_space<vmem>>) target_semaphore(%dma_start3A_77 : memref<!tpu.dma_semaphore, #tpu.memory_space<semaphore_mem>>)
    %add3A_83 = arith.constant 512 : i32
    %add3A_84 = arith.addi %multiple_of3A, %add3A_83 : i32
    %multiple_of3A_85 = tpu.assume_multiple %add3A_84, 512 : i32
    %dma_wait3A_86 = arith.constant 1 : i32
    %dma_wait3A_87 = arith.constant 0 : i32
    %dma_wait3A_88 = arith.constant 0 : i32
    %dma_wait3A_89 = tpu.memref_slice %arg5[%dma_wait3A_87, %dma_wait3A_88] : memref<14x1536xf32, #tpu.memory_space<vmem>> -> memref<14x1536xf32, #tpu.memory_space<vmem>>
    %dma_wait3A_90 = arith.constant 0 : i32
    %dma_wait3A_91 = tpu.memref_slice %arg2[%dma_wait3A_90, %multiple_of3A_85] : memref<14x131072xf32, #tpu.memory_space<hbm>> -> memref<14x1536xf32, #tpu.memory_space<hbm>>
    %dma_wait3A_92 = tpu.memref_slice %arg8[%dma_wait3A_86] : memref<2x!tpu.dma_semaphore, #tpu.memory_space<semaphore_mem>> -> memref<1x!tpu.dma_semaphore, #tpu.memory_space<semaphore_mem>>
    %dma_wait3A_93 = tpu.memref_squeeze %dma_wait3A_92 : memref<1x!tpu.dma_semaphore, #tpu.memory_space<semaphore_mem>> -> memref<!tpu.dma_semaphore, #tpu.memory_space<semaphore_mem>>
    %dma_wait3A_94 = arith.constant 0 : i32
    %dma_wait3A_95 = arith.constant 0 : i32
    %dma_wait3A_96 = tpu.memref_slice %arg5[%dma_wait3A_94, %dma_wait3A_95] : memref<14x1536xf32, #tpu.memory_space<vmem>> -> memref<14x1536xf32, #tpu.memory_space<vmem>>
    %dma_wait3A_97 = arith.constant 0 : i32
    %dma_wait3A_98 = tpu.memref_slice %arg2[%dma_wait3A_97, %multiple_of3A_85] : memref<14x131072xf32, #tpu.memory_space<hbm>> -> memref<14x1536xf32, #tpu.memory_space<hbm>>
    tpu.wait_dma2 semaphore(%dma_wait3A_93 : memref<!tpu.dma_semaphore, #tpu.memory_space<semaphore_mem>>) src(%dma_wait3A_98 : memref<14x1536xf32, #tpu.memory_space<hbm>>) dst(%dma_wait3A_96 : memref<14x1536xf32, #tpu.memory_space<vmem>>)
    %parallel_loop3A_99 = arith.constant 0 : i32
    %parallel_loop3A_100 = arith.constant 96 : i32
    %parallel_loop3A_101 = arith.constant 1 : i32
    scf.for %parallel_loop3A_268 = %parallel_loop3A_99 to %parallel_loop3A_100 step %parallel_loop3A_101  : i32 {
      %parallel_loop3A_269 = arith.constant 16 : i32
      %parallel_loop3A_270 = arith.muli %parallel_loop3A_268, %parallel_loop3A_269 : i32
      %parallel_loop3A_271 = arith.constant 0 : i32
      %parallel_loop3A_272 = arith.index_cast %parallel_loop3A_271 : i32 to index
      %parallel_loop3A_273 = arith.index_cast %parallel_loop3A_270 : i32 to index
      %parallel_loop3A_274 = tpu.vector_load %arg5[%parallel_loop3A_272, %parallel_loop3A_273] {strides = array<i32>} : memref<14x1536xf32, #tpu.memory_space<vmem>>, vector<16xf32>,
      %parallel_loop3A_275 = arith.constant 1 : i32
      %parallel_loop3A_276 = arith.index_cast %parallel_loop3A_275 : i32 to index
      %parallel_loop3A_277 = arith.index_cast %parallel_loop3A_270 : i32 to index
      %parallel_loop3A_278 = tpu.vector_load %arg5[%parallel_loop3A_276, %parallel_loop3A_277] {strides = array<i32>} : memref<14x1536xf32, #tpu.memory_space<vmem>>, vector<16xf32>,
      %parallel_loop3A_279 = arith.constant 2 : i32
      %parallel_loop3A_280 = arith.index_cast %parallel_loop3A_279 : i32 to index
      %parallel_loop3A_281 = arith.index_cast %parallel_loop3A_270 : i32 to index
      %parallel_loop3A_282 = tpu.vector_load %arg5[%parallel_loop3A_280, %parallel_loop3A_281] {strides = array<i32>} : memref<14x1536xf32, #tpu.memory_space<vmem>>, vector<16xf32>,
      %parallel_loop3A_283 = arith.constant 3 : i32
      %parallel_loop3A_284 = arith.index_cast %parallel_loop3A_283 : i32 to index
      %parallel_loop3A_285 = arith.index_cast %parallel_loop3A_270 : i32 to index
      %parallel_loop3A_286 = tpu.vector_load %arg5[%parallel_loop3A_284, %parallel_loop3A_285] {strides = array<i32>} : memref<14x1536xf32, #tpu.memory_space<vmem>>, vector<16xf32>,
      %parallel_loop3A_287 = arith.constant 4 : i32
      %parallel_loop3A_288 = arith.index_cast %parallel_loop3A_287 : i32 to index
      %parallel_loop3A_289 = arith.index_cast %parallel_loop3A_270 : i32 to index
      %parallel_loop3A_290 = tpu.vector_load %arg5[%parallel_loop3A_288, %parallel_loop3A_289] {strides = array<i32>} : memref<14x1536xf32, #tpu.memory_space<vmem>>, vector<16xf32>,
      %parallel_loop3A_291 = arith.constant 5 : i32
      %parallel_loop3A_292 = arith.index_cast %parallel_loop3A_291 : i32 to index
      %parallel_loop3A_293 = arith.index_cast %parallel_loop3A_270 : i32 to index
      %parallel_loop3A_294 = tpu.vector_load %arg5[%parallel_loop3A_292, %parallel_loop3A_293] {strides = array<i32>} : memref<14x1536xf32, #tpu.memory_space<vmem>>, vector<16xf32>,
      %parallel_loop3A_295 = arith.constant 6 : i32
      %parallel_loop3A_296 = arith.index_cast %parallel_loop3A_295 : i32 to index
      %parallel_loop3A_297 = arith.index_cast %parallel_loop3A_270 : i32 to index
      %parallel_loop3A_298 = tpu.vector_load %arg5[%parallel_loop3A_296, %parallel_loop3A_297] {strides = array<i32>} : memref<14x1536xf32, #tpu.memory_space<vmem>>, vector<16xf32>,
      %parallel_loop3A_299 = arith.constant 7 : i32
      %parallel_loop3A_300 = arith.index_cast %parallel_loop3A_299 : i32 to index
      %parallel_loop3A_301 = arith.index_cast %parallel_loop3A_270 : i32 to index
      %parallel_loop3A_302 = tpu.vector_load %arg5[%parallel_loop3A_300, %parallel_loop3A_301] {strides = array<i32>} : memref<14x1536xf32, #tpu.memory_space<vmem>>, vector<16xf32>,
      %parallel_loop3A_303 = arith.constant 8 : i32
      %parallel_loop3A_304 = arith.index_cast %parallel_loop3A_303 : i32 to index
      %parallel_loop3A_305 = arith.index_cast %parallel_loop3A_270 : i32 to index
      %parallel_loop3A_306 = tpu.vector_load %arg5[%parallel_loop3A_304, %parallel_loop3A_305] {strides = array<i32>} : memref<14x1536xf32, #tpu.memory_space<vmem>>, vector<16xf32>,
      %parallel_loop3A_307 = arith.constant 9 : i32
      %parallel_loop3A_308 = arith.index_cast %parallel_loop3A_307 : i32 to index
      %parallel_loop3A_309 = arith.index_cast %parallel_loop3A_270 : i32 to index
      %parallel_loop3A_310 = tpu.vector_load %arg5[%parallel_loop3A_308, %parallel_loop3A_309] {strides = array<i32>} : memref<14x1536xf32, #tpu.memory_space<vmem>>, vector<16xf32>,
      %parallel_loop3A_311 = arith.constant 10 : i32
      %parallel_loop3A_312 = arith.index_cast %parallel_loop3A_311 : i32 to index
      %parallel_loop3A_313 = arith.index_cast %parallel_loop3A_270 : i32 to index
      %parallel_loop3A_314 = tpu.vector_load %arg5[%parallel_loop3A_312, %parallel_loop3A_313] {strides = array<i32>} : memref<14x1536xf32, #tpu.memory_space<vmem>>, vector<16xf32>,
      %parallel_loop3A_315 = arith.constant 11 : i32
      %parallel_loop3A_316 = arith.index_cast %parallel_loop3A_315 : i32 to index
      %parallel_loop3A_317 = arith.index_cast %parallel_loop3A_270 : i32 to index
      %parallel_loop3A_318 = tpu.vector_load %arg5[%parallel_loop3A_316, %parallel_loop3A_317] {strides = array<i32>} : memref<14x1536xf32, #tpu.memory_space<vmem>>, vector<16xf32>,
      %parallel_loop3A_319 = arith.constant 12 : i32
      %parallel_loop3A_320 = arith.index_cast %parallel_loop3A_319 : i32 to index
      %parallel_loop3A_321 = arith.index_cast %parallel_loop3A_270 : i32 to index
      %parallel_loop3A_322 = tpu.vector_load %arg5[%parallel_loop3A_320, %parallel_loop3A_321] {strides = array<i32>} : memref<14x1536xf32, #tpu.memory_space<vmem>>, vector<16xf32>,
      %parallel_loop3A_323 = arith.constant 13 : i32
      %parallel_loop3A_324 = arith.index_cast %parallel_loop3A_323 : i32 to index
      %parallel_loop3A_325 = arith.index_cast %parallel_loop3A_270 : i32 to index
      %parallel_loop3A_326 = tpu.vector_load %arg5[%parallel_loop3A_324, %parallel_loop3A_325] {strides = array<i32>} : memref<14x1536xf32, #tpu.memory_space<vmem>>, vector<16xf32>,
      %parallel_loop3A_327 = arith.subf %parallel_loop3A_278, %parallel_loop3A_274 : vector<16xf32>
      %parallel_loop3A_328 = math.exp %parallel_loop3A_327 : vector<16xf32>
      %parallel_loop3A_329 = arith.constant 1.000000e+00 : f32
      %parallel_loop3A_330 = vector.broadcast %parallel_loop3A_329 : f32 to vector<16xf32>
      %parallel_loop3A_331 = arith.addf %parallel_loop3A_330, %parallel_loop3A_328 : vector<16xf32>
      %parallel_loop3A_332 = arith.constant 1.000000e+00 : f32
      %parallel_loop3A_333 = vector.broadcast %parallel_loop3A_332 : f32 to vector<16xf32>
      %parallel_loop3A_334 = arith.divf %parallel_loop3A_333, %parallel_loop3A_331 : vector<16xf32>
      %parallel_loop3A_335 = arith.constant 1.000000e+00 : f32
      %parallel_loop3A_336 = vector.broadcast %parallel_loop3A_335 : f32 to vector<16xf32>
      %parallel_loop3A_337 = arith.subf %parallel_loop3A_336, %parallel_loop3A_334 : vector<16xf32>
      %parallel_loop3A_338 = arith.subf %parallel_loop3A_286, %parallel_loop3A_282 : vector<16xf32>
      %parallel_loop3A_339 = math.exp %parallel_loop3A_338 : vector<16xf32>
      %parallel_loop3A_340 = arith.constant 1.000000e+00 : f32
      %parallel_loop3A_341 = vector.broadcast %parallel_loop3A_340 : f32 to vector<16xf32>
      %parallel_loop3A_342 = arith.addf %parallel_loop3A_341, %parallel_loop3A_339 : vector<16xf32>
      %parallel_loop3A_343 = arith.constant 1.000000e+00 : f32
      %parallel_loop3A_344 = vector.broadcast %parallel_loop3A_343 : f32 to vector<16xf32>
      %parallel_loop3A_345 = arith.divf %parallel_loop3A_344, %parallel_loop3A_342 : vector<16xf32>
      %parallel_loop3A_346 = arith.constant 1.000000e+00 : f32
      %parallel_loop3A_347 = vector.broadcast %parallel_loop3A_346 : f32 to vector<16xf32>
      %parallel_loop3A_348 = arith.subf %parallel_loop3A_347, %parallel_loop3A_345 : vector<16xf32>
      %parallel_loop3A_349 = arith.subf %parallel_loop3A_294, %parallel_loop3A_290 : vector<16xf32>
      %parallel_loop3A_350 = math.exp %parallel_loop3A_349 : vector<16xf32>
      %parallel_loop3A_351 = arith.constant 1.000000e+00 : f32
      %parallel_loop3A_352 = vector.broadcast %parallel_loop3A_351 : f32 to vector<16xf32>
      %parallel_loop3A_353 = arith.addf %parallel_loop3A_352, %parallel_loop3A_350 : vector<16xf32>
      %parallel_loop3A_354 = arith.constant 1.000000e+00 : f32
      %parallel_loop3A_355 = vector.broadcast %parallel_loop3A_354 : f32 to vector<16xf32>
      %parallel_loop3A_356 = arith.divf %parallel_loop3A_355, %parallel_loop3A_353 : vector<16xf32>
      %parallel_loop3A_357 = arith.constant 1.000000e+00 : f32
      %parallel_loop3A_358 = vector.broadcast %parallel_loop3A_357 : f32 to vector<16xf32>
      %parallel_loop3A_359 = arith.subf %parallel_loop3A_358, %parallel_loop3A_356 : vector<16xf32>
      %parallel_loop3A_360 = arith.subf %parallel_loop3A_302, %parallel_loop3A_298 : vector<16xf32>
      %parallel_loop3A_361 = math.exp %parallel_loop3A_360 : vector<16xf32>
      %parallel_loop3A_362 = arith.constant 1.000000e+00 : f32
      %parallel_loop3A_363 = vector.broadcast %parallel_loop3A_362 : f32 to vector<16xf32>
      %parallel_loop3A_364 = arith.addf %parallel_loop3A_363, %parallel_loop3A_361 : vector<16xf32>
      %parallel_loop3A_365 = arith.constant 1.000000e+00 : f32
      %parallel_loop3A_366 = vector.broadcast %parallel_loop3A_365 : f32 to vector<16xf32>
      %parallel_loop3A_367 = arith.divf %parallel_loop3A_366, %parallel_loop3A_364 : vector<16xf32>
      %parallel_loop3A_368 = arith.constant 1.000000e+00 : f32
      %parallel_loop3A_369 = vector.broadcast %parallel_loop3A_368 : f32 to vector<16xf32>
      %parallel_loop3A_370 = arith.subf %parallel_loop3A_369, %parallel_loop3A_367 : vector<16xf32>
      %parallel_loop3A_371 = arith.subf %parallel_loop3A_310, %parallel_loop3A_306 : vector<16xf32>
      %parallel_loop3A_372 = math.exp %parallel_loop3A_371 : vector<16xf32>
      %parallel_loop3A_373 = arith.constant 1.000000e+00 : f32
      %parallel_loop3A_374 = vector.broadcast %parallel_loop3A_373 : f32 to vector<16xf32>
      %parallel_loop3A_375 = arith.addf %parallel_loop3A_374, %parallel_loop3A_372 : vector<16xf32>
      %parallel_loop3A_376 = arith.constant 1.000000e+00 : f32
      %parallel_loop3A_377 = vector.broadcast %parallel_loop3A_376 : f32 to vector<16xf32>
      %parallel_loop3A_378 = arith.divf %parallel_loop3A_377, %parallel_loop3A_375 : vector<16xf32>
      %parallel_loop3A_379 = arith.constant 1.000000e+00 : f32
      %parallel_loop3A_380 = vector.broadcast %parallel_loop3A_379 : f32 to vector<16xf32>
      %parallel_loop3A_381 = arith.subf %parallel_loop3A_380, %parallel_loop3A_378 : vector<16xf32>
      %parallel_loop3A_382 = arith.subf %parallel_loop3A_318, %parallel_loop3A_314 : vector<16xf32>
      %parallel_loop3A_383 = math.exp %parallel_loop3A_382 : vector<16xf32>
      %parallel_loop3A_384 = arith.constant 1.000000e+00 : f32
      %parallel_loop3A_385 = vector.broadcast %parallel_loop3A_384 : f32 to vector<16xf32>
      %parallel_loop3A_386 = arith.addf %parallel_loop3A_385, %parallel_loop3A_383 : vector<16xf32>
      %parallel_loop3A_387 = arith.constant 1.000000e+00 : f32
      %parallel_loop3A_388 = vector.broadcast %parallel_loop3A_387 : f32 to vector<16xf32>
      %parallel_loop3A_389 = arith.divf %parallel_loop3A_388, %parallel_loop3A_386 : vector<16xf32>
      %parallel_loop3A_390 = arith.constant 1.000000e+00 : f32
      %parallel_loop3A_391 = vector.broadcast %parallel_loop3A_390 : f32 to vector<16xf32>
      %parallel_loop3A_392 = arith.subf %parallel_loop3A_391, %parallel_loop3A_389 : vector<16xf32>
      %parallel_loop3A_393 = arith.subf %parallel_loop3A_326, %parallel_loop3A_322 : vector<16xf32>
      %parallel_loop3A_394 = math.exp %parallel_loop3A_393 : vector<16xf32>
      %parallel_loop3A_395 = arith.constant 1.000000e+00 : f32
      %parallel_loop3A_396 = vector.broadcast %parallel_loop3A_395 : f32 to vector<16xf32>
      %parallel_loop3A_397 = arith.addf %parallel_loop3A_396, %parallel_loop3A_394 : vector<16xf32>
      %parallel_loop3A_398 = arith.constant 1.000000e+00 : f32
      %parallel_loop3A_399 = vector.broadcast %parallel_loop3A_398 : f32 to vector<16xf32>
      %parallel_loop3A_400 = arith.divf %parallel_loop3A_399, %parallel_loop3A_397 : vector<16xf32>
      %parallel_loop3A_401 = arith.constant 1.000000e+00 : f32
      %parallel_loop3A_402 = vector.broadcast %parallel_loop3A_401 : f32 to vector<16xf32>
      %parallel_loop3A_403 = arith.subf %parallel_loop3A_402, %parallel_loop3A_400 : vector<16xf32>
      %parallel_loop3A_404 = arith.mulf %parallel_loop3A_345, %parallel_loop3A_334 : vector<16xf32>
      %parallel_loop3A_405 = arith.mulf %parallel_loop3A_348, %parallel_loop3A_334 : vector<16xf32>
      %parallel_loop3A_406 = arith.mulf %parallel_loop3A_356, %parallel_loop3A_337 : vector<16xf32>
      %parallel_loop3A_407 = arith.mulf %parallel_loop3A_359, %parallel_loop3A_337 : vector<16xf32>
      %parallel_loop3A_408 = arith.mulf %parallel_loop3A_367, %parallel_loop3A_404 : vector<16xf32>
      %parallel_loop3A_409 = arith.mulf %parallel_loop3A_370, %parallel_loop3A_404 : vector<16xf32>
      %parallel_loop3A_410 = arith.mulf %parallel_loop3A_378, %parallel_loop3A_405 : vector<16xf32>
      %parallel_loop3A_411 = arith.mulf %parallel_loop3A_381, %parallel_loop3A_405 : vector<16xf32>
      %parallel_loop3A_412 = arith.mulf %parallel_loop3A_389, %parallel_loop3A_406 : vector<16xf32>
      %parallel_loop3A_413 = arith.mulf %parallel_loop3A_392, %parallel_loop3A_406 : vector<16xf32>
      %parallel_loop3A_414 = arith.mulf %parallel_loop3A_400, %parallel_loop3A_407 : vector<16xf32>
      %parallel_loop3A_415 = arith.mulf %parallel_loop3A_403, %parallel_loop3A_407 : vector<16xf32>
      %parallel_loop3A_416 = arith.constant 0 : i32
      %parallel_loop3A_417 = arith.index_cast %parallel_loop3A_416 : i32 to index
      %parallel_loop3A_418 = arith.index_cast %parallel_loop3A_270 : i32 to index
      %parallel_loop3A_419 = tpu.vector_load %arg7[%parallel_loop3A_417, %parallel_loop3A_418] {strides = array<i32>} : memref<14x1536xf32, #tpu.memory_space<vmem>>, vector<16xf32>,
      tpu.vector_store %arg7[%parallel_loop3A_417, %parallel_loop3A_418], %parallel_loop3A_334 {strides = array<i32>} : memref<14x1536xf32, #tpu.memory_space<vmem>>, vector<16xf32>,
      %parallel_loop3A_420 = arith.constant 1 : i32
      %parallel_loop3A_421 = arith.index_cast %parallel_loop3A_420 : i32 to index
      %parallel_loop3A_422 = arith.index_cast %parallel_loop3A_270 : i32 to index
      %parallel_loop3A_423 = tpu.vector_load %arg7[%parallel_loop3A_421, %parallel_loop3A_422] {strides = array<i32>} : memref<14x1536xf32, #tpu.memory_space<vmem>>, vector<16xf32>,
      tpu.vector_store %arg7[%parallel_loop3A_421, %parallel_loop3A_422], %parallel_loop3A_337 {strides = array<i32>} : memref<14x1536xf32, #tpu.memory_space<vmem>>, vector<16xf32>,
      %parallel_loop3A_424 = arith.constant 2 : i32
      %parallel_loop3A_425 = arith.index_cast %parallel_loop3A_424 : i32 to index
      %parallel_loop3A_426 = arith.index_cast %parallel_loop3A_270 : i32 to index
      %parallel_loop3A_427 = tpu.vector_load %arg7[%parallel_loop3A_425, %parallel_loop3A_426] {strides = array<i32>} : memref<14x1536xf32, #tpu.memory_space<vmem>>, vector<16xf32>,
      tpu.vector_store %arg7[%parallel_loop3A_425, %parallel_loop3A_426], %parallel_loop3A_404 {strides = array<i32>} : memref<14x1536xf32, #tpu.memory_space<vmem>>, vector<16xf32>,
      %parallel_loop3A_428 = arith.constant 3 : i32
      %parallel_loop3A_429 = arith.index_cast %parallel_loop3A_428 : i32 to index
      %parallel_loop3A_430 = arith.index_cast %parallel_loop3A_270 : i32 to index
      %parallel_loop3A_431 = tpu.vector_load %arg7[%parallel_loop3A_429, %parallel_loop3A_430] {strides = array<i32>} : memref<14x1536xf32, #tpu.memory_space<vmem>>, vector<16xf32>,
      tpu.vector_store %arg7[%parallel_loop3A_429, %parallel_loop3A_430], %parallel_loop3A_405 {strides = array<i32>} : memref<14x1536xf32, #tpu.memory_space<vmem>>, vector<16xf32>,
      %parallel_loop3A_432 = arith.constant 4 : i32
      %parallel_loop3A_433 = arith.index_cast %parallel_loop3A_432 : i32 to index
      %parallel_loop3A_434 = arith.index_cast %parallel_loop3A_270 : i32 to index
      %parallel_loop3A_435 = tpu.vector_load %arg7[%parallel_loop3A_433, %parallel_loop3A_434] {strides = array<i32>} : memref<14x1536xf32, #tpu.memory_space<vmem>>, vector<16xf32>,
      tpu.vector_store %arg7[%parallel_loop3A_433, %parallel_loop3A_434], %parallel_loop3A_406 {strides = array<i32>} : memref<14x1536xf32, #tpu.memory_space<vmem>>, vector<16xf32>,
      %parallel_loop3A_436 = arith.constant 5 : i32
      %parallel_loop3A_437 = arith.index_cast %parallel_loop3A_436 : i32 to index
      %parallel_loop3A_438 = arith.index_cast %parallel_loop3A_270 : i32 to index
      %parallel_loop3A_439 = tpu.vector_load %arg7[%parallel_loop3A_437, %parallel_loop3A_438] {strides = array<i32>} : memref<14x1536xf32, #tpu.memory_space<vmem>>, vector<16xf32>,
      tpu.vector_store %arg7[%parallel_loop3A_437, %parallel_loop3A_438], %parallel_loop3A_407 {strides = array<i32>} : memref<14x1536xf32, #tpu.memory_space<vmem>>, vector<16xf32>,
      %parallel_loop3A_440 = arith.constant 6 : i32
      %parallel_loop3A_441 = arith.index_cast %parallel_loop3A_440 : i32 to index
      %parallel_loop3A_442 = arith.index_cast %parallel_loop3A_270 : i32 to index
      %parallel_loop3A_443 = tpu.vector_load %arg7[%parallel_loop3A_441, %parallel_loop3A_442] {strides = array<i32>} : memref<14x1536xf32, #tpu.memory_space<vmem>>, vector<16xf32>,
      tpu.vector_store %arg7[%parallel_loop3A_441, %parallel_loop3A_442], %parallel_loop3A_408 {strides = array<i32>} : memref<14x1536xf32, #tpu.memory_space<vmem>>, vector<16xf32>,
      %parallel_loop3A_444 = arith.constant 7 : i32
      %parallel_loop3A_445 = arith.index_cast %parallel_loop3A_444 : i32 to index
      %parallel_loop3A_446 = arith.index_cast %parallel_loop3A_270 : i32 to index
      %parallel_loop3A_447 = tpu.vector_load %arg7[%parallel_loop3A_445, %parallel_loop3A_446] {strides = array<i32>} : memref<14x1536xf32, #tpu.memory_space<vmem>>, vector<16xf32>,
      tpu.vector_store %arg7[%parallel_loop3A_445, %parallel_loop3A_446], %parallel_loop3A_409 {strides = array<i32>} : memref<14x1536xf32, #tpu.memory_space<vmem>>, vector<16xf32>,
      %parallel_loop3A_448 = arith.constant 8 : i32
      %parallel_loop3A_449 = arith.index_cast %parallel_loop3A_448 : i32 to index
      %parallel_loop3A_450 = arith.index_cast %parallel_loop3A_270 : i32 to index
      %parallel_loop3A_451 = tpu.vector_load %arg7[%parallel_loop3A_449, %parallel_loop3A_450] {strides = array<i32>} : memref<14x1536xf32, #tpu.memory_space<vmem>>, vector<16xf32>,
      tpu.vector_store %arg7[%parallel_loop3A_449, %parallel_loop3A_450], %parallel_loop3A_410 {strides = array<i32>} : memref<14x1536xf32, #tpu.memory_space<vmem>>, vector<16xf32>,
      %parallel_loop3A_452 = arith.constant 9 : i32
      %parallel_loop3A_453 = arith.index_cast %parallel_loop3A_452 : i32 to index
      %parallel_loop3A_454 = arith.index_cast %parallel_loop3A_270 : i32 to index
      %parallel_loop3A_455 = tpu.vector_load %arg7[%parallel_loop3A_453, %parallel_loop3A_454] {strides = array<i32>} : memref<14x1536xf32, #tpu.memory_space<vmem>>, vector<16xf32>,
      tpu.vector_store %arg7[%parallel_loop3A_453, %parallel_loop3A_454], %parallel_loop3A_411 {strides = array<i32>} : memref<14x1536xf32, #tpu.memory_space<vmem>>, vector<16xf32>,
      %parallel_loop3A_456 = arith.constant 10 : i32
      %parallel_loop3A_457 = arith.index_cast %parallel_loop3A_456 : i32 to index
      %parallel_loop3A_458 = arith.index_cast %parallel_loop3A_270 : i32 to index
      %parallel_loop3A_459 = tpu.vector_load %arg7[%parallel_loop3A_457, %parallel_loop3A_458] {strides = array<i32>} : memref<14x1536xf32, #tpu.memory_space<vmem>>, vector<16xf32>,
      tpu.vector_store %arg7[%parallel_loop3A_457, %parallel_loop3A_458], %parallel_loop3A_412 {strides = array<i32>} : memref<14x1536xf32, #tpu.memory_space<vmem>>, vector<16xf32>,
      %parallel_loop3A_460 = arith.constant 11 : i32
      %parallel_loop3A_461 = arith.index_cast %parallel_loop3A_460 : i32 to index
      %parallel_loop3A_462 = arith.index_cast %parallel_loop3A_270 : i32 to index
      %parallel_loop3A_463 = tpu.vector_load %arg7[%parallel_loop3A_461, %parallel_loop3A_462] {strides = array<i32>} : memref<14x1536xf32, #tpu.memory_space<vmem>>, vector<16xf32>,
      tpu.vector_store %arg7[%parallel_loop3A_461, %parallel_loop3A_462], %parallel_loop3A_413 {strides = array<i32>} : memref<14x1536xf32, #tpu.memory_space<vmem>>, vector<16xf32>,
      %parallel_loop3A_464 = arith.constant 12 : i32
      %parallel_loop3A_465 = arith.index_cast %parallel_loop3A_464 : i32 to index
      %parallel_loop3A_466 = arith.index_cast %parallel_loop3A_270 : i32 to index
      %parallel_loop3A_467 = tpu.vector_load %arg7[%parallel_loop3A_465, %parallel_loop3A_466] {strides = array<i32>} : memref<14x1536xf32, #tpu.memory_space<vmem>>, vector<16xf32>,
      tpu.vector_store %arg7[%parallel_loop3A_465, %parallel_loop3A_466], %parallel_loop3A_414 {strides = array<i32>} : memref<14x1536xf32, #tpu.memory_space<vmem>>, vector<16xf32>,
      %parallel_loop3A_468 = arith.constant 13 : i32
      %parallel_loop3A_469 = arith.index_cast %parallel_loop3A_468 : i32 to index
      %parallel_loop3A_470 = arith.index_cast %parallel_loop3A_270 : i32 to index
      %parallel_loop3A_471 = tpu.vector_load %arg7[%parallel_loop3A_469, %parallel_loop3A_470] {strides = array<i32>} : memref<14x1536xf32, #tpu.memory_space<vmem>>, vector<16xf32>,
      tpu.vector_store %arg7[%parallel_loop3A_469, %parallel_loop3A_470], %parallel_loop3A_415 {strides = array<i32>} : memref<14x1536xf32, #tpu.memory_space<vmem>>, vector<16xf32>,
    } {sc.loop_unroll_factor = 2 : i64, sc.parallel_access}
    %add3A_102 = arith.constant 512 : i32
    %add3A_103 = arith.addi %multiple_of3A, %add3A_102 : i32
    %multiple_of3A_104 = tpu.assume_multiple %add3A_103, 512 : i32
    %dma_start3A_105 = arith.constant 1 : i32
    %dma_start3A_106 = arith.constant 0 : i32
    %dma_start3A_107 = arith.constant 0 : i32
    %dma_start3A_108 = tpu.memref_slice %arg7[%dma_start3A_106, %dma_start3A_107] : memref<14x1536xf32, #tpu.memory_space<vmem>> -> memref<14x1536xf32, #tpu.memory_space<vmem>>
    %dma_start3A_109 = arith.constant 0 : i32
    %dma_start3A_110 = tpu.memref_slice %arg3[%dma_start3A_109, %multiple_of3A_104] : memref<14x131072xf32, #tpu.memory_space<hbm>> -> memref<14x1536xf32, #tpu.memory_space<hbm>>
    %dma_start3A_111 = tpu.memref_slice %arg9[%dma_start3A_105] : memref<2x!tpu.dma_semaphore, #tpu.memory_space<semaphore_mem>> -> memref<1x!tpu.dma_semaphore, #tpu.memory_space<semaphore_mem>>
    %dma_start3A_112 = tpu.memref_squeeze %dma_start3A_111 : memref<1x!tpu.dma_semaphore, #tpu.memory_space<semaphore_mem>> -> memref<!tpu.dma_semaphore, #tpu.memory_space<semaphore_mem>>
    %dma_start3A_113 = arith.constant 0 : i32
    %dma_start3A_114 = tpu.memref_slice %arg3[%dma_start3A_113, %multiple_of3A_104] : memref<14x131072xf32, #tpu.memory_space<hbm>> -> memref<14x1536xf32, #tpu.memory_space<hbm>>
    %dma_start3A_115 = arith.constant 0 : i32
    %dma_start3A_116 = arith.constant 0 : i32
    %dma_start3A_117 = tpu.memref_slice %arg7[%dma_start3A_115, %dma_start3A_116] : memref<14x1536xf32, #tpu.memory_space<vmem>> -> memref<14x1536xf32, #tpu.memory_space<vmem>>
    tpu.enqueue_dma source(%dma_start3A_117 : memref<14x1536xf32, #tpu.memory_space<vmem>>) target(%dma_start3A_114 : memref<14x1536xf32, #tpu.memory_space<hbm>>) target_semaphore(%dma_start3A_112 : memref<!tpu.dma_semaphore, #tpu.memory_space<semaphore_mem>>)
    %add3A_118 = arith.constant 3584 : i32
    %add3A_119 = arith.addi %multiple_of3A, %add3A_118 : i32
    %multiple_of3A_120 = tpu.assume_multiple %add3A_119, 512 : i32
    %dma_start3A_121 = arith.constant 1 : i32
    %dma_start3A_122 = arith.constant 0 : i32
    %dma_start3A_123 = arith.constant 0 : i32
    %dma_start3A_124 = tpu.memref_slice %arg5[%dma_start3A_122, %dma_start3A_123] : memref<14x1536xf32, #tpu.memory_space<vmem>> -> memref<14x512xf32, #tpu.memory_space<vmem>>
    %dma_start3A_125 = arith.constant 0 : i32
    %dma_start3A_126 = tpu.memref_slice %arg2[%dma_start3A_125, %multiple_of3A_120] : memref<14x131072xf32, #tpu.memory_space<hbm>> -> memref<14x512xf32, #tpu.memory_space<hbm>>
    %dma_start3A_127 = tpu.memref_slice %arg8[%dma_start3A_121] : memref<2x!tpu.dma_semaphore, #tpu.memory_space<semaphore_mem>> -> memref<1x!tpu.dma_semaphore, #tpu.memory_space<semaphore_mem>>
    %dma_start3A_128 = tpu.memref_squeeze %dma_start3A_127 : memref<1x!tpu.dma_semaphore, #tpu.memory_space<semaphore_mem>> -> memref<!tpu.dma_semaphore, #tpu.memory_space<semaphore_mem>>
    %dma_start3A_129 = arith.constant 0 : i32
    %dma_start3A_130 = arith.constant 0 : i32
    %dma_start3A_131 = tpu.memref_slice %arg5[%dma_start3A_129, %dma_start3A_130] : memref<14x1536xf32, #tpu.memory_space<vmem>> -> memref<14x512xf32, #tpu.memory_space<vmem>>
    %dma_start3A_132 = arith.constant 0 : i32
    %dma_start3A_133 = tpu.memref_slice %arg2[%dma_start3A_132, %multiple_of3A_120] : memref<14x131072xf32, #tpu.memory_space<hbm>> -> memref<14x512xf32, #tpu.memory_space<hbm>>
    tpu.enqueue_dma source(%dma_start3A_133 : memref<14x512xf32, #tpu.memory_space<hbm>>) target(%dma_start3A_131 : memref<14x512xf32, #tpu.memory_space<vmem>>) target_semaphore(%dma_start3A_128 : memref<!tpu.dma_semaphore, #tpu.memory_space<semaphore_mem>>)
    %add3A_134 = arith.constant 2048 : i32
    %add3A_135 = arith.addi %multiple_of3A, %add3A_134 : i32
    %multiple_of3A_136 = tpu.assume_multiple %add3A_135, 512 : i32
    %dma_wait3A_137 = arith.constant 0 : i32
    %dma_wait3A_138 = arith.constant 0 : i32
    %dma_wait3A_139 = arith.constant 0 : i32
    %dma_wait3A_140 = tpu.memref_slice %arg4[%dma_wait3A_138, %dma_wait3A_139] : memref<14x1536xf32, #tpu.memory_space<vmem>> -> memref<14x1536xf32, #tpu.memory_space<vmem>>
    %dma_wait3A_141 = arith.constant 0 : i32
    %dma_wait3A_142 = tpu.memref_slice %arg2[%dma_wait3A_141, %multiple_of3A_136] : memref<14x131072xf32, #tpu.memory_space<hbm>> -> memref<14x1536xf32, #tpu.memory_space<hbm>>
    %dma_wait3A_143 = tpu.memref_slice %arg8[%dma_wait3A_137] : memref<2x!tpu.dma_semaphore, #tpu.memory_space<semaphore_mem>> -> memref<1x!tpu.dma_semaphore, #tpu.memory_space<semaphore_mem>>
    %dma_wait3A_144 = tpu.memref_squeeze %dma_wait3A_143 : memref<1x!tpu.dma_semaphore, #tpu.memory_space<semaphore_mem>> -> memref<!tpu.dma_semaphore, #tpu.memory_space<semaphore_mem>>
    %dma_wait3A_145 = arith.constant 0 : i32
    %dma_wait3A_146 = arith.constant 0 : i32
    %dma_wait3A_147 = tpu.memref_slice %arg4[%dma_wait3A_145, %dma_wait3A_146] : memref<14x1536xf32, #tpu.memory_space<vmem>> -> memref<14x1536xf32, #tpu.memory_space<vmem>>
    %dma_wait3A_148 = arith.constant 0 : i32
    %dma_wait3A_149 = tpu.memref_slice %arg2[%dma_wait3A_148, %multiple_of3A_136] : memref<14x131072xf32, #tpu.memory_space<hbm>> -> memref<14x1536xf32, #tpu.memory_space<hbm>>
    tpu.wait_dma2 semaphore(%dma_wait3A_144 : memref<!tpu.dma_semaphore, #tpu.memory_space<semaphore_mem>>) src(%dma_wait3A_149 : memref<14x1536xf32, #tpu.memory_space<hbm>>) dst(%dma_wait3A_147 : memref<14x1536xf32, #tpu.memory_space<vmem>>)
    %add3A_150 = arith.constant 0 : i32
    %add3A_151 = arith.addi %multiple_of3A, %add3A_150 : i32
    %multiple_of3A_152 = tpu.assume_multiple %add3A_151, 512 : i32
    %dma_wait3A_153 = arith.constant 0 : i32
    %dma_wait3A_154 = arith.constant 0 : i32
    %dma_wait3A_155 = arith.constant 0 : i32
    %dma_wait3A_156 = tpu.memref_slice %arg6[%dma_wait3A_154, %dma_wait3A_155] : memref<14x1536xf32, #tpu.memory_space<vmem>> -> memref<14x512xf32, #tpu.memory_space<vmem>>
    %dma_wait3A_157 = arith.constant 0 : i32
    %dma_wait3A_158 = tpu.memref_slice %arg3[%dma_wait3A_157, %multiple_of3A_152] : memref<14x131072xf32, #tpu.memory_space<hbm>> -> memref<14x512xf32, #tpu.memory_space<hbm>>
    %dma_wait3A_159 = tpu.memref_slice %arg9[%dma_wait3A_153] : memref<2x!tpu.dma_semaphore, #tpu.memory_space<semaphore_mem>> -> memref<1x!tpu.dma_semaphore, #tpu.memory_space<semaphore_mem>>
    %dma_wait3A_160 = tpu.memref_squeeze %dma_wait3A_159 : memref<1x!tpu.dma_semaphore, #tpu.memory_space<semaphore_mem>> -> memref<!tpu.dma_semaphore, #tpu.memory_space<semaphore_mem>>
    %dma_wait3A_161 = arith.constant 0 : i32
    %dma_wait3A_162 = tpu.memref_slice %arg3[%dma_wait3A_161, %multiple_of3A_152] : memref<14x131072xf32, #tpu.memory_space<hbm>> -> memref<14x512xf32, #tpu.memory_space<hbm>>
    %dma_wait3A_163 = arith.constant 0 : i32
    %dma_wait3A_164 = arith.constant 0 : i32
    %dma_wait3A_165 = tpu.memref_slice %arg6[%dma_wait3A_163, %dma_wait3A_164] : memref<14x1536xf32, #tpu.memory_space<vmem>> -> memref<14x512xf32, #tpu.memory_space<vmem>>
    tpu.wait_dma2 semaphore(%dma_wait3A_160 : memref<!tpu.dma_semaphore, #tpu.memory_space<semaphore_mem>>) src(%dma_wait3A_165 : memref<14x512xf32, #tpu.memory_space<vmem>>) dst(%dma_wait3A_162 : memref<14x512xf32, #tpu.memory_space<hbm>>)
    %parallel_loop3A_166 = arith.constant 0 : i32
    %parallel_loop3A_167 = arith.constant 96 : i32
    %parallel_loop3A_168 = arith.constant 1 : i32
    scf.for %parallel_loop3A_268 = %parallel_loop3A_166 to %parallel_loop3A_167 step %parallel_loop3A_168  : i32 {
      %parallel_loop3A_269 = arith.constant 16 : i32
      %parallel_loop3A_270 = arith.muli %parallel_loop3A_268, %parallel_loop3A_269 : i32
      %parallel_loop3A_271 = arith.constant 0 : i32
      %parallel_loop3A_272 = arith.index_cast %parallel_loop3A_271 : i32 to index
      %parallel_loop3A_273 = arith.index_cast %parallel_loop3A_270 : i32 to index
      %parallel_loop3A_274 = tpu.vector_load %arg4[%parallel_loop3A_272, %parallel_loop3A_273] {strides = array<i32>} : memref<14x1536xf32, #tpu.memory_space<vmem>>, vector<16xf32>,
      %parallel_loop3A_275 = arith.constant 1 : i32
      %parallel_loop3A_276 = arith.index_cast %parallel_loop3A_275 : i32 to index
      %parallel_loop3A_277 = arith.index_cast %parallel_loop3A_270 : i32 to index
      %parallel_loop3A_278 = tpu.vector_load %arg4[%parallel_loop3A_276, %parallel_loop3A_277] {strides = array<i32>} : memref<14x1536xf32, #tpu.memory_space<vmem>>, vector<16xf32>,
      %parallel_loop3A_279 = arith.constant 2 : i32
      %parallel_loop3A_280 = arith.index_cast %parallel_loop3A_279 : i32 to index
      %parallel_loop3A_281 = arith.index_cast %parallel_loop3A_270 : i32 to index
      %parallel_loop3A_282 = tpu.vector_load %arg4[%parallel_loop3A_280, %parallel_loop3A_281] {strides = array<i32>} : memref<14x1536xf32, #tpu.memory_space<vmem>>, vector<16xf32>,
      %parallel_loop3A_283 = arith.constant 3 : i32
      %parallel_loop3A_284 = arith.index_cast %parallel_loop3A_283 : i32 to index
      %parallel_loop3A_285 = arith.index_cast %parallel_loop3A_270 : i32 to index
      %parallel_loop3A_286 = tpu.vector_load %arg4[%parallel_loop3A_284, %parallel_loop3A_285] {strides = array<i32>} : memref<14x1536xf32, #tpu.memory_space<vmem>>, vector<16xf32>,
      %parallel_loop3A_287 = arith.constant 4 : i32
      %parallel_loop3A_288 = arith.index_cast %parallel_loop3A_287 : i32 to index
      %parallel_loop3A_289 = arith.index_cast %parallel_loop3A_270 : i32 to index
      %parallel_loop3A_290 = tpu.vector_load %arg4[%parallel_loop3A_288, %parallel_loop3A_289] {strides = array<i32>} : memref<14x1536xf32, #tpu.memory_space<vmem>>, vector<16xf32>,
      %parallel_loop3A_291 = arith.constant 5 : i32
      %parallel_loop3A_292 = arith.index_cast %parallel_loop3A_291 : i32 to index
      %parallel_loop3A_293 = arith.index_cast %parallel_loop3A_270 : i32 to index
      %parallel_loop3A_294 = tpu.vector_load %arg4[%parallel_loop3A_292, %parallel_loop3A_293] {strides = array<i32>} : memref<14x1536xf32, #tpu.memory_space<vmem>>, vector<16xf32>,
      %parallel_loop3A_295 = arith.constant 6 : i32
      %parallel_loop3A_296 = arith.index_cast %parallel_loop3A_295 : i32 to index
      %parallel_loop3A_297 = arith.index_cast %parallel_loop3A_270 : i32 to index
      %parallel_loop3A_298 = tpu.vector_load %arg4[%parallel_loop3A_296, %parallel_loop3A_297] {strides = array<i32>} : memref<14x1536xf32, #tpu.memory_space<vmem>>, vector<16xf32>,
      %parallel_loop3A_299 = arith.constant 7 : i32
      %parallel_loop3A_300 = arith.index_cast %parallel_loop3A_299 : i32 to index
      %parallel_loop3A_301 = arith.index_cast %parallel_loop3A_270 : i32 to index
      %parallel_loop3A_302 = tpu.vector_load %arg4[%parallel_loop3A_300, %parallel_loop3A_301] {strides = array<i32>} : memref<14x1536xf32, #tpu.memory_space<vmem>>, vector<16xf32>,
      %parallel_loop3A_303 = arith.constant 8 : i32
      %parallel_loop3A_304 = arith.index_cast %parallel_loop3A_303 : i32 to index
      %parallel_loop3A_305 = arith.index_cast %parallel_loop3A_270 : i32 to index
      %parallel_loop3A_306 = tpu.vector_load %arg4[%parallel_loop3A_304, %parallel_loop3A_305] {strides = array<i32>} : memref<14x1536xf32, #tpu.memory_space<vmem>>, vector<16xf32>,
      %parallel_loop3A_307 = arith.constant 9 : i32
      %parallel_loop3A_308 = arith.index_cast %parallel_loop3A_307 : i32 to index
      %parallel_loop3A_309 = arith.index_cast %parallel_loop3A_270 : i32 to index
      %parallel_loop3A_310 = tpu.vector_load %arg4[%parallel_loop3A_308, %parallel_loop3A_309] {strides = array<i32>} : memref<14x1536xf32, #tpu.memory_space<vmem>>, vector<16xf32>,
      %parallel_loop3A_311 = arith.constant 10 : i32
      %parallel_loop3A_312 = arith.index_cast %parallel_loop3A_311 : i32 to index
      %parallel_loop3A_313 = arith.index_cast %parallel_loop3A_270 : i32 to index
      %parallel_loop3A_314 = tpu.vector_load %arg4[%parallel_loop3A_312, %parallel_loop3A_313] {strides = array<i32>} : memref<14x1536xf32, #tpu.memory_space<vmem>>, vector<16xf32>,
      %parallel_loop3A_315 = arith.constant 11 : i32
      %parallel_loop3A_316 = arith.index_cast %parallel_loop3A_315 : i32 to index
      %parallel_loop3A_317 = arith.index_cast %parallel_loop3A_270 : i32 to index
      %parallel_loop3A_318 = tpu.vector_load %arg4[%parallel_loop3A_316, %parallel_loop3A_317] {strides = array<i32>} : memref<14x1536xf32, #tpu.memory_space<vmem>>, vector<16xf32>,
      %parallel_loop3A_319 = arith.constant 12 : i32
      %parallel_loop3A_320 = arith.index_cast %parallel_loop3A_319 : i32 to index
      %parallel_loop3A_321 = arith.index_cast %parallel_loop3A_270 : i32 to index
      %parallel_loop3A_322 = tpu.vector_load %arg4[%parallel_loop3A_320, %parallel_loop3A_321] {strides = array<i32>} : memref<14x1536xf32, #tpu.memory_space<vmem>>, vector<16xf32>,
      %parallel_loop3A_323 = arith.constant 13 : i32
      %parallel_loop3A_324 = arith.index_cast %parallel_loop3A_323 : i32 to index
      %parallel_loop3A_325 = arith.index_cast %parallel_loop3A_270 : i32 to index
      %parallel_loop3A_326 = tpu.vector_load %arg4[%parallel_loop3A_324, %parallel_loop3A_325] {strides = array<i32>} : memref<14x1536xf32, #tpu.memory_space<vmem>>, vector<16xf32>,
      %parallel_loop3A_327 = arith.subf %parallel_loop3A_278, %parallel_loop3A_274 : vector<16xf32>
      %parallel_loop3A_328 = math.exp %parallel_loop3A_327 : vector<16xf32>
      %parallel_loop3A_329 = arith.constant 1.000000e+00 : f32
      %parallel_loop3A_330 = vector.broadcast %parallel_loop3A_329 : f32 to vector<16xf32>
      %parallel_loop3A_331 = arith.addf %parallel_loop3A_330, %parallel_loop3A_328 : vector<16xf32>
      %parallel_loop3A_332 = arith.constant 1.000000e+00 : f32
      %parallel_loop3A_333 = vector.broadcast %parallel_loop3A_332 : f32 to vector<16xf32>
      %parallel_loop3A_334 = arith.divf %parallel_loop3A_333, %parallel_loop3A_331 : vector<16xf32>
      %parallel_loop3A_335 = arith.constant 1.000000e+00 : f32
      %parallel_loop3A_336 = vector.broadcast %parallel_loop3A_335 : f32 to vector<16xf32>
      %parallel_loop3A_337 = arith.subf %parallel_loop3A_336, %parallel_loop3A_334 : vector<16xf32>
      %parallel_loop3A_338 = arith.subf %parallel_loop3A_286, %parallel_loop3A_282 : vector<16xf32>
      %parallel_loop3A_339 = math.exp %parallel_loop3A_338 : vector<16xf32>
      %parallel_loop3A_340 = arith.constant 1.000000e+00 : f32
      %parallel_loop3A_341 = vector.broadcast %parallel_loop3A_340 : f32 to vector<16xf32>
      %parallel_loop3A_342 = arith.addf %parallel_loop3A_341, %parallel_loop3A_339 : vector<16xf32>
      %parallel_loop3A_343 = arith.constant 1.000000e+00 : f32
      %parallel_loop3A_344 = vector.broadcast %parallel_loop3A_343 : f32 to vector<16xf32>
      %parallel_loop3A_345 = arith.divf %parallel_loop3A_344, %parallel_loop3A_342 : vector<16xf32>
      %parallel_loop3A_346 = arith.constant 1.000000e+00 : f32
      %parallel_loop3A_347 = vector.broadcast %parallel_loop3A_346 : f32 to vector<16xf32>
      %parallel_loop3A_348 = arith.subf %parallel_loop3A_347, %parallel_loop3A_345 : vector<16xf32>
      %parallel_loop3A_349 = arith.subf %parallel_loop3A_294, %parallel_loop3A_290 : vector<16xf32>
      %parallel_loop3A_350 = math.exp %parallel_loop3A_349 : vector<16xf32>
      %parallel_loop3A_351 = arith.constant 1.000000e+00 : f32
      %parallel_loop3A_352 = vector.broadcast %parallel_loop3A_351 : f32 to vector<16xf32>
      %parallel_loop3A_353 = arith.addf %parallel_loop3A_352, %parallel_loop3A_350 : vector<16xf32>
      %parallel_loop3A_354 = arith.constant 1.000000e+00 : f32
      %parallel_loop3A_355 = vector.broadcast %parallel_loop3A_354 : f32 to vector<16xf32>
      %parallel_loop3A_356 = arith.divf %parallel_loop3A_355, %parallel_loop3A_353 : vector<16xf32>
      %parallel_loop3A_357 = arith.constant 1.000000e+00 : f32
      %parallel_loop3A_358 = vector.broadcast %parallel_loop3A_357 : f32 to vector<16xf32>
      %parallel_loop3A_359 = arith.subf %parallel_loop3A_358, %parallel_loop3A_356 : vector<16xf32>
      %parallel_loop3A_360 = arith.subf %parallel_loop3A_302, %parallel_loop3A_298 : vector<16xf32>
      %parallel_loop3A_361 = math.exp %parallel_loop3A_360 : vector<16xf32>
      %parallel_loop3A_362 = arith.constant 1.000000e+00 : f32
      %parallel_loop3A_363 = vector.broadcast %parallel_loop3A_362 : f32 to vector<16xf32>
      %parallel_loop3A_364 = arith.addf %parallel_loop3A_363, %parallel_loop3A_361 : vector<16xf32>
      %parallel_loop3A_365 = arith.constant 1.000000e+00 : f32
      %parallel_loop3A_366 = vector.broadcast %parallel_loop3A_365 : f32 to vector<16xf32>
      %parallel_loop3A_367 = arith.divf %parallel_loop3A_366, %parallel_loop3A_364 : vector<16xf32>
      %parallel_loop3A_368 = arith.constant 1.000000e+00 : f32
      %parallel_loop3A_369 = vector.broadcast %parallel_loop3A_368 : f32 to vector<16xf32>
      %parallel_loop3A_370 = arith.subf %parallel_loop3A_369, %parallel_loop3A_367 : vector<16xf32>
      %parallel_loop3A_371 = arith.subf %parallel_loop3A_310, %parallel_loop3A_306 : vector<16xf32>
      %parallel_loop3A_372 = math.exp %parallel_loop3A_371 : vector<16xf32>
      %parallel_loop3A_373 = arith.constant 1.000000e+00 : f32
      %parallel_loop3A_374 = vector.broadcast %parallel_loop3A_373 : f32 to vector<16xf32>
      %parallel_loop3A_375 = arith.addf %parallel_loop3A_374, %parallel_loop3A_372 : vector<16xf32>
      %parallel_loop3A_376 = arith.constant 1.000000e+00 : f32
      %parallel_loop3A_377 = vector.broadcast %parallel_loop3A_376 : f32 to vector<16xf32>
      %parallel_loop3A_378 = arith.divf %parallel_loop3A_377, %parallel_loop3A_375 : vector<16xf32>
      %parallel_loop3A_379 = arith.constant 1.000000e+00 : f32
      %parallel_loop3A_380 = vector.broadcast %parallel_loop3A_379 : f32 to vector<16xf32>
      %parallel_loop3A_381 = arith.subf %parallel_loop3A_380, %parallel_loop3A_378 : vector<16xf32>
      %parallel_loop3A_382 = arith.subf %parallel_loop3A_318, %parallel_loop3A_314 : vector<16xf32>
      %parallel_loop3A_383 = math.exp %parallel_loop3A_382 : vector<16xf32>
      %parallel_loop3A_384 = arith.constant 1.000000e+00 : f32
      %parallel_loop3A_385 = vector.broadcast %parallel_loop3A_384 : f32 to vector<16xf32>
      %parallel_loop3A_386 = arith.addf %parallel_loop3A_385, %parallel_loop3A_383 : vector<16xf32>
      %parallel_loop3A_387 = arith.constant 1.000000e+00 : f32
      %parallel_loop3A_388 = vector.broadcast %parallel_loop3A_387 : f32 to vector<16xf32>
      %parallel_loop3A_389 = arith.divf %parallel_loop3A_388, %parallel_loop3A_386 : vector<16xf32>
      %parallel_loop3A_390 = arith.constant 1.000000e+00 : f32
      %parallel_loop3A_391 = vector.broadcast %parallel_loop3A_390 : f32 to vector<16xf32>
      %parallel_loop3A_392 = arith.subf %parallel_loop3A_391, %parallel_loop3A_389 : vector<16xf32>
      %parallel_loop3A_393 = arith.subf %parallel_loop3A_326, %parallel_loop3A_322 : vector<16xf32>
      %parallel_loop3A_394 = math.exp %parallel_loop3A_393 : vector<16xf32>
      %parallel_loop3A_395 = arith.constant 1.000000e+00 : f32
      %parallel_loop3A_396 = vector.broadcast %parallel_loop3A_395 : f32 to vector<16xf32>
      %parallel_loop3A_397 = arith.addf %parallel_loop3A_396, %parallel_loop3A_394 : vector<16xf32>
      %parallel_loop3A_398 = arith.constant 1.000000e+00 : f32
      %parallel_loop3A_399 = vector.broadcast %parallel_loop3A_398 : f32 to vector<16xf32>
      %parallel_loop3A_400 = arith.divf %parallel_loop3A_399, %parallel_loop3A_397 : vector<16xf32>
      %parallel_loop3A_401 = arith.constant 1.000000e+00 : f32
      %parallel_loop3A_402 = vector.broadcast %parallel_loop3A_401 : f32 to vector<16xf32>
      %parallel_loop3A_403 = arith.subf %parallel_loop3A_402, %parallel_loop3A_400 : vector<16xf32>
      %parallel_loop3A_404 = arith.mulf %parallel_loop3A_345, %parallel_loop3A_334 : vector<16xf32>
      %parallel_loop3A_405 = arith.mulf %parallel_loop3A_348, %parallel_loop3A_334 : vector<16xf32>
      %parallel_loop3A_406 = arith.mulf %parallel_loop3A_356, %parallel_loop3A_337 : vector<16xf32>
      %parallel_loop3A_407 = arith.mulf %parallel_loop3A_359, %parallel_loop3A_337 : vector<16xf32>
      %parallel_loop3A_408 = arith.mulf %parallel_loop3A_367, %parallel_loop3A_404 : vector<16xf32>
      %parallel_loop3A_409 = arith.mulf %parallel_loop3A_370, %parallel_loop3A_404 : vector<16xf32>
      %parallel_loop3A_410 = arith.mulf %parallel_loop3A_378, %parallel_loop3A_405 : vector<16xf32>
      %parallel_loop3A_411 = arith.mulf %parallel_loop3A_381, %parallel_loop3A_405 : vector<16xf32>
      %parallel_loop3A_412 = arith.mulf %parallel_loop3A_389, %parallel_loop3A_406 : vector<16xf32>
      %parallel_loop3A_413 = arith.mulf %parallel_loop3A_392, %parallel_loop3A_406 : vector<16xf32>
      %parallel_loop3A_414 = arith.mulf %parallel_loop3A_400, %parallel_loop3A_407 : vector<16xf32>
      %parallel_loop3A_415 = arith.mulf %parallel_loop3A_403, %parallel_loop3A_407 : vector<16xf32>
      %parallel_loop3A_416 = arith.constant 0 : i32
      %parallel_loop3A_417 = arith.index_cast %parallel_loop3A_416 : i32 to index
      %parallel_loop3A_418 = arith.index_cast %parallel_loop3A_270 : i32 to index
      %parallel_loop3A_419 = tpu.vector_load %arg6[%parallel_loop3A_417, %parallel_loop3A_418] {strides = array<i32>} : memref<14x1536xf32, #tpu.memory_space<vmem>>, vector<16xf32>,
      tpu.vector_store %arg6[%parallel_loop3A_417, %parallel_loop3A_418], %parallel_loop3A_334 {strides = array<i32>} : memref<14x1536xf32, #tpu.memory_space<vmem>>, vector<16xf32>,
      %parallel_loop3A_420 = arith.constant 1 : i32
      %parallel_loop3A_421 = arith.index_cast %parallel_loop3A_420 : i32 to index
      %parallel_loop3A_422 = arith.index_cast %parallel_loop3A_270 : i32 to index
      %parallel_loop3A_423 = tpu.vector_load %arg6[%parallel_loop3A_421, %parallel_loop3A_422] {strides = array<i32>} : memref<14x1536xf32, #tpu.memory_space<vmem>>, vector<16xf32>,
      tpu.vector_store %arg6[%parallel_loop3A_421, %parallel_loop3A_422], %parallel_loop3A_337 {strides = array<i32>} : memref<14x1536xf32, #tpu.memory_space<vmem>>, vector<16xf32>,
      %parallel_loop3A_424 = arith.constant 2 : i32
      %parallel_loop3A_425 = arith.index_cast %parallel_loop3A_424 : i32 to index
      %parallel_loop3A_426 = arith.index_cast %parallel_loop3A_270 : i32 to index
      %parallel_loop3A_427 = tpu.vector_load %arg6[%parallel_loop3A_425, %parallel_loop3A_426] {strides = array<i32>} : memref<14x1536xf32, #tpu.memory_space<vmem>>, vector<16xf32>,
      tpu.vector_store %arg6[%parallel_loop3A_425, %parallel_loop3A_426], %parallel_loop3A_404 {strides = array<i32>} : memref<14x1536xf32, #tpu.memory_space<vmem>>, vector<16xf32>,
      %parallel_loop3A_428 = arith.constant 3 : i32
      %parallel_loop3A_429 = arith.index_cast %parallel_loop3A_428 : i32 to index
      %parallel_loop3A_430 = arith.index_cast %parallel_loop3A_270 : i32 to index
      %parallel_loop3A_431 = tpu.vector_load %arg6[%parallel_loop3A_429, %parallel_loop3A_430] {strides = array<i32>} : memref<14x1536xf32, #tpu.memory_space<vmem>>, vector<16xf32>,
      tpu.vector_store %arg6[%parallel_loop3A_429, %parallel_loop3A_430], %parallel_loop3A_405 {strides = array<i32>} : memref<14x1536xf32, #tpu.memory_space<vmem>>, vector<16xf32>,
      %parallel_loop3A_432 = arith.constant 4 : i32
      %parallel_loop3A_433 = arith.index_cast %parallel_loop3A_432 : i32 to index
      %parallel_loop3A_434 = arith.index_cast %parallel_loop3A_270 : i32 to index
      %parallel_loop3A_435 = tpu.vector_load %arg6[%parallel_loop3A_433, %parallel_loop3A_434] {strides = array<i32>} : memref<14x1536xf32, #tpu.memory_space<vmem>>, vector<16xf32>,
      tpu.vector_store %arg6[%parallel_loop3A_433, %parallel_loop3A_434], %parallel_loop3A_406 {strides = array<i32>} : memref<14x1536xf32, #tpu.memory_space<vmem>>, vector<16xf32>,
      %parallel_loop3A_436 = arith.constant 5 : i32
      %parallel_loop3A_437 = arith.index_cast %parallel_loop3A_436 : i32 to index
      %parallel_loop3A_438 = arith.index_cast %parallel_loop3A_270 : i32 to index
      %parallel_loop3A_439 = tpu.vector_load %arg6[%parallel_loop3A_437, %parallel_loop3A_438] {strides = array<i32>} : memref<14x1536xf32, #tpu.memory_space<vmem>>, vector<16xf32>,
      tpu.vector_store %arg6[%parallel_loop3A_437, %parallel_loop3A_438], %parallel_loop3A_407 {strides = array<i32>} : memref<14x1536xf32, #tpu.memory_space<vmem>>, vector<16xf32>,
      %parallel_loop3A_440 = arith.constant 6 : i32
      %parallel_loop3A_441 = arith.index_cast %parallel_loop3A_440 : i32 to index
      %parallel_loop3A_442 = arith.index_cast %parallel_loop3A_270 : i32 to index
      %parallel_loop3A_443 = tpu.vector_load %arg6[%parallel_loop3A_441, %parallel_loop3A_442] {strides = array<i32>} : memref<14x1536xf32, #tpu.memory_space<vmem>>, vector<16xf32>,
      tpu.vector_store %arg6[%parallel_loop3A_441, %parallel_loop3A_442], %parallel_loop3A_408 {strides = array<i32>} : memref<14x1536xf32, #tpu.memory_space<vmem>>, vector<16xf32>,
      %parallel_loop3A_444 = arith.constant 7 : i32
      %parallel_loop3A_445 = arith.index_cast %parallel_loop3A_444 : i32 to index
      %parallel_loop3A_446 = arith.index_cast %parallel_loop3A_270 : i32 to index
      %parallel_loop3A_447 = tpu.vector_load %arg6[%parallel_loop3A_445, %parallel_loop3A_446] {strides = array<i32>} : memref<14x1536xf32, #tpu.memory_space<vmem>>, vector<16xf32>,
      tpu.vector_store %arg6[%parallel_loop3A_445, %parallel_loop3A_446], %parallel_loop3A_409 {strides = array<i32>} : memref<14x1536xf32, #tpu.memory_space<vmem>>, vector<16xf32>,
      %parallel_loop3A_448 = arith.constant 8 : i32
      %parallel_loop3A_449 = arith.index_cast %parallel_loop3A_448 : i32 to index
      %parallel_loop3A_450 = arith.index_cast %parallel_loop3A_270 : i32 to index
      %parallel_loop3A_451 = tpu.vector_load %arg6[%parallel_loop3A_449, %parallel_loop3A_450] {strides = array<i32>} : memref<14x1536xf32, #tpu.memory_space<vmem>>, vector<16xf32>,
      tpu.vector_store %arg6[%parallel_loop3A_449, %parallel_loop3A_450], %parallel_loop3A_410 {strides = array<i32>} : memref<14x1536xf32, #tpu.memory_space<vmem>>, vector<16xf32>,
      %parallel_loop3A_452 = arith.constant 9 : i32
      %parallel_loop3A_453 = arith.index_cast %parallel_loop3A_452 : i32 to index
      %parallel_loop3A_454 = arith.index_cast %parallel_loop3A_270 : i32 to index
      %parallel_loop3A_455 = tpu.vector_load %arg6[%parallel_loop3A_453, %parallel_loop3A_454] {strides = array<i32>} : memref<14x1536xf32, #tpu.memory_space<vmem>>, vector<16xf32>,
      tpu.vector_store %arg6[%parallel_loop3A_453, %parallel_loop3A_454], %parallel_loop3A_411 {strides = array<i32>} : memref<14x1536xf32, #tpu.memory_space<vmem>>, vector<16xf32>,
      %parallel_loop3A_456 = arith.constant 10 : i32
      %parallel_loop3A_457 = arith.index_cast %parallel_loop3A_456 : i32 to index
      %parallel_loop3A_458 = arith.index_cast %parallel_loop3A_270 : i32 to index
      %parallel_loop3A_459 = tpu.vector_load %arg6[%parallel_loop3A_457, %parallel_loop3A_458] {strides = array<i32>} : memref<14x1536xf32, #tpu.memory_space<vmem>>, vector<16xf32>,
      tpu.vector_store %arg6[%parallel_loop3A_457, %parallel_loop3A_458], %parallel_loop3A_412 {strides = array<i32>} : memref<14x1536xf32, #tpu.memory_space<vmem>>, vector<16xf32>,
      %parallel_loop3A_460 = arith.constant 11 : i32
      %parallel_loop3A_461 = arith.index_cast %parallel_loop3A_460 : i32 to index
      %parallel_loop3A_462 = arith.index_cast %parallel_loop3A_270 : i32 to index
      %parallel_loop3A_463 = tpu.vector_load %arg6[%parallel_loop3A_461, %parallel_loop3A_462] {strides = array<i32>} : memref<14x1536xf32, #tpu.memory_space<vmem>>, vector<16xf32>,
      tpu.vector_store %arg6[%parallel_loop3A_461, %parallel_loop3A_462], %parallel_loop3A_413 {strides = array<i32>} : memref<14x1536xf32, #tpu.memory_space<vmem>>, vector<16xf32>,
      %parallel_loop3A_464 = arith.constant 12 : i32
      %parallel_loop3A_465 = arith.index_cast %parallel_loop3A_464 : i32 to index
      %parallel_loop3A_466 = arith.index_cast %parallel_loop3A_270 : i32 to index
      %parallel_loop3A_467 = tpu.vector_load %arg6[%parallel_loop3A_465, %parallel_loop3A_466] {strides = array<i32>} : memref<14x1536xf32, #tpu.memory_space<vmem>>, vector<16xf32>,
      tpu.vector_store %arg6[%parallel_loop3A_465, %parallel_loop3A_466], %parallel_loop3A_414 {strides = array<i32>} : memref<14x1536xf32, #tpu.memory_space<vmem>>, vector<16xf32>,
      %parallel_loop3A_468 = arith.constant 13 : i32
      %parallel_loop3A_469 = arith.index_cast %parallel_loop3A_468 : i32 to index
      %parallel_loop3A_470 = arith.index_cast %parallel_loop3A_270 : i32 to index
      %parallel_loop3A_471 = tpu.vector_load %arg6[%parallel_loop3A_469, %parallel_loop3A_470] {strides = array<i32>} : memref<14x1536xf32, #tpu.memory_space<vmem>>, vector<16xf32>,
      tpu.vector_store %arg6[%parallel_loop3A_469, %parallel_loop3A_470], %parallel_loop3A_415 {strides = array<i32>} : memref<14x1536xf32, #tpu.memory_space<vmem>>, vector<16xf32>,
    } {sc.loop_unroll_factor = 2 : i64, sc.parallel_access}
    %add3A_169 = arith.constant 2048 : i32
    %add3A_170 = arith.addi %multiple_of3A, %add3A_169 : i32
    %multiple_of3A_171 = tpu.assume_multiple %add3A_170, 512 : i32
    %dma_start3A_172 = arith.constant 0 : i32
    %dma_start3A_173 = arith.constant 0 : i32
    %dma_start3A_174 = arith.constant 0 : i32
    %dma_start3A_175 = tpu.memref_slice %arg6[%dma_start3A_173, %dma_start3A_174] : memref<14x1536xf32, #tpu.memory_space<vmem>> -> memref<14x1536xf32, #tpu.memory_space<vmem>>
    %dma_start3A_176 = arith.constant 0 : i32
    %dma_start3A_177 = tpu.memref_slice %arg3[%dma_start3A_176, %multiple_of3A_171] : memref<14x131072xf32, #tpu.memory_space<hbm>> -> memref<14x1536xf32, #tpu.memory_space<hbm>>
    %dma_start3A_178 = tpu.memref_slice %arg9[%dma_start3A_172] : memref<2x!tpu.dma_semaphore, #tpu.memory_space<semaphore_mem>> -> memref<1x!tpu.dma_semaphore, #tpu.memory_space<semaphore_mem>>
    %dma_start3A_179 = tpu.memref_squeeze %dma_start3A_178 : memref<1x!tpu.dma_semaphore, #tpu.memory_space<semaphore_mem>> -> memref<!tpu.dma_semaphore, #tpu.memory_space<semaphore_mem>>
    %dma_start3A_180 = arith.constant 0 : i32
    %dma_start3A_181 = tpu.memref_slice %arg3[%dma_start3A_180, %multiple_of3A_171] : memref<14x131072xf32, #tpu.memory_space<hbm>> -> memref<14x1536xf32, #tpu.memory_space<hbm>>
    %dma_start3A_182 = arith.constant 0 : i32
    %dma_start3A_183 = arith.constant 0 : i32
    %dma_start3A_184 = tpu.memref_slice %arg6[%dma_start3A_182, %dma_start3A_183] : memref<14x1536xf32, #tpu.memory_space<vmem>> -> memref<14x1536xf32, #tpu.memory_space<vmem>>
    tpu.enqueue_dma source(%dma_start3A_184 : memref<14x1536xf32, #tpu.memory_space<vmem>>) target(%dma_start3A_181 : memref<14x1536xf32, #tpu.memory_space<hbm>>) target_semaphore(%dma_start3A_179 : memref<!tpu.dma_semaphore, #tpu.memory_space<semaphore_mem>>)
    %add3A_185 = arith.constant 3584 : i32
    %add3A_186 = arith.addi %multiple_of3A, %add3A_185 : i32
    %multiple_of3A_187 = tpu.assume_multiple %add3A_186, 512 : i32
    %dma_wait3A_188 = arith.constant 1 : i32
    %dma_wait3A_189 = arith.constant 0 : i32
    %dma_wait3A_190 = arith.constant 0 : i32
    %dma_wait3A_191 = tpu.memref_slice %arg5[%dma_wait3A_189, %dma_wait3A_190] : memref<14x1536xf32, #tpu.memory_space<vmem>> -> memref<14x512xf32, #tpu.memory_space<vmem>>
    %dma_wait3A_192 = arith.constant 0 : i32
    %dma_wait3A_193 = tpu.memref_slice %arg2[%dma_wait3A_192, %multiple_of3A_187] : memref<14x131072xf32, #tpu.memory_space<hbm>> -> memref<14x512xf32, #tpu.memory_space<hbm>>
    %dma_wait3A_194 = tpu.memref_slice %arg8[%dma_wait3A_188] : memref<2x!tpu.dma_semaphore, #tpu.memory_space<semaphore_mem>> -> memref<1x!tpu.dma_semaphore, #tpu.memory_space<semaphore_mem>>
    %dma_wait3A_195 = tpu.memref_squeeze %dma_wait3A_194 : memref<1x!tpu.dma_semaphore, #tpu.memory_space<semaphore_mem>> -> memref<!tpu.dma_semaphore, #tpu.memory_space<semaphore_mem>>
    %dma_wait3A_196 = arith.constant 0 : i32
    %dma_wait3A_197 = arith.constant 0 : i32
    %dma_wait3A_198 = tpu.memref_slice %arg5[%dma_wait3A_196, %dma_wait3A_197] : memref<14x1536xf32, #tpu.memory_space<vmem>> -> memref<14x512xf32, #tpu.memory_space<vmem>>
    %dma_wait3A_199 = arith.constant 0 : i32
    %dma_wait3A_200 = tpu.memref_slice %arg2[%dma_wait3A_199, %multiple_of3A_187] : memref<14x131072xf32, #tpu.memory_space<hbm>> -> memref<14x512xf32, #tpu.memory_space<hbm>>
    tpu.wait_dma2 semaphore(%dma_wait3A_195 : memref<!tpu.dma_semaphore, #tpu.memory_space<semaphore_mem>>) src(%dma_wait3A_200 : memref<14x512xf32, #tpu.memory_space<hbm>>) dst(%dma_wait3A_198 : memref<14x512xf32, #tpu.memory_space<vmem>>)
    %add3A_201 = arith.constant 512 : i32
    %add3A_202 = arith.addi %multiple_of3A, %add3A_201 : i32
    %multiple_of3A_203 = tpu.assume_multiple %add3A_202, 512 : i32
    %dma_wait3A_204 = arith.constant 1 : i32
    %dma_wait3A_205 = arith.constant 0 : i32
    %dma_wait3A_206 = arith.constant 0 : i32
    %dma_wait3A_207 = tpu.memref_slice %arg7[%dma_wait3A_205, %dma_wait3A_206] : memref<14x1536xf32, #tpu.memory_space<vmem>> -> memref<14x1536xf32, #tpu.memory_space<vmem>>
    %dma_wait3A_208 = arith.constant 0 : i32
    %dma_wait3A_209 = tpu.memref_slice %arg3[%dma_wait3A_208, %multiple_of3A_203] : memref<14x131072xf32, #tpu.memory_space<hbm>> -> memref<14x1536xf32, #tpu.memory_space<hbm>>
    %dma_wait3A_210 = tpu.memref_slice %arg9[%dma_wait3A_204] : memref<2x!tpu.dma_semaphore, #tpu.memory_space<semaphore_mem>> -> memref<1x!tpu.dma_semaphore, #tpu.memory_space<semaphore_mem>>
    %dma_wait3A_211 = tpu.memref_squeeze %dma_wait3A_210 : memref<1x!tpu.dma_semaphore, #tpu.memory_space<semaphore_mem>> -> memref<!tpu.dma_semaphore, #tpu.memory_space<semaphore_mem>>
    %dma_wait3A_212 = arith.constant 0 : i32
    %dma_wait3A_213 = tpu.memref_slice %arg3[%dma_wait3A_212, %multiple_of3A_203] : memref<14x131072xf32, #tpu.memory_space<hbm>> -> memref<14x1536xf32, #tpu.memory_space<hbm>>
    %dma_wait3A_214 = arith.constant 0 : i32
    %dma_wait3A_215 = arith.constant 0 : i32
    %dma_wait3A_216 = tpu.memref_slice %arg7[%dma_wait3A_214, %dma_wait3A_215] : memref<14x1536xf32, #tpu.memory_space<vmem>> -> memref<14x1536xf32, #tpu.memory_space<vmem>>
    tpu.wait_dma2 semaphore(%dma_wait3A_211 : memref<!tpu.dma_semaphore, #tpu.memory_space<semaphore_mem>>) src(%dma_wait3A_216 : memref<14x1536xf32, #tpu.memory_space<vmem>>) dst(%dma_wait3A_213 : memref<14x1536xf32, #tpu.memory_space<hbm>>)
    %parallel_loop3A_217 = arith.constant 0 : i32
    %parallel_loop3A_218 = arith.constant 32 : i32
    %parallel_loop3A_219 = arith.constant 1 : i32
    scf.for %parallel_loop3A_268 = %parallel_loop3A_217 to %parallel_loop3A_218 step %parallel_loop3A_219  : i32 {
      %parallel_loop3A_269 = arith.constant 16 : i32
      %parallel_loop3A_270 = arith.muli %parallel_loop3A_268, %parallel_loop3A_269 : i32
      %parallel_loop3A_271 = arith.constant 0 : i32
      %parallel_loop3A_272 = arith.index_cast %parallel_loop3A_271 : i32 to index
      %parallel_loop3A_273 = arith.index_cast %parallel_loop3A_270 : i32 to index
      %parallel_loop3A_274 = tpu.vector_load %arg5[%parallel_loop3A_272, %parallel_loop3A_273] {strides = array<i32>} : memref<14x1536xf32, #tpu.memory_space<vmem>>, vector<16xf32>,
      %parallel_loop3A_275 = arith.constant 1 : i32
      %parallel_loop3A_276 = arith.index_cast %parallel_loop3A_275 : i32 to index
      %parallel_loop3A_277 = arith.index_cast %parallel_loop3A_270 : i32 to index
      %parallel_loop3A_278 = tpu.vector_load %arg5[%parallel_loop3A_276, %parallel_loop3A_277] {strides = array<i32>} : memref<14x1536xf32, #tpu.memory_space<vmem>>, vector<16xf32>,
      %parallel_loop3A_279 = arith.constant 2 : i32
      %parallel_loop3A_280 = arith.index_cast %parallel_loop3A_279 : i32 to index
      %parallel_loop3A_281 = arith.index_cast %parallel_loop3A_270 : i32 to index
      %parallel_loop3A_282 = tpu.vector_load %arg5[%parallel_loop3A_280, %parallel_loop3A_281] {strides = array<i32>} : memref<14x1536xf32, #tpu.memory_space<vmem>>, vector<16xf32>,
      %parallel_loop3A_283 = arith.constant 3 : i32
      %parallel_loop3A_284 = arith.index_cast %parallel_loop3A_283 : i32 to index
      %parallel_loop3A_285 = arith.index_cast %parallel_loop3A_270 : i32 to index
      %parallel_loop3A_286 = tpu.vector_load %arg5[%parallel_loop3A_284, %parallel_loop3A_285] {strides = array<i32>} : memref<14x1536xf32, #tpu.memory_space<vmem>>, vector<16xf32>,
      %parallel_loop3A_287 = arith.constant 4 : i32
      %parallel_loop3A_288 = arith.index_cast %parallel_loop3A_287 : i32 to index
      %parallel_loop3A_289 = arith.index_cast %parallel_loop3A_270 : i32 to index
      %parallel_loop3A_290 = tpu.vector_load %arg5[%parallel_loop3A_288, %parallel_loop3A_289] {strides = array<i32>} : memref<14x1536xf32, #tpu.memory_space<vmem>>, vector<16xf32>,
      %parallel_loop3A_291 = arith.constant 5 : i32
      %parallel_loop3A_292 = arith.index_cast %parallel_loop3A_291 : i32 to index
      %parallel_loop3A_293 = arith.index_cast %parallel_loop3A_270 : i32 to index
      %parallel_loop3A_294 = tpu.vector_load %arg5[%parallel_loop3A_292, %parallel_loop3A_293] {strides = array<i32>} : memref<14x1536xf32, #tpu.memory_space<vmem>>, vector<16xf32>,
      %parallel_loop3A_295 = arith.constant 6 : i32
      %parallel_loop3A_296 = arith.index_cast %parallel_loop3A_295 : i32 to index
      %parallel_loop3A_297 = arith.index_cast %parallel_loop3A_270 : i32 to index
      %parallel_loop3A_298 = tpu.vector_load %arg5[%parallel_loop3A_296, %parallel_loop3A_297] {strides = array<i32>} : memref<14x1536xf32, #tpu.memory_space<vmem>>, vector<16xf32>,
      %parallel_loop3A_299 = arith.constant 7 : i32
      %parallel_loop3A_300 = arith.index_cast %parallel_loop3A_299 : i32 to index
      %parallel_loop3A_301 = arith.index_cast %parallel_loop3A_270 : i32 to index
      %parallel_loop3A_302 = tpu.vector_load %arg5[%parallel_loop3A_300, %parallel_loop3A_301] {strides = array<i32>} : memref<14x1536xf32, #tpu.memory_space<vmem>>, vector<16xf32>,
      %parallel_loop3A_303 = arith.constant 8 : i32
      %parallel_loop3A_304 = arith.index_cast %parallel_loop3A_303 : i32 to index
      %parallel_loop3A_305 = arith.index_cast %parallel_loop3A_270 : i32 to index
      %parallel_loop3A_306 = tpu.vector_load %arg5[%parallel_loop3A_304, %parallel_loop3A_305] {strides = array<i32>} : memref<14x1536xf32, #tpu.memory_space<vmem>>, vector<16xf32>,
      %parallel_loop3A_307 = arith.constant 9 : i32
      %parallel_loop3A_308 = arith.index_cast %parallel_loop3A_307 : i32 to index
      %parallel_loop3A_309 = arith.index_cast %parallel_loop3A_270 : i32 to index
      %parallel_loop3A_310 = tpu.vector_load %arg5[%parallel_loop3A_308, %parallel_loop3A_309] {strides = array<i32>} : memref<14x1536xf32, #tpu.memory_space<vmem>>, vector<16xf32>,
      %parallel_loop3A_311 = arith.constant 10 : i32
      %parallel_loop3A_312 = arith.index_cast %parallel_loop3A_311 : i32 to index
      %parallel_loop3A_313 = arith.index_cast %parallel_loop3A_270 : i32 to index
      %parallel_loop3A_314 = tpu.vector_load %arg5[%parallel_loop3A_312, %parallel_loop3A_313] {strides = array<i32>} : memref<14x1536xf32, #tpu.memory_space<vmem>>, vector<16xf32>,
      %parallel_loop3A_315 = arith.constant 11 : i32
      %parallel_loop3A_316 = arith.index_cast %parallel_loop3A_315 : i32 to index
      %parallel_loop3A_317 = arith.index_cast %parallel_loop3A_270 : i32 to index
      %parallel_loop3A_318 = tpu.vector_load %arg5[%parallel_loop3A_316, %parallel_loop3A_317] {strides = array<i32>} : memref<14x1536xf32, #tpu.memory_space<vmem>>, vector<16xf32>,
      %parallel_loop3A_319 = arith.constant 12 : i32
      %parallel_loop3A_320 = arith.index_cast %parallel_loop3A_319 : i32 to index
      %parallel_loop3A_321 = arith.index_cast %parallel_loop3A_270 : i32 to index
      %parallel_loop3A_322 = tpu.vector_load %arg5[%parallel_loop3A_320, %parallel_loop3A_321] {strides = array<i32>} : memref<14x1536xf32, #tpu.memory_space<vmem>>, vector<16xf32>,
      %parallel_loop3A_323 = arith.constant 13 : i32
      %parallel_loop3A_324 = arith.index_cast %parallel_loop3A_323 : i32 to index
      %parallel_loop3A_325 = arith.index_cast %parallel_loop3A_270 : i32 to index
      %parallel_loop3A_326 = tpu.vector_load %arg5[%parallel_loop3A_324, %parallel_loop3A_325] {strides = array<i32>} : memref<14x1536xf32, #tpu.memory_space<vmem>>, vector<16xf32>,
      %parallel_loop3A_327 = arith.subf %parallel_loop3A_278, %parallel_loop3A_274 : vector<16xf32>
      %parallel_loop3A_328 = math.exp %parallel_loop3A_327 : vector<16xf32>
      %parallel_loop3A_329 = arith.constant 1.000000e+00 : f32
      %parallel_loop3A_330 = vector.broadcast %parallel_loop3A_329 : f32 to vector<16xf32>
      %parallel_loop3A_331 = arith.addf %parallel_loop3A_330, %parallel_loop3A_328 : vector<16xf32>
      %parallel_loop3A_332 = arith.constant 1.000000e+00 : f32
      %parallel_loop3A_333 = vector.broadcast %parallel_loop3A_332 : f32 to vector<16xf32>
      %parallel_loop3A_334 = arith.divf %parallel_loop3A_333, %parallel_loop3A_331 : vector<16xf32>
      %parallel_loop3A_335 = arith.constant 1.000000e+00 : f32
      %parallel_loop3A_336 = vector.broadcast %parallel_loop3A_335 : f32 to vector<16xf32>
      %parallel_loop3A_337 = arith.subf %parallel_loop3A_336, %parallel_loop3A_334 : vector<16xf32>
      %parallel_loop3A_338 = arith.subf %parallel_loop3A_286, %parallel_loop3A_282 : vector<16xf32>
      %parallel_loop3A_339 = math.exp %parallel_loop3A_338 : vector<16xf32>
      %parallel_loop3A_340 = arith.constant 1.000000e+00 : f32
      %parallel_loop3A_341 = vector.broadcast %parallel_loop3A_340 : f32 to vector<16xf32>
      %parallel_loop3A_342 = arith.addf %parallel_loop3A_341, %parallel_loop3A_339 : vector<16xf32>
      %parallel_loop3A_343 = arith.constant 1.000000e+00 : f32
      %parallel_loop3A_344 = vector.broadcast %parallel_loop3A_343 : f32 to vector<16xf32>
      %parallel_loop3A_345 = arith.divf %parallel_loop3A_344, %parallel_loop3A_342 : vector<16xf32>
      %parallel_loop3A_346 = arith.constant 1.000000e+00 : f32
      %parallel_loop3A_347 = vector.broadcast %parallel_loop3A_346 : f32 to vector<16xf32>
      %parallel_loop3A_348 = arith.subf %parallel_loop3A_347, %parallel_loop3A_345 : vector<16xf32>
      %parallel_loop3A_349 = arith.subf %parallel_loop3A_294, %parallel_loop3A_290 : vector<16xf32>
      %parallel_loop3A_350 = math.exp %parallel_loop3A_349 : vector<16xf32>
      %parallel_loop3A_351 = arith.constant 1.000000e+00 : f32
      %parallel_loop3A_352 = vector.broadcast %parallel_loop3A_351 : f32 to vector<16xf32>
      %parallel_loop3A_353 = arith.addf %parallel_loop3A_352, %parallel_loop3A_350 : vector<16xf32>
      %parallel_loop3A_354 = arith.constant 1.000000e+00 : f32
      %parallel_loop3A_355 = vector.broadcast %parallel_loop3A_354 : f32 to vector<16xf32>
      %parallel_loop3A_356 = arith.divf %parallel_loop3A_355, %parallel_loop3A_353 : vector<16xf32>
      %parallel_loop3A_357 = arith.constant 1.000000e+00 : f32
      %parallel_loop3A_358 = vector.broadcast %parallel_loop3A_357 : f32 to vector<16xf32>
      %parallel_loop3A_359 = arith.subf %parallel_loop3A_358, %parallel_loop3A_356 : vector<16xf32>
      %parallel_loop3A_360 = arith.subf %parallel_loop3A_302, %parallel_loop3A_298 : vector<16xf32>
      %parallel_loop3A_361 = math.exp %parallel_loop3A_360 : vector<16xf32>
      %parallel_loop3A_362 = arith.constant 1.000000e+00 : f32
      %parallel_loop3A_363 = vector.broadcast %parallel_loop3A_362 : f32 to vector<16xf32>
      %parallel_loop3A_364 = arith.addf %parallel_loop3A_363, %parallel_loop3A_361 : vector<16xf32>
      %parallel_loop3A_365 = arith.constant 1.000000e+00 : f32
      %parallel_loop3A_366 = vector.broadcast %parallel_loop3A_365 : f32 to vector<16xf32>
      %parallel_loop3A_367 = arith.divf %parallel_loop3A_366, %parallel_loop3A_364 : vector<16xf32>
      %parallel_loop3A_368 = arith.constant 1.000000e+00 : f32
      %parallel_loop3A_369 = vector.broadcast %parallel_loop3A_368 : f32 to vector<16xf32>
      %parallel_loop3A_370 = arith.subf %parallel_loop3A_369, %parallel_loop3A_367 : vector<16xf32>
      %parallel_loop3A_371 = arith.subf %parallel_loop3A_310, %parallel_loop3A_306 : vector<16xf32>
      %parallel_loop3A_372 = math.exp %parallel_loop3A_371 : vector<16xf32>
      %parallel_loop3A_373 = arith.constant 1.000000e+00 : f32
      %parallel_loop3A_374 = vector.broadcast %parallel_loop3A_373 : f32 to vector<16xf32>
      %parallel_loop3A_375 = arith.addf %parallel_loop3A_374, %parallel_loop3A_372 : vector<16xf32>
      %parallel_loop3A_376 = arith.constant 1.000000e+00 : f32
      %parallel_loop3A_377 = vector.broadcast %parallel_loop3A_376 : f32 to vector<16xf32>
      %parallel_loop3A_378 = arith.divf %parallel_loop3A_377, %parallel_loop3A_375 : vector<16xf32>
      %parallel_loop3A_379 = arith.constant 1.000000e+00 : f32
      %parallel_loop3A_380 = vector.broadcast %parallel_loop3A_379 : f32 to vector<16xf32>
      %parallel_loop3A_381 = arith.subf %parallel_loop3A_380, %parallel_loop3A_378 : vector<16xf32>
      %parallel_loop3A_382 = arith.subf %parallel_loop3A_318, %parallel_loop3A_314 : vector<16xf32>
      %parallel_loop3A_383 = math.exp %parallel_loop3A_382 : vector<16xf32>
      %parallel_loop3A_384 = arith.constant 1.000000e+00 : f32
      %parallel_loop3A_385 = vector.broadcast %parallel_loop3A_384 : f32 to vector<16xf32>
      %parallel_loop3A_386 = arith.addf %parallel_loop3A_385, %parallel_loop3A_383 : vector<16xf32>
      %parallel_loop3A_387 = arith.constant 1.000000e+00 : f32
      %parallel_loop3A_388 = vector.broadcast %parallel_loop3A_387 : f32 to vector<16xf32>
      %parallel_loop3A_389 = arith.divf %parallel_loop3A_388, %parallel_loop3A_386 : vector<16xf32>
      %parallel_loop3A_390 = arith.constant 1.000000e+00 : f32
      %parallel_loop3A_391 = vector.broadcast %parallel_loop3A_390 : f32 to vector<16xf32>
      %parallel_loop3A_392 = arith.subf %parallel_loop3A_391, %parallel_loop3A_389 : vector<16xf32>
      %parallel_loop3A_393 = arith.subf %parallel_loop3A_326, %parallel_loop3A_322 : vector<16xf32>
      %parallel_loop3A_394 = math.exp %parallel_loop3A_393 : vector<16xf32>
      %parallel_loop3A_395 = arith.constant 1.000000e+00 : f32
      %parallel_loop3A_396 = vector.broadcast %parallel_loop3A_395 : f32 to vector<16xf32>
      %parallel_loop3A_397 = arith.addf %parallel_loop3A_396, %parallel_loop3A_394 : vector<16xf32>
      %parallel_loop3A_398 = arith.constant 1.000000e+00 : f32
      %parallel_loop3A_399 = vector.broadcast %parallel_loop3A_398 : f32 to vector<16xf32>
      %parallel_loop3A_400 = arith.divf %parallel_loop3A_399, %parallel_loop3A_397 : vector<16xf32>
      %parallel_loop3A_401 = arith.constant 1.000000e+00 : f32
      %parallel_loop3A_402 = vector.broadcast %parallel_loop3A_401 : f32 to vector<16xf32>
      %parallel_loop3A_403 = arith.subf %parallel_loop3A_402, %parallel_loop3A_400 : vector<16xf32>
      %parallel_loop3A_404 = arith.mulf %parallel_loop3A_345, %parallel_loop3A_334 : vector<16xf32>
      %parallel_loop3A_405 = arith.mulf %parallel_loop3A_348, %parallel_loop3A_334 : vector<16xf32>
      %parallel_loop3A_406 = arith.mulf %parallel_loop3A_356, %parallel_loop3A_337 : vector<16xf32>
      %parallel_loop3A_407 = arith.mulf %parallel_loop3A_359, %parallel_loop3A_337 : vector<16xf32>
      %parallel_loop3A_408 = arith.mulf %parallel_loop3A_367, %parallel_loop3A_404 : vector<16xf32>
      %parallel_loop3A_409 = arith.mulf %parallel_loop3A_370, %parallel_loop3A_404 : vector<16xf32>
      %parallel_loop3A_410 = arith.mulf %parallel_loop3A_378, %parallel_loop3A_405 : vector<16xf32>
      %parallel_loop3A_411 = arith.mulf %parallel_loop3A_381, %parallel_loop3A_405 : vector<16xf32>
      %parallel_loop3A_412 = arith.mulf %parallel_loop3A_389, %parallel_loop3A_406 : vector<16xf32>
      %parallel_loop3A_413 = arith.mulf %parallel_loop3A_392, %parallel_loop3A_406 : vector<16xf32>
      %parallel_loop3A_414 = arith.mulf %parallel_loop3A_400, %parallel_loop3A_407 : vector<16xf32>
      %parallel_loop3A_415 = arith.mulf %parallel_loop3A_403, %parallel_loop3A_407 : vector<16xf32>
      %parallel_loop3A_416 = arith.constant 0 : i32
      %parallel_loop3A_417 = arith.index_cast %parallel_loop3A_416 : i32 to index
      %parallel_loop3A_418 = arith.index_cast %parallel_loop3A_270 : i32 to index
      %parallel_loop3A_419 = tpu.vector_load %arg7[%parallel_loop3A_417, %parallel_loop3A_418] {strides = array<i32>} : memref<14x1536xf32, #tpu.memory_space<vmem>>, vector<16xf32>,
      tpu.vector_store %arg7[%parallel_loop3A_417, %parallel_loop3A_418], %parallel_loop3A_334 {strides = array<i32>} : memref<14x1536xf32, #tpu.memory_space<vmem>>, vector<16xf32>,
      %parallel_loop3A_420 = arith.constant 1 : i32
      %parallel_loop3A_421 = arith.index_cast %parallel_loop3A_420 : i32 to index
      %parallel_loop3A_422 = arith.index_cast %parallel_loop3A_270 : i32 to index
      %parallel_loop3A_423 = tpu.vector_load %arg7[%parallel_loop3A_421, %parallel_loop3A_422] {strides = array<i32>} : memref<14x1536xf32, #tpu.memory_space<vmem>>, vector<16xf32>,
      tpu.vector_store %arg7[%parallel_loop3A_421, %parallel_loop3A_422], %parallel_loop3A_337 {strides = array<i32>} : memref<14x1536xf32, #tpu.memory_space<vmem>>, vector<16xf32>,
      %parallel_loop3A_424 = arith.constant 2 : i32
      %parallel_loop3A_425 = arith.index_cast %parallel_loop3A_424 : i32 to index
      %parallel_loop3A_426 = arith.index_cast %parallel_loop3A_270 : i32 to index
      %parallel_loop3A_427 = tpu.vector_load %arg7[%parallel_loop3A_425, %parallel_loop3A_426] {strides = array<i32>} : memref<14x1536xf32, #tpu.memory_space<vmem>>, vector<16xf32>,
      tpu.vector_store %arg7[%parallel_loop3A_425, %parallel_loop3A_426], %parallel_loop3A_404 {strides = array<i32>} : memref<14x1536xf32, #tpu.memory_space<vmem>>, vector<16xf32>,
      %parallel_loop3A_428 = arith.constant 3 : i32
      %parallel_loop3A_429 = arith.index_cast %parallel_loop3A_428 : i32 to index
      %parallel_loop3A_430 = arith.index_cast %parallel_loop3A_270 : i32 to index
      %parallel_loop3A_431 = tpu.vector_load %arg7[%parallel_loop3A_429, %parallel_loop3A_430] {strides = array<i32>} : memref<14x1536xf32, #tpu.memory_space<vmem>>, vector<16xf32>,
      tpu.vector_store %arg7[%parallel_loop3A_429, %parallel_loop3A_430], %parallel_loop3A_405 {strides = array<i32>} : memref<14x1536xf32, #tpu.memory_space<vmem>>, vector<16xf32>,
      %parallel_loop3A_432 = arith.constant 4 : i32
      %parallel_loop3A_433 = arith.index_cast %parallel_loop3A_432 : i32 to index
      %parallel_loop3A_434 = arith.index_cast %parallel_loop3A_270 : i32 to index
      %parallel_loop3A_435 = tpu.vector_load %arg7[%parallel_loop3A_433, %parallel_loop3A_434] {strides = array<i32>} : memref<14x1536xf32, #tpu.memory_space<vmem>>, vector<16xf32>,
      tpu.vector_store %arg7[%parallel_loop3A_433, %parallel_loop3A_434], %parallel_loop3A_406 {strides = array<i32>} : memref<14x1536xf32, #tpu.memory_space<vmem>>, vector<16xf32>,
      %parallel_loop3A_436 = arith.constant 5 : i32
      %parallel_loop3A_437 = arith.index_cast %parallel_loop3A_436 : i32 to index
      %parallel_loop3A_438 = arith.index_cast %parallel_loop3A_270 : i32 to index
      %parallel_loop3A_439 = tpu.vector_load %arg7[%parallel_loop3A_437, %parallel_loop3A_438] {strides = array<i32>} : memref<14x1536xf32, #tpu.memory_space<vmem>>, vector<16xf32>,
      tpu.vector_store %arg7[%parallel_loop3A_437, %parallel_loop3A_438], %parallel_loop3A_407 {strides = array<i32>} : memref<14x1536xf32, #tpu.memory_space<vmem>>, vector<16xf32>,
      %parallel_loop3A_440 = arith.constant 6 : i32
      %parallel_loop3A_441 = arith.index_cast %parallel_loop3A_440 : i32 to index
      %parallel_loop3A_442 = arith.index_cast %parallel_loop3A_270 : i32 to index
      %parallel_loop3A_443 = tpu.vector_load %arg7[%parallel_loop3A_441, %parallel_loop3A_442] {strides = array<i32>} : memref<14x1536xf32, #tpu.memory_space<vmem>>, vector<16xf32>,
      tpu.vector_store %arg7[%parallel_loop3A_441, %parallel_loop3A_442], %parallel_loop3A_408 {strides = array<i32>} : memref<14x1536xf32, #tpu.memory_space<vmem>>, vector<16xf32>,
      %parallel_loop3A_444 = arith.constant 7 : i32
      %parallel_loop3A_445 = arith.index_cast %parallel_loop3A_444 : i32 to index
      %parallel_loop3A_446 = arith.index_cast %parallel_loop3A_270 : i32 to index
      %parallel_loop3A_447 = tpu.vector_load %arg7[%parallel_loop3A_445, %parallel_loop3A_446] {strides = array<i32>} : memref<14x1536xf32, #tpu.memory_space<vmem>>, vector<16xf32>,
      tpu.vector_store %arg7[%parallel_loop3A_445, %parallel_loop3A_446], %parallel_loop3A_409 {strides = array<i32>} : memref<14x1536xf32, #tpu.memory_space<vmem>>, vector<16xf32>,
      %parallel_loop3A_448 = arith.constant 8 : i32
      %parallel_loop3A_449 = arith.index_cast %parallel_loop3A_448 : i32 to index
      %parallel_loop3A_450 = arith.index_cast %parallel_loop3A_270 : i32 to index
      %parallel_loop3A_451 = tpu.vector_load %arg7[%parallel_loop3A_449, %parallel_loop3A_450] {strides = array<i32>} : memref<14x1536xf32, #tpu.memory_space<vmem>>, vector<16xf32>,
      tpu.vector_store %arg7[%parallel_loop3A_449, %parallel_loop3A_450], %parallel_loop3A_410 {strides = array<i32>} : memref<14x1536xf32, #tpu.memory_space<vmem>>, vector<16xf32>,
      %parallel_loop3A_452 = arith.constant 9 : i32
      %parallel_loop3A_453 = arith.index_cast %parallel_loop3A_452 : i32 to index
      %parallel_loop3A_454 = arith.index_cast %parallel_loop3A_270 : i32 to index
      %parallel_loop3A_455 = tpu.vector_load %arg7[%parallel_loop3A_453, %parallel_loop3A_454] {strides = array<i32>} : memref<14x1536xf32, #tpu.memory_space<vmem>>, vector<16xf32>,
      tpu.vector_store %arg7[%parallel_loop3A_453, %parallel_loop3A_454], %parallel_loop3A_411 {strides = array<i32>} : memref<14x1536xf32, #tpu.memory_space<vmem>>, vector<16xf32>,
      %parallel_loop3A_456 = arith.constant 10 : i32
      %parallel_loop3A_457 = arith.index_cast %parallel_loop3A_456 : i32 to index
      %parallel_loop3A_458 = arith.index_cast %parallel_loop3A_270 : i32 to index
      %parallel_loop3A_459 = tpu.vector_load %arg7[%parallel_loop3A_457, %parallel_loop3A_458] {strides = array<i32>} : memref<14x1536xf32, #tpu.memory_space<vmem>>, vector<16xf32>,
      tpu.vector_store %arg7[%parallel_loop3A_457, %parallel_loop3A_458], %parallel_loop3A_412 {strides = array<i32>} : memref<14x1536xf32, #tpu.memory_space<vmem>>, vector<16xf32>,
      %parallel_loop3A_460 = arith.constant 11 : i32
      %parallel_loop3A_461 = arith.index_cast %parallel_loop3A_460 : i32 to index
      %parallel_loop3A_462 = arith.index_cast %parallel_loop3A_270 : i32 to index
      %parallel_loop3A_463 = tpu.vector_load %arg7[%parallel_loop3A_461, %parallel_loop3A_462] {strides = array<i32>} : memref<14x1536xf32, #tpu.memory_space<vmem>>, vector<16xf32>,
      tpu.vector_store %arg7[%parallel_loop3A_461, %parallel_loop3A_462], %parallel_loop3A_413 {strides = array<i32>} : memref<14x1536xf32, #tpu.memory_space<vmem>>, vector<16xf32>,
      %parallel_loop3A_464 = arith.constant 12 : i32
      %parallel_loop3A_465 = arith.index_cast %parallel_loop3A_464 : i32 to index
      %parallel_loop3A_466 = arith.index_cast %parallel_loop3A_270 : i32 to index
      %parallel_loop3A_467 = tpu.vector_load %arg7[%parallel_loop3A_465, %parallel_loop3A_466] {strides = array<i32>} : memref<14x1536xf32, #tpu.memory_space<vmem>>, vector<16xf32>,
      tpu.vector_store %arg7[%parallel_loop3A_465, %parallel_loop3A_466], %parallel_loop3A_414 {strides = array<i32>} : memref<14x1536xf32, #tpu.memory_space<vmem>>, vector<16xf32>,
      %parallel_loop3A_468 = arith.constant 13 : i32
      %parallel_loop3A_469 = arith.index_cast %parallel_loop3A_468 : i32 to index
      %parallel_loop3A_470 = arith.index_cast %parallel_loop3A_270 : i32 to index
      %parallel_loop3A_471 = tpu.vector_load %arg7[%parallel_loop3A_469, %parallel_loop3A_470] {strides = array<i32>} : memref<14x1536xf32, #tpu.memory_space<vmem>>, vector<16xf32>,
      tpu.vector_store %arg7[%parallel_loop3A_469, %parallel_loop3A_470], %parallel_loop3A_415 {strides = array<i32>} : memref<14x1536xf32, #tpu.memory_space<vmem>>, vector<16xf32>,
    } {sc.loop_unroll_factor = 2 : i64, sc.parallel_access}
    %add3A_220 = arith.constant 3584 : i32
    %add3A_221 = arith.addi %multiple_of3A, %add3A_220 : i32
    %multiple_of3A_222 = tpu.assume_multiple %add3A_221, 512 : i32
    %dma_start3A_223 = arith.constant 1 : i32
    %dma_start3A_224 = arith.constant 0 : i32
    %dma_start3A_225 = arith.constant 0 : i32
    %dma_start3A_226 = tpu.memref_slice %arg7[%dma_start3A_224, %dma_start3A_225] : memref<14x1536xf32, #tpu.memory_space<vmem>> -> memref<14x512xf32, #tpu.memory_space<vmem>>
    %dma_start3A_227 = arith.constant 0 : i32
    %dma_start3A_228 = tpu.memref_slice %arg3[%dma_start3A_227, %multiple_of3A_222] : memref<14x131072xf32, #tpu.memory_space<hbm>> -> memref<14x512xf32, #tpu.memory_space<hbm>>
    %dma_start3A_229 = tpu.memref_slice %arg9[%dma_start3A_223] : memref<2x!tpu.dma_semaphore, #tpu.memory_space<semaphore_mem>> -> memref<1x!tpu.dma_semaphore, #tpu.memory_space<semaphore_mem>>
    %dma_start3A_230 = tpu.memref_squeeze %dma_start3A_229 : memref<1x!tpu.dma_semaphore, #tpu.memory_space<semaphore_mem>> -> memref<!tpu.dma_semaphore, #tpu.memory_space<semaphore_mem>>
    %dma_start3A_231 = arith.constant 0 : i32
    %dma_start3A_232 = tpu.memref_slice %arg3[%dma_start3A_231, %multiple_of3A_222] : memref<14x131072xf32, #tpu.memory_space<hbm>> -> memref<14x512xf32, #tpu.memory_space<hbm>>
    %dma_start3A_233 = arith.constant 0 : i32
    %dma_start3A_234 = arith.constant 0 : i32
    %dma_start3A_235 = tpu.memref_slice %arg7[%dma_start3A_233, %dma_start3A_234] : memref<14x1536xf32, #tpu.memory_space<vmem>> -> memref<14x512xf32, #tpu.memory_space<vmem>>
    tpu.enqueue_dma source(%dma_start3A_235 : memref<14x512xf32, #tpu.memory_space<vmem>>) target(%dma_start3A_232 : memref<14x512xf32, #tpu.memory_space<hbm>>) target_semaphore(%dma_start3A_230 : memref<!tpu.dma_semaphore, #tpu.memory_space<semaphore_mem>>)
    %add3A_236 = arith.constant 2048 : i32
    %add3A_237 = arith.addi %multiple_of3A, %add3A_236 : i32
    %multiple_of3A_238 = tpu.assume_multiple %add3A_237, 512 : i32
    %dma_wait3A_239 = arith.constant 0 : i32
    %dma_wait3A_240 = arith.constant 0 : i32
    %dma_wait3A_241 = arith.constant 0 : i32
    %dma_wait3A_242 = tpu.memref_slice %arg6[%dma_wait3A_240, %dma_wait3A_241] : memref<14x1536xf32, #tpu.memory_space<vmem>> -> memref<14x1536xf32, #tpu.memory_space<vmem>>
    %dma_wait3A_243 = arith.constant 0 : i32
    %dma_wait3A_244 = tpu.memref_slice %arg3[%dma_wait3A_243, %multiple_of3A_238] : memref<14x131072xf32, #tpu.memory_space<hbm>> -> memref<14x1536xf32, #tpu.memory_space<hbm>>
    %dma_wait3A_245 = tpu.memref_slice %arg9[%dma_wait3A_239] : memref<2x!tpu.dma_semaphore, #tpu.memory_space<semaphore_mem>> -> memref<1x!tpu.dma_semaphore, #tpu.memory_space<semaphore_mem>>
    %dma_wait3A_246 = tpu.memref_squeeze %dma_wait3A_245 : memref<1x!tpu.dma_semaphore, #tpu.memory_space<semaphore_mem>> -> memref<!tpu.dma_semaphore, #tpu.memory_space<semaphore_mem>>
    %dma_wait3A_247 = arith.constant 0 : i32
    %dma_wait3A_248 = tpu.memref_slice %arg3[%dma_wait3A_247, %multiple_of3A_238] : memref<14x131072xf32, #tpu.memory_space<hbm>> -> memref<14x1536xf32, #tpu.memory_space<hbm>>
    %dma_wait3A_249 = arith.constant 0 : i32
    %dma_wait3A_250 = arith.constant 0 : i32
    %dma_wait3A_251 = tpu.memref_slice %arg6[%dma_wait3A_249, %dma_wait3A_250] : memref<14x1536xf32, #tpu.memory_space<vmem>> -> memref<14x1536xf32, #tpu.memory_space<vmem>>
    tpu.wait_dma2 semaphore(%dma_wait3A_246 : memref<!tpu.dma_semaphore, #tpu.memory_space<semaphore_mem>>) src(%dma_wait3A_251 : memref<14x1536xf32, #tpu.memory_space<vmem>>) dst(%dma_wait3A_248 : memref<14x1536xf32, #tpu.memory_space<hbm>>)
    %add3A_252 = arith.constant 3584 : i32
    %add3A_253 = arith.addi %multiple_of3A, %add3A_252 : i32
    %multiple_of3A_254 = tpu.assume_multiple %add3A_253, 512 : i32
    %dma_wait3A_255 = arith.constant 1 : i32
    %dma_wait3A_256 = arith.constant 0 : i32
    %dma_wait3A_257 = arith.constant 0 : i32
    %dma_wait3A_258 = tpu.memref_slice %arg7[%dma_wait3A_256, %dma_wait3A_257] : memref<14x1536xf32, #tpu.memory_space<vmem>> -> memref<14x512xf32, #tpu.memory_space<vmem>>
    %dma_wait3A_259 = arith.constant 0 : i32
    %dma_wait3A_260 = tpu.memref_slice %arg3[%dma_wait3A_259, %multiple_of3A_254] : memref<14x131072xf32, #tpu.memory_space<hbm>> -> memref<14x512xf32, #tpu.memory_space<hbm>>
    %dma_wait3A_261 = tpu.memref_slice %arg9[%dma_wait3A_255] : memref<2x!tpu.dma_semaphore, #tpu.memory_space<semaphore_mem>> -> memref<1x!tpu.dma_semaphore, #tpu.memory_space<semaphore_mem>>
    %dma_wait3A_262 = tpu.memref_squeeze %dma_wait3A_261 : memref<1x!tpu.dma_semaphore, #tpu.memory_space<semaphore_mem>> -> memref<!tpu.dma_semaphore, #tpu.memory_space<semaphore_mem>>
    %dma_wait3A_263 = arith.constant 0 : i32
    %dma_wait3A_264 = tpu.memref_slice %arg3[%dma_wait3A_263, %multiple_of3A_254] : memref<14x131072xf32, #tpu.memory_space<hbm>> -> memref<14x512xf32, #tpu.memory_space<hbm>>
    %dma_wait3A_265 = arith.constant 0 : i32
    %dma_wait3A_266 = arith.constant 0 : i32
    %dma_wait3A_267 = tpu.memref_slice %arg7[%dma_wait3A_265, %dma_wait3A_266] : memref<14x1536xf32, #tpu.memory_space<vmem>> -> memref<14x512xf32, #tpu.memory_space<vmem>>
    tpu.wait_dma2 semaphore(%dma_wait3A_262 : memref<!tpu.dma_semaphore, #tpu.memory_space<semaphore_mem>>) src(%dma_wait3A_267 : memref<14x512xf32, #tpu.memory_space<vmem>>) dst(%dma_wait3A_264 : memref<14x512xf32, #tpu.memory_space<hbm>>)
    return
  }
}

</mosaic_0001>

<sc_bundles>
// kernel: kernel.3.cloned.1.call-start
scs
__scs_entry_jumppad:
0x0: {  	(pc) =	sbr.rel $0x88, $3  }
0x1: {  	(tag) =	ssettag $0x0;
	lr =	simm.s32 $0x1  }
0x2: {  	[smem:$0x3FA0] =	sst lr;
	_ =	strace $0xD0000000  }
0x3: {  	_ = 	snop  }
0x4: {  	_ = 	snop  }
0x5: {  	_ = 	snop  }
0x6: {  	_ = 	snop  }
0x7: {  	_ = 	snop  }
__scs_overlays_trampoline_lowered:
0x8: {  	[smem:$0x3FAF] =	sst s0  }
0x9: {  	[smem:$0x3FB0] =	sst s1  }
0xa: {  	[smem:$0x3FB1] =	sst s2  }
0xb: {  	[smem:$0x3FB2] =	sst s3  }
0xc: {  	[smem:$0x3FB3] =	sst s4  }
0xd: {  	[smem:$0x3FB4] =	sst s5  }
0xe: {  	[smem:$0x3FB5] =	sst s6  }
0xf: {  	[smem:$0x3FB6] =	sst s7  }
0x10: {  	[smem:$0x3FB7] =	sst s8  }
0x11: {  	[smem:$0x3FB8] =	sst s9;
	s0 =	simm.s32 @!p0 $0x0  }
0x12: {  	s1 =	sld [smem:$0x3F9E];
	s0 =	simm.s32 @p0 $0x1  }
0x13: {  	[smem:$0x3FB9] =	sst s0;
	s0 =	simm.s32 @!p1 $0x0  }
0x14: {  	s2 =	sld [smem:$0x3F9D];
	s0 =	simm.s32 @p1 $0x1  }
0x15: {  	[smem:$0x3FBA] =	sst s0;
	s0 =	simm.s32 @!p2 $0x0  }
0x16: {  	s3 =	sld [smem:$0x3FDB];
	s0 =	simm.s32 @p2 $0x1  }
0x17: {  	s4 =	simm.s32 $0x1BF5;
	[smem:$0x3FBC] =	sst s0  }
0x18: {  	s0 =	sld [smem:$0x3F9F];
	_ =	swait.ge [sflag:s4], $0x0  }
0x19: {  	s7 =	sld [smem:$0x3FA0]  }
0x1a: {  	s8 =	sadd.s32 $0xFFFFE003, lr  }
0x1b: {  	s9 =	sadd.s32 $0xFFFFFEF7, lr;
	s5 =	simm.s32 $0xFFFFFFFF;
	p2 =	slt.u32 s8, $0xFFFFF086  }
0x1c: {  	p1 =	slt.u32 s9, $0xF7A;
	s5 =	simm.s32 @!p2 $0x0  }
0x1d: {  	s5 =	simm.s32 @p1 $0x1;
	p0 =	seq.s32 s7, s2  }
0x1e: {  	s7 =	smul.u32 @!p0 $0xF7A, s2;
	p2 =	seq.s32 @!p0 s5, $0x0  }
0x1f: {  	s9 =	smul.u32 $0xF7A, s1;
	s8 =	simm.s32 @!p0 $0x1BF5;
	p2 =	por !p2, p0  }
0x20: {  	[sflag:s8] =	ssyncset.s32 @!p0 $0xFFFFF086;
	s6 =	sadd.s32 @!p0 s3, s7;
	s7 =	simm.s32 @!p0 $0x108  }
0x21: {  	s3 =	sadd.s32 s3, s9;
	s6 =	sadd.s32 @!p0 $0x88, s6;
	s7 =	simm.s32 @p2 $0x1082  }
0x22: {  	[simem:s7], [sflag:s8] =	dma.local @!p0 [hbm:s6], $0xF7A  }
0x23: {  	s9 =	sor.u32 $0xD0000000, s2;
	s6 =	simm.s32 $0x108;
	_ =	swait.ge @!p0 [sflag:s8], $0x0  }
0x24: {  	s3 =	sadd.s32 $0x88, s3;
	s6 =	simm.s32 @!p1 $0x1082;
	[sflag:s4] =	ssyncset.s32 $0xFFFFF086  }
0x25: {  	[simem:s6], [sflag:s4] =	dma.local [hbm:s3], $0xF7A  }
0x26: {  	[smem:$0x3FA0] =	sst s1;
	(tag) =	ssettag s2;
	_ =	strace s9  }
0x27: {  	s1 =	sld [smem:$0x3FB0]  }
0x28: {  	s2 =	sld [smem:$0x3FB1]  }
0x29: {  	s4 =	sld [smem:$0x3FB3]  }
0x2a: {  	p0 =	seq.s32 s5, $0x0;
	s5 =	sld [smem:$0x3FB4]  }
0x2b: {  	s6 =	sld [smem:$0x3FB5]  }
0x2c: {  	s7 =	sld [smem:$0x3FB6]  }
0x2d: {  	s3 =	simm.s32 $0x108;
	s8 =	sld [smem:$0x3FB7]  }
0x2e: {  	s3 =	simm.s32 @!p0 $0x1082;
	s9 =	sld [smem:$0x3FB8]  }
0x2f: {  	lr =	sadd.s32 s0, s3;
	s0 =	sld [smem:$0x3FAF]  }
0x30: {  	s3 =	sld [smem:$0x3FB2]  }
0x31: {  	[smem:$0x3FBB] =	sst s10  }
0x32: {  	s10 =	sld [smem:$0x3FB9];
	_ =	sdelay $0x3  }
0x33: {  	p0 =	seq.s32 s10, $0x1;
	s10 =	sld [smem:$0x3FBB];
	_ =	sdelay $0x3  }
0x34: {  	[smem:$0x3FBB] =	sst s10  }
0x35: {  	s10 =	sld [smem:$0x3FBA];
	_ =	sdelay $0x3  }
0x36: {  	p1 =	seq.s32 s10, $0x1;
	s10 =	sld [smem:$0x3FBB];
	_ =	sdelay $0x3  }
0x37: {  	[smem:$0x3FBB] =	sst s10  }
0x38: {  	s10 =	sld [smem:$0x3FBC]  }
0x39: {  	_ = 	snop;
	(pc) =	sbr.ind lr, $3  }
0x3a: {  	_ = 	snop  }
0x3b: {  	_ = 	snop  }
0x3c: {  	p2 =	seq.s32 s10, $0x1;
	s10 =	sld [smem:$0x3FBB]  }
0x3d: {  	_ =	shalt  }
0x3e: {  	_ =	shalt  }
0x3f: {  	_ =	shalt  }
0x40: {  	_ =	shalt  }
0x41: {  	_ =	shalt  }
0x42: {  	_ =	shalt  }
0x43: {  	_ =	shalt  }
0x44: {  	_ =	shalt  }
0x45: {  	_ =	shalt  }
0x46: {  	_ =	shalt  }
0x47: {  	_ =	shalt  }
0x48: {  	_ =	shalt  }
0x49: {  	_ =	shalt  }
0x4a: {  	_ =	shalt  }
0x4b: {  	_ =	shalt  }
0x4c: {  	_ =	shalt  }
0x4d: {  	_ =	shalt  }
0x4e: {  	_ =	shalt  }
0x4f: {  	_ =	shalt  }
0x50: {  	_ =	shalt  }
0x51: {  	_ =	shalt  }
0x52: {  	_ =	shalt  }
0x53: {  	_ =	shalt  }
0x54: {  	_ =	shalt  }
0x55: {  	_ =	shalt  }
0x56: {  	_ =	shalt  }
0x57: {  	_ =	shalt  }
0x58: {  	_ =	shalt  }
0x59: {  	_ =	shalt  }
0x5a: {  	_ =	shalt  }
0x5b: {  	_ =	shalt  }
0x5c: {  	_ =	shalt  }
0x5d: {  	_ =	shalt  }
0x5e: {  	_ =	shalt  }
0x5f: {  	_ =	shalt  }
0x60: {  	_ =	shalt  }
0x61: {  	_ =	shalt  }
0x62: {  	_ =	shalt  }
0x63: {  	_ =	shalt  }
0x64: {  	_ =	shalt  }
0x65: {  	_ =	shalt  }
0x66: {  	_ =	shalt  }
0x67: {  	_ =	shalt  }
0x68: {  	_ =	shalt  }
0x69: {  	_ =	shalt  }
0x6a: {  	_ =	shalt  }
0x6b: {  	_ =	shalt  }
0x6c: {  	_ =	shalt  }
0x6d: {  	_ =	shalt  }
0x6e: {  	_ =	shalt  }
0x6f: {  	_ =	shalt  }
0x70: {  	_ =	shalt  }
0x71: {  	_ =	shalt  }
0x72: {  	_ =	shalt  }
0x73: {  	_ =	shalt  }
0x74: {  	_ =	shalt  }
0x75: {  	_ =	shalt  }
0x76: {  	_ =	shalt  }
0x77: {  	_ =	shalt  }
0x78: {  	_ =	shalt  }
0x79: {  	_ =	shalt  }
0x7a: {  	_ =	shalt  }
0x7b: {  	_ =	shalt  }
0x7c: {  	_ =	shalt  }
0x7d: {  	_ =	shalt  }
0x7e: {  	_ =	shalt  }
0x7f: {  	_ =	shalt  }
0x80: {  	_ =	shalt  }
0x81: {  	_ =	shalt  }
0x82: {  	_ =	shalt  }
0x83: {  	_ =	shalt  }
0x84: {  	_ =	shalt  }
0x85: {  	_ =	shalt  }
0x86: {  	_ =	shalt  }
0x87: {  	_ =	shalt  }
.Lfunc_end0:
.L_simem_size_0:
called_computation_lowered:
.L_overlay_start_0:
0x88: {  	s2 =	sld [smem:$0x3FD9]  }
0x89: {  	s3 =	sld [smem:$0x3FFE];
	_ =	sdelay $0x1  }
0x8a: {  	s1 =	srdreg.scid  }
0x8b: {  	s0 =	sand.u32 $0x1, s1  }
0x8c: {  	s18 =	sshll.u32 s0, $0xA;
	s2 =	sadd.s32 s3, s2  }
0x8d: {  	s2 =	sadd.s32 s2, s18  }
0x8e: {  	[smem:$0x3FC7] =	sst s2  }
0x8f: {  	_ = 	snop  }
0x90: {  	s2 =	sld [smem:$0x3FC9]  }
0x91: {  	s19 =	sld [smem:$0x3FD0];
	(tm) =	ssettm $0x1  }
0x92: {  	s4 =	sld [smem:$0x3FFB];
	_ =	sdelay $0x3  }
0x93: {  	_ =	strace s4  }
0x94: {  	s4 =	sld [smem:$0x3FFC];
	_ =	sdelay $0x3  }
0x95: {  	_ =	strace s4  }
0x96: {  	s4 =	sld [smem:$0x3FFD];
	_ =	sdelay $0x3  }
0x97: {  	_ =	strace s4  }
0x98: {  	_ =	strace $0x8FFFFFFF  }
0x99: {  	s20 =	sld [smem:$0x3FDB];
	_ =	sdelay $0x1  }
0x9a: {  	s5 =	simm.s32 $_scs_section_size  }
0x9b: {  	s6 =	simm.s32 $_size__tile_overlayer_lowered;
	s7 =	simm.s32 $_tile_overlayer_lowered  }
0x9c: {  	s23 =	simm.s32 $0x1BFF;
	s22 =	sshll.u32 s7, $0x1;
	s4 =	sadd.s32 s5, s20  }
0x9d: {  	s8 =	simm.s32 $0x0;
	s21 =	sshll.u32 s6, $0x1;
	s6 =	sadd.s32 s22, s4  }
0x9e: {  	[timem:s8], [sflag:s23] =	dma.local [hbm:s6], s21  }
0x9f: {  	_ =	swait.ge [sflag:s23], s21  }
0xa0: {  	s5 =	ssub.s32 $0x0, s21;
	[sflag:s23] =	ssyncset.done $0x0  }
0xa1: {  	[sflag:s23] =	ssyncadd.s32 s5;
	_ =	sdelay $0x1  }
0xa2: {  	s24 =	simm.s32 $0x1B8B  }
0xa3: {  	_ =	swait.ge [sflag:s24], $0x1  }
0xa4: {  	[sflag:s24] =	ssyncset.done $0x0  }
0xa5: {  	s25 =	simm.s32 $0x1B8E;
	[sflag:s24] =	ssyncadd.s32 $0xFFFFFFFF  }
0xa6: {  	s26 =	simm.s32 $execute0_lowered;
	[smem:$0x3FD2] =	sst s25  }
0xa7: {  	s5 =	sshll.u32 s26, $0x1;
	_ =	strace $0x80000046;
	[dreg:$0x1] =	wrdreg $0xFFFFFFFF  }
0xa8: {  	s28 =	simm.s32 $_size_execute0_lowered;
	s4 =	sadd.s32 s4, s5;
	[dreg:$0x0] =	wrdreg $0x0  }
0xa9: {  	s5 =	sshll.u32 s28, $0x1;
	[dreg:$0x2] =	wrdreg s4  }
0xaa: {  	[dreg:$0x3] =	wrdreg s5  }
0xab: {  	[dreg:$0x4] =	wrdreg $0xC0  }
0xac: {  	_ =	task [dreg:s8], $0x5FFFF  }
0xad: {  	[dreg:$0x1] =	wrdreg $0xFFFFFFFF  }
0xae: {  	[dreg:$0x0] =	wrdreg $0x60  }
0xaf: {  	[dreg:$0x2] =	wrdreg s2  }
0xb0: {  	[dreg:$0x3] =	wrdreg s19  }
0xb1: {  	[dreg:$0x4] =	wrdreg $0x9  }
0xb2: {  	_ =	task.clear_ibuf [dreg:s8], $0x5FFFF;
	_ =	strace $0x90000046  }
0xb3: {  	s29 =	simm.s32 $0x9;
	_ =	strace $0x80000048  }
0xb4: {  	_ =	swait.ge [sflag:s29], $0x1  }
0xb5: {  	[sflag:s29] =	ssyncadd.s32 $0xFFFFFFFF  }
0xb6: {  	_ =	strace $0x90000048  }
0xb7: {  	_ =	sfence  }
0xb8: {  	s30 =	sld [smem:$0x0];
	_ =	sdelay $0x2  }
0xb9: {  	s31 =	sshll.u32 s1, $0xD;
	s1 =	sshrl.u32 s1, $0x2  }
0xba: {  	s3 =	sand.u32 $0x4000, s31;
	s1 =	sadd.s32 s1, s30  }
0xbb: {  	s0 =	sor.u32 s3, s0;
	s1 =	sshll.u32 s1, $0x11  }
0xbc: {  	s0 =	sor.u32 s1, s0  }
0xbd: {  	s0 =	sadd.s32 $0x8F2B, s0  }
0xbe: {  	[sflag:s0] =	ssyncadd.remote.s32 $0x1  }
0xbf: {  	_ =	sfence.sel $0xFFFF  }
0xc0: {  	[dreg:$0x0] =	wrdreg $0xFFFFFFFF;
	(pc) =	sbr.abs _section_cstart, $3  }
0xc1: {  	[dreg:$0x1] =	wrdreg $0xFFFFFFFF  }
0xc2: {  	_ =	task.clear_ibuf [dreg:s8], $0x2FFFF;
	_ =	strace $0x9FFFFFFF  }
0xc3: {  	(tm) =	ssettm $0x7FFFFFFF  }
tec
execute0_lowered:
.L_overlay_start_1:
0x0: {  	(tag) =	ssettag $0x1  }
0x1: {  	s1 =	rddreg [dreg:$0x1];
	s2 =	srdreg.scid  }
0x2: {  	s6 =	simm.s32 $0x0;
	s4 =	stileid.u32;
	s2 =	sand.u32 $0x1, s2  }
0x3: {  	s4 =	sshll.u32 s4, $0xD;
	s3 =	ssub.s32 $0x2, s2;
	s2 =	sshll.u32 s2, $0xC  }
0x4: {  	[smem:$0x7FF] =	sst s6;
	s2 =	sor.u32 s2, s4  }
0x5: {  	s0 =	rddreg [dreg:$0x0];
	_ =	strace $0x80000047;
	s25 =	sadd.s32 s1, s2  }
0x6: {  	s7 =	sadd.s32 s0, s2;
	s4 =	sor.u32 $0x200, s2;
	[dreg:$0x1f] =	wrdreg s25  }
0x7: {  	s26 =	sor.u32 $0x800, s2;
	s24 =	sadd.s32 s0, s4;
	[dreg:$0x1d] =	wrdreg s7  }
0x8: {  	s8 =	sadd.s32 s0, s26;
	[dreg:$0x1e] =	wrdreg s24  }
0x9: {  	s2 =	sor.u32 $0xE00, s2;
	s4 =	sadd.s32 s1, s4;
	[smem:$0x7F7] =	sst s8  }
0xa: {  	s17 =	simm.s32 $0x3000;
	s0 =	sadd.s32 s0, s2;
	[smem:$0x7F8] =	sst s4  }
0xb: {  	s5 =	sshrl.u32 s3, $0x1;
	s28 =	sadd.s32 s1, s26;
	[smem:$0x7F9] =	sst s0  }
0xc: {  	s3 =	ssub.s32 s3, s5;
	s29 =	sadd.s32 s1, s2;
	[smem:$0x7FA] =	sst s28  }
0xd: {  	s18 =	simm.s32 $0x100000;
	s30 =	smax.u32 s3, $0x1;
	[smem:$0x7FB] =	sst s29  }
0xe: {  	s19 =	simm.s32 $0xC000;
	s31 =	sadd.s32 $0x20000, s7;
	[smem:$0x7FC] =	sst s30  }
0xf: {  	s20 =	simm.s32 $0x2;
	s1 =	simm.s32 $0x0;
	[smem:$0x7FD] =	sst s31  }
.LBB2_1:
0x10: {  	s0 =	rddreg [dreg:$0x1d]  }
0x11: {  	s13 =	sld [smem:$0x7FD]  }
0x12: {  	[tilespmem:s6], [sflag:$0x1] =	stream.linear.gather [hbm4b:s0+s6], $0x1000, $0x38;
	[tilespmem:$0x18000] =	vst v63  }
0x13: {  	[smem:$0x7F6] =	sst s1  }
0x14: {  	[tilespmem:s17], [sflag:$0x1] =	stream.linear.gather [hbm4b:s13+s6], $0x1000, $0x38;
	[tilespmem:$0x18000] =	vst v63  }
0x15: {  	s14 =	rddreg [dreg:$0x1e];
	s15 =	simm.s32 $0x6000;
	s2 =	simm.s32 $0x1  }
0x16: {  	[tilespmem:s15], [sflag:$0x2] =	stream.strided.gather [hbm4b:s14+s17], $0x6000, s18, s17, $0x38;
	[tilespmem:$0x18000] =	vst v63  }
0x17: {  	_ =	swait.ge [sflag:s2], $0x2000  }
0x18: {  	s16 =	sand.u32 $0x60, s6;
	s21 =	sand.u32 $0xC00, s6;
	[sflag:s2] =	ssyncset.done $0x0  }
0x19: {  	s26 =	sor.u32 s16, s21;
	[sflag:s2] =	ssyncadd.s32 $0xFFFFE000  }
0x1a: {  	v0 =	vld [tilespmem:s26+$0x3210]  }
0x1b: {  	v1 =	vld [tilespmem:s26+$0x10]  }
0x1c: {  	s22 =	sand.u32 $0x3, s6;
	v2 =	vld [tilespmem:s26+$0x90]  }
0x1d: {  	s0 =	sshll.u32 s22, $0x5;
	v3 =	vld [tilespmem:s26+$0x110]  }
0x1e: {  	s0 =	sadd.s32 $0x0, s0;
	v4 =	vld [tilespmem:s26+$0x190]  }
0x1f: {  	s23 =	sadd.s32 $0x10, s0;
	v5 =	vld [tilespmem:s26+$0x210]  }
0x20: {  	s13 =	sor.u32 $0x300, s23;
	v6 =	vld [tilespmem:s26+$0x290]  }
0x21: {  	s12 =	sor.u32 $0x380, s23;
	v7 =	vld [tilespmem:s13+$0x0]  }
0x22: {  	s24 =	sand.u32 $0xFFFFFC00, s6;
	v8 =	vld [tilespmem:s12+$0x0];
	v1 =	vsub.f32 v2, v1  }
0x23: {  	s1 =	sadd.s32 $0x0, s24;
	v2 =	vld [tilespmem:s26+$0x3290];
	v3 =	vsub.f32 v4, v3  }
0x24: {  	s9 =	sor.u32 $0x180, s1;
	v1 =	vmul.f32 $1.442695020e+00, v1  }
0x25: {  	v4 =	vld [tilespmem:s9+$0x0];
	v3 =	vmul.f32 $1.442695020e+00, v3  }
0x26: {  	v5 =	vsub.f32 v6, v5;
	v6 =	vld [tilespmem:s26+$0x0];
	(erf) = vpow2.f32 v1  }
0x27: {  	v1 =	vsub.f32 v8, v7;
	v7 =	vld [tilespmem:s26+$0x80];
	(erf) = vpow2.f32 v3  }
0x28: {  	v5 =	vmul.f32 $1.442695020e+00, v5;
	v0 =	vsub.f32 v2, v0;
	v2 =	vld [tilespmem:s26+$0x100]  }
0x29: {  	v1 =	vmul.f32 $1.442695020e+00, v1  }
0x2a: {  	v3 =	vld [tilespmem:s26+$0x200];
	(erf) = vpow2.f32 v5;
	v0 =	vmul.f32 $1.442695020e+00, v0  }
0x2b: {  	(erf) = vpow2.f32 v1;
	v1 =	vld [tilespmem:s26+$0x280]  }
0x2c: {  	(erf) = vpow2.f32 v0;
	v0 =	vsub.f32 v7, v6  }
0x2d: {  	v2 =	vsub.f32 v4, v2  }
0x2e: {  	v9 =	vld [tilespmem:s26+$0x3200];
	v0 =	vmul.f32 $1.442695020e+00, v0  }
0x2f: {  	s25 =	sor.u32 s6, s6;
	s10 =	sor.u32 $0x300, s0;
	v8 =	vld [tilespmem:s26+$0x3000];
	v2 =	vmul.f32 $1.442695020e+00, v2;
	v7 =	vpop (erf)  }
0x30: {  	s11 =	sor.u32 $0x380, s25;
	v5 =	vld [tilespmem:s10+$0x0];
	v1 =	vsub.f32 v1, v3;
	(erf) = vpow2.f32 v0;
	v0 =	vadd.f32 $1.000000000e+00, v7;
	v3 =	vpop (erf)  }
0x31: {  	s28 =	sor.u32 $0x3180, s1;
	v6 =	vld [tilespmem:s11+$0x0];
	(erf) = vpow2.f32 v2;
	v2 =	vadd.f32 $1.000000000e+00, v3  }
0x32: {  	v4 =	vld [tilespmem:s28+$0x0]  }
0x33: {  	v7 =	vld [tilespmem:s26+$0x3100]  }
0x34: {  	v3 =	vld [tilespmem:s26+$0x3080];
	v1 =	vmul.f32 $1.442695020e+00, v1;
	(erf) = vrcp.f32 v0;
	v0 =	vpop (erf)  }
0x35: {  	v10 =	vld [tilespmem:s26+$0x3280];
	(erf) = vrcp.f32 v2;
	v0 =	vadd.f32 $1.000000000e+00, v0;
	v2 =	vpop (erf)  }
0x36: {  	v5 =	vsub.f32 v6, v5;
	(erf) = vpow2.f32 v1;
	v1 =	vadd.f32 $1.000000000e+00, v2;
	v2 =	vpop (erf)  }
0x37: {  	s4 =	simm.s32 $0x100;
	s5 =	simm.s32 $0x20;
	(erf) = vrcp.f32 v0;
	v0 =	vadd.f32 $1.000000000e+00, v2  }
0x38: {  	s29 =	sand.u32 $0x60, s5;
	s30 =	sand.u32 $0xC00, s4;
	v4 =	vsub.f32 v4, v7;
	v2 =	vmul.f32 $1.442695020e+00, v5;
	(erf) = vrcp.f32 v1  }
0x39: {  	s0 =	sor.u32 s29, s30;
	(erf) = vrcp.f32 v0;
	v0 =	vsub.f32 v3, v8  }
0x3a: {  	v16 =	vld [tilespmem:s0+$0x110];
	v1 =	vmul.f32 $1.442695020e+00, v4;
	(erf) = vpow2.f32 v2;
	v2 =	vsub.f32 v10, v9  }
0x3b: {  	s6 =	simm.s32 $0x1;
	v18 =	vld [tilespmem:s0+$0x190];
	v3 =	vpop (erf);
	v0 =	vmul.f32 $1.442695020e+00, v0  }
0x3c: {  	s31 =	sand.u32 $0x3, s6;
	v6 =	vld [tilespmem:s26+$0x3090];
	v4 =	vpop (erf);
	(erf) = vpow2.f32 v1;
	v1 =	vmul.f32 $1.442695020e+00, v2  }
0x3d: {  	s1 =	sshll.u32 s31, $0x5;
	v7 =	vld [tilespmem:s26+$0x3110];
	v4 =	vadd.f32 $1.000000000e+00, v4  }
0x3e: {  	s3 =	sadd.s32 $0x100, s1;
	v5 =	vld [tilespmem:s26+$0x3010];
	v2 =	vpop (erf)  }
0x3f: {  	s1 =	sadd.s32 $0x10, s3;
	v10 =	vld [tilespmem:s26+$0x3190];
	(erf) = vpow2.f32 v0;
	v0 =	vpop (erf)  }
0x40: {  	s7 =	sor.u32 $0x300, s1;
	v19 =	vld [tilespmem:s0+$0x290];
	v16 =	vsub.f32 v18, v16;
	(erf) = vpow2.f32 v1;
	v1 =	vpop (erf)  }
0x41: {  	s8 =	sor.u32 $0x380, s1;
	v20 =	vld [tilespmem:s7+$0x0];
	v3 =	vadd.f32 $1.000000000e+00, v3;
	v8 =	vsub.f32 $1.000000000e+00, v2;
	(erf) = vrcp.f32 v4;
	v4 =	vpop (erf)  }
0x42: {  	v21 =	vld [tilespmem:s8+$0x0];
	v9 =	vsub.f32 $1.000000000e+00, v0;
	v11 =	vadd.f32 $1.000000000e+00, v1;
	v13 =	vpop (erf)  }
0x43: {  	v54 =	vld [tilespmem:s0+$0x200];
	(erf) = vrcp.f32 v3;
	v14 =	vsub.f32 $1.000000000e+00, v4;
	v1 =	vmul.f32 v4, v8;
	v4 =	vpop (erf)  }
0x44: {  	v16 =	vmul.f32 $1.442695020e+00, v16;
	v5 =	vsub.f32 v6, v5;
	v7 =	vsub.f32 v10, v7;
	v10 =	vld [tilespmem:s0+$0x210];
	v6 =	vpop (erf)  }
0x45: {  	[tilespmem:s26+$0xC010] =	vst v2;
	v12 =	vmul.f32 v0, v2;
	v0 =	vmul.f32 v9, v2;
	v2 =	vld [tilespmem:s0+$0x10];
	v6 =	vadd.f32 $1.000000000e+00, v6  }
0x46: {  	v5 =	vmul.f32 $1.442695020e+00, v5;
	(erf) = vrcp.f32 v11;
	v11 =	vld [tilespmem:s0+$0x90];
	v15 =	vsub.f32 $1.000000000e+00, v4  }
0x47: {  	v56 =	vld [tilespmem:s0+$0x280];
	v7 =	vmul.f32 $1.442695020e+00, v7;
	v9 =	vsub.f32 $1.000000000e+00, v13;
	v13 =	vmul.f32 v13, v12;
	v17 =	vpop (erf)  }
0x48: {  	v22 =	vld [tilespmem:s0+$0x3290];
	v14 =	vmul.f32 v14, v8;
	v17 =	vadd.f32 $1.000000000e+00, v17;
	(erf) = vrcp.f32 v6  }
0x49: {  	v3 =	vld [tilespmem:s0+$0x3210];
	v10 =	vsub.f32 v19, v10;
	v9 =	vmul.f32 v9, v12;
	(erf) = vpow2.f32 v5;
	v6 =	vpop (erf)  }
0x4a: {  	v5 =	vmul.f32 v15, v14;
	(erf) = vrcp.f32 v17;
	v6 =	vadd.f32 $1.000000000e+00, v6;
	v15 =	vpop (erf)  }
0x4b: {  	v2 =	vsub.f32 v11, v2;
	(erf) = vpow2.f32 v7;
	v15 =	vadd.f32 $1.000000000e+00, v15;
	v50 =	vpop (erf)  }
0x4c: {  	s14 =	sand.u32 $0xFFFFFC00, s4;
	v24 =	vld [tilespmem:s0+$0x80];
	[tilespmem:s26+$0xC090] =	vst v8;
	v19 =	vsub.f32 v56, v54;
	v8 =	vmul.f32 $1.442695020e+00, v10;
	v11 =	vpop (erf);
	(erf) = vrcp.f32 v6  }
0x4d: {  	s14 =	sadd.s32 $0x20, s14;
	v10 =	vsub.f32 v21, v20;
	v2 =	vmul.f32 $1.442695020e+00, v2;
	(erf) = vrcp.f32 v15;
	v15 =	vld [tilespmem:s0+$0x0]  }
0x4e: {  	s1 =	sor.u32 $0x180, s14;
	v4 =	vmul.f32 v4, v14;
	v3 =	vsub.f32 v22, v3;
	v19 =	vmul.f32 $1.442695020e+00, v19  }
0x4f: {  	[tilespmem:s26+$0xC110] =	vst v12;
	v10 =	vmul.f32 $1.442695020e+00, v10;
	v6 =	vld [tilespmem:s1+$0x0];
	(erf) = vpow2.f32 v2  }
0x50: {  	[tilespmem:s26+$0xC190] =	vst v0;
	v3 =	vmul.f32 $1.442695020e+00, v3;
	v7 =	vsub.f32 $1.000000000e+00, v50;
	v23 =	vpop (erf);
	v2 =	vld [tilespmem:s0+$0x100];
	(erf) = vpow2.f32 v16  }
0x51: {  	s3 =	sor.u32 $0x300, s3;
	[tilespmem:s26+$0xC210] =	vst v1;
	v51 =	vsub.f32 $1.000000000e+00, v11;
	v17 =	vmul.f32 v50, v11;
	v55 =	vpop (erf);
	(erf) = vpow2.f32 v8  }
0x52: {  	s5 =	sor.u32 s4, s5;
	v57 =	vld [tilespmem:s3+$0x0];
	[tilespmem:s26+$0xC290] =	vst v14;
	v7 =	vmul.f32 v7, v11;
	v52 =	vsub.f32 $1.000000000e+00, v23;
	v8 =	vpop (erf);
	v14 =	vsub.f32 v24, v15  }
0x53: {  	s5 =	sor.u32 $0x380, s5;
	v59 =	vld [tilespmem:s0+$0x3080];
	[tilespmem:s13+$0xC000] =	vst v13;
	v12 =	vmul.f32 v23, v51;
	(erf) = vpow2.f32 v10;
	v58 =	vpop (erf);
	v8 =	vadd.f32 $1.000000000e+00, v8  }
0x54: {  	[tilespmem:s12+$0xC000] =	vst v9;
	(erf) = vpow2.f32 v3;
	v3 =	vld [tilespmem:s5+$0x0];
	v10 =	vpop (erf);
	v14 =	vmul.f32 $1.442695020e+00, v14  }
0x55: {  	v9 =	vld [tilespmem:s0+$0x3000];
	[tilespmem:s26+$0xF210] =	vst v4;
	v53 =	vmul.f32 v52, v51;
	v2 =	vsub.f32 v6, v2;
	v10 =	vadd.f32 $1.000000000e+00, v10;
	v6 =	vpop (erf)  }
0x56: {  	[tilespmem:s26+$0xF290] =	vst v5;
	v13 =	vsub.f32 $1.000000000e+00, v55;
	(erf) = vrcp.f32 v8;
	v4 =	vsub.f32 $1.000000000e+00, v6  }
0x57: {  	s4 =	sor.u32 $0x3180, s14;
	[tilespmem:s26+$0xC000] =	vst v11;
	v5 =	vmul.f32 v55, v17;
	v8 =	vpop (erf);
	(erf) = vrcp.f32 v10  }
0x58: {  	[tilespmem:s26+$0xC080] =	vst v51;
	v15 =	vld [tilespmem:s4+$0x0];
	v13 =	vmul.f32 v13, v17;
	(erf) = vpow2.f32 v14;
	v14 =	vpop (erf)  }
0x59: {  	[tilespmem:s26+$0xC100] =	vst v17;
	v2 =	vmul.f32 $1.442695020e+00, v2;
	v10 =	vld [tilespmem:s0+$0x3100];
	v6 =	vmul.f32 v6, v7;
	v3 =	vsub.f32 v3, v57;
	v61 =	vpop (erf)  }
0x5a: {  	[tilespmem:s9+$0xC000] =	vst v7;
	v62 =	vmul.f32 v4, v7;
	v7 =	vsub.f32 v59, v9;
	v14 =	vadd.f32 $1.000000000e+00, v14;
	v4 =	vpop (erf)  }
0x5b: {  	(erf) = vpow2.f32 v2;
	v11 =	vadd.f32 $1.000000000e+00, v61;
	v4 =	vadd.f32 $1.000000000e+00, v4  }
0x5c: {  	v60 =	vld [tilespmem:s0+$0x3200];
	v3 =	vmul.f32 $1.442695020e+00, v3;
	(erf) = vrcp.f32 v14  }
0x5d: {  	v2 =	vld [tilespmem:s0+$0x3280];
	v7 =	vmul.f32 $1.442695020e+00, v7;
	(erf) = vrcp.f32 v11  }
0x5e: {  	[tilespmem:s26+$0xC200] =	vst v12;
	v9 =	vsub.f32 v15, v10;
	v10 =	vpop (erf);
	v14 =	vsub.f32 $1.000000000e+00, v8;
	(erf) = vpow2.f32 v19  }
0x5f: {  	[tilespmem:s26+$0xC280] =	vst v53;
	v8 =	vmul.f32 v8, v53;
	v10 =	vadd.f32 $1.000000000e+00, v10;
	(erf) = vrcp.f32 v4;
	v4 =	vpop (erf)  }
0x60: {  	[tilespmem:s10+$0xC000] =	vst v5;
	v11 =	vsub.f32 $1.000000000e+00, v58;
	v9 =	vmul.f32 $1.442695020e+00, v9;
	v5 =	vadd.f32 $1.000000000e+00, v4  }
0x61: {  	[tilespmem:s11+$0xC000] =	vst v13;
	v14 =	vmul.f32 v14, v53;
	(erf) = vrcp.f32 v10;
	v13 =	vpop (erf)  }
0x62: {  	[tilespmem:s26+$0xF000] =	vst v6;
	v2 =	vsub.f32 v2, v60;
	v10 =	vmul.f32 v58, v12;
	v4 =	vpop (erf);
	(erf) = vrcp.f32 v5  }
0x63: {  	[tilespmem:s26+$0xF080] =	vst v62;
	v6 =	vpop (erf);
	(erf) = vpow2.f32 v3;
	v3 =	vmul.f32 v11, v12  }
0x64: {  	v15 =	vmul.f32 $1.442695020e+00, v2;
	[tilespmem:s26+$0xF100] =	vst v10;
	v5 =	vsub.f32 $1.000000000e+00, v13;
	v11 =	vpop (erf);
	(erf) = vpow2.f32 v9  }
0x65: {  	v2 =	vsub.f32 $1.000000000e+00, v4;
	v63 =	vadd.f32 $1.000000000e+00, v11;
	(erf) = vpow2.f32 v7;
	v7 =	vpop (erf);
	[tilespmem:s28+$0xC000] =	vst v3  }
0x66: {  	v10 =	vadd.f32 $1.000000000e+00, v6;
	v6 =	vld [tilespmem:s0+$0x3010];
	v3 =	vmul.f32 v13, v0;
	(erf) = vpow2.f32 v15;
	v12 =	vpop (erf);
	[tilespmem:s26+$0xF200] =	vst v8  }
0x67: {  	s2 =	simm.s32 $0x2;
	s9 =	simm.s32 $0x200;
	s10 =	simm.s32 $0x40;
	v9 =	vld [tilespmem:s0+$0x3090];
	v8 =	vsub.f32 $1.000000000e+00, v7;
	[tilespmem:s26+$0xF280] =	vst v14;
	v11 =	vsub.f32 $1.000000000e+00, v12;
	(erf) = vrcp.f32 v63;
	v13 =	vpop (erf)  }
.LBB2_2:
0x68: {  	s11 =	sand.u32 $0xFFFFFC00, s9;
	s12 =	sand.u32 $0x60, s10;
	s13 =	sand.u32 $0xC00, s9;
	v13 =	vadd.f32 $1.000000000e+00, v13;
	v14 =	vld [tilespmem:s0+$0x3110];
	v12 =	vmul.f32 v12, v7;
	[tilespmem:s0+$0xC010] =	vst v7;
	(erf) = vrcp.f32 v10;
	v10 =	vpop (erf)  }
0x69: {  	v5 =	vmul.f32 v5, v0;
	s15 =	sor.u32 s12, s13;
	s11 =	sadd.s32 s11, s10;
	s12 =	sor.u32 s9, s10;
	v15 =	vld [tilespmem:s0+$0x3190];
	v18 =	vsub.f32 $1.000000000e+00, v10;
	[tilespmem:s0+$0xC090] =	vst v8;
	v0 =	vmul.f32 v11, v7  }
0x6a: {  	v10 =	vmul.f32 v10, v8;
	s13 =	sor.u32 $0x180, s11;
	s12 =	sor.u32 $0x380, s12;
	s11 =	sor.u32 $0x3180, s11;
	v7 =	vld [tilespmem:s15+$0x3210];
	[tilespmem:s0+$0xC110] =	vst v12;
	(erf) = vrcp.f32 v13;
	v11 =	vpop (erf)  }
0x6b: {  	s6 =	sadd.s32 $0x1, s6;
	v4 =	vmul.f32 v4, v1;
	v13 =	vld [tilespmem:s15+$0x10];
	v21 =	vsub.f32 $1.000000000e+00, v11;
	v8 =	vmul.f32 v18, v8;
	[tilespmem:s0+$0xC190] =	vst v0;
	v16 =	vpop (erf)  }
0x6c: {  	s14 =	sand.u32 $0x3, s6;
	v22 =	vmul.f32 v11, v12;
	v18 =	vld [tilespmem:s15+$0x90];
	v6 =	vsub.f32 v9, v6;
	v9 =	vsub.f32 $1.000000000e+00, v16;
	[tilespmem:s0+$0xC210] =	vst v10;
	v19 =	vpop (erf)  }
0x6d: {  	v2 =	vmul.f32 v2, v1;
	s14 =	sshll.u32 s14, $0x5;
	v20 =	vld [tilespmem:s15+$0x110];
	v19 =	vadd.f32 $1.000000000e+00, v19;
	v23 =	vmul.f32 v21, v12;
	[tilespmem:s0+$0xC290] =	vst v8;
	v17 =	vpop (erf)  }
0x6e: {  	s2 =	sadd.s32 $0x2, s2;
	s16 =	sadd.s32 s14, s9;
	v21 =	vld [tilespmem:s15+$0x190];
	v1 =	vmul.f32 $1.442695020e+00, v6;
	v6 =	vsub.f32 v15, v14;
	v24 =	vmul.f32 v9, v8;
	[tilespmem:s7+$0xC000] =	vst v22;
	v11 =	vpop (erf)  }
0x6f: {  	p0 =	slt.u32 s2, $0x1E;
	s14 =	sor.u32 $0x300, s16;
	s16 =	sadd.s32 $0x10, s16;
	v15 =	vadd.f32 $1.000000000e+00, v17;
	v14 =	vld [tilespmem:s15+$0x210];
	v11 =	vadd.f32 $1.000000000e+00, v11;
	[tilespmem:s8+$0xC000] =	vst v23;
	(erf) = vrcp.f32 v19;
	v12 =	vpop (erf)  }
0x70: {  	s7 =	sor.u32 $0x300, s16;
	v17 =	vld [tilespmem:s15+$0x290];
	v12 =	vadd.f32 $1.000000000e+00, v12;
	v6 =	vmul.f32 $1.442695020e+00, v6;
	[tilespmem:s0+$0xF290] =	vst v24;
	v9 =	vpop (erf);
	(erf) = vpow2.f32 v1  }
0x71: {  	v8 =	vmul.f32 v16, v8;
	s8 =	sor.u32 $0x380, s16;
	v19 =	vld [tilespmem:s7+$0x0];
	v22 =	vsub.f32 $1.000000000e+00, v9;
	v16 =	vpop (erf);
	(erf) = vrcp.f32 v15;
	[tilespmem:s26+$0xF010] =	vst v3  }
0x72: {  	v13 =	vsub.f32 v18, v13;
	v3 =	vld [tilespmem:s8+$0x0];
	v15 =	vsub.f32 $1.000000000e+00, v16;
	(erf) = vpow2.f32 v6;
	[tilespmem:s26+$0xF090] =	vst v5;
	v1 =	vmovc v10  }
0x73: {  	v5 =	vld [tilespmem:s15+$0x3290];
	v6 =	vsub.f32 v21, v20;
	v10 =	vmul.f32 v22, v16;
	v18 =	vpop (erf);
	(erf) = vrcp.f32 v11;
	[tilespmem:s26+$0xF110] =	vst v4  }
0x74: {  	v11 =	vmul.f32 $1.442695020e+00, v13;
	v4 =	vld [tilespmem:s13+$0x0];
	v13 =	vsub.f32 $1.000000000e+00, v18;
	(erf) = vrcp.f32 v12;
	[tilespmem:s26+$0xF190] =	vst v2;
	s26 =	smov.u32 s0;
	s0 =	smov.u32 s15  }
0x75: {  	v2 =	vld [tilespmem:s0+$0x0];
	v6 =	vmul.f32 $1.442695020e+00, v6;
	v12 =	vsub.f32 v17, v14;
	v14 =	vmul.f32 v18, v15;
	[tilespmem:s26+$0xF210] =	vst v8  }
0x76: {  	v8 =	vld [tilespmem:s0+$0x80];
	(erf) = vpow2.f32 v11;
	v11 =	vmul.f32 v13, v15;
	[tilespmem:s26+$0xC080] =	vst v15  }
0x77: {  	v13 =	vld [tilespmem:s0+$0x100];
	v12 =	vmul.f32 $1.442695020e+00, v12;
	v3 =	vsub.f32 v3, v19;
	(erf) = vpow2.f32 v6;
	[tilespmem:s26+$0xC000] =	vst v16  }
0x78: {  	v6 =	vld [tilespmem:s0+$0x200];
	v5 =	vsub.f32 v5, v7;
	v7 =	vmul.f32 v9, v16;
	v9 =	vpop (erf)  }
0x79: {  	v15 =	vld [tilespmem:s0+$0x280];
	v3 =	vmul.f32 $1.442695020e+00, v3;
	(erf) = vpow2.f32 v12;
	v12 =	vsub.f32 $1.000000000e+00, v9;
	v16 =	vpop (erf)  }
0x7a: {  	v17 =	vld [tilespmem:s14+$0x0];
	v5 =	vmul.f32 $1.442695020e+00, v5;
	v9 =	vmul.f32 v9, v7;
	[tilespmem:s26+$0xC100] =	vst v7;
	v16 =	vadd.f32 $1.000000000e+00, v16;
	v18 =	vpop (erf)  }
0x7b: {  	v19 =	vld [tilespmem:s11+$0x0];
	v2 =	vsub.f32 v8, v2;
	(erf) = vpow2.f32 v3;
	v3 =	vsub.f32 $1.000000000e+00, v18;
	[tilespmem:s1+$0xC000] =	vst v10;
	v8 =	vpop (erf);
	s1 =	smov.u32 s13  }
0x7c: {  	v20 =	vld [tilespmem:s12+$0x0];
	v4 =	vsub.f32 v4, v13;
	(erf) = vpow2.f32 v5;
	[tilespmem:s26+$0xC200] =	vst v14;
	v5 =	vadd.f32 $1.000000000e+00, v8;
	v8 =	vpop (erf)  }
0x7d: {  	v13 =	vld [tilespmem:s0+$0x3000];
	v23 =	vmul.f32 $1.442695020e+00, v2;
	v21 =	vsub.f32 $1.000000000e+00, v8;
	[tilespmem:s26+$0xC280] =	vst v11;
	v22 =	vpop (erf);
	(erf) = vrcp.f32 v16  }
0x7e: {  	v16 =	vld [tilespmem:s0+$0x3080];
	v24 =	vmul.f32 $1.442695020e+00, v4;
	v6 =	vsub.f32 v15, v6;
	[tilespmem:s3+$0xC000] =	vst v9;
	(erf) = vrcp.f32 v5;
	s3 =	smov.u32 s14  }
0x7f: {  	v8 =	vmul.f32 v8, v10;
	v9 =	vsub.f32 $1.000000000e+00, v22;
	v5 =	vld [tilespmem:s0+$0x3100];
	(erf) = vpow2.f32 v23;
	v2 =	vpop (erf)  }
0x80: {  	v15 =	vld [tilespmem:s0+$0x3200];
	v6 =	vmul.f32 $1.442695020e+00, v6;
	v25 =	vadd.f32 $1.000000000e+00, v2;
	(erf) = vpow2.f32 v24;
	v4 =	vpop (erf)  }
0x81: {  	v10 =	vmul.f32 v21, v10;
	v23 =	vld [tilespmem:s0+$0x3280];
	v17 =	vsub.f32 v20, v17;
	v4 =	vadd.f32 $1.000000000e+00, v4  }
0x82: {  	v7 =	vmul.f32 v12, v7;
	(erf) = vrcp.f32 v25;
	v2 =	vpop (erf)  }
0x83: {  	v12 =	vsub.f32 v16, v13;
	v16 =	vadd.f32 $1.000000000e+00, v2;
	(erf) = vrcp.f32 v4  }
0x84: {  	v13 =	vmul.f32 $1.442695020e+00, v17;
	v17 =	vsub.f32 v19, v5;
	(erf) = vpow2.f32 v6;
	v5 =	vpop (erf);
	[tilespmem:s5+$0xC000] =	vst v7;
	s5 =	smov.u32 s12  }
0x85: {  	v6 =	vmul.f32 $1.442695020e+00, v12;
	v5 =	vadd.f32 $1.000000000e+00, v5;
	(erf) = vrcp.f32 v16;
	v2 =	vpop (erf);
	[tilespmem:s26+$0xF000] =	vst v8  }
0x86: {  	v7 =	vmul.f32 $1.442695020e+00, v17;
	v8 =	vsub.f32 v23, v15;
	v2 =	vadd.f32 $1.000000000e+00, v2;
	[tilespmem:s26+$0xF080] =	vst v10;
	v15 =	vpop (erf)  }
0x87: {  	v12 =	vmul.f32 v18, v14;
	(erf) = vrcp.f32 v5;
	v5 =	vsub.f32 $1.000000000e+00, v15;
	v4 =	vpop (erf)  }
0x88: {  	v8 =	vmul.f32 $1.442695020e+00, v8;
	v10 =	vpop (erf);
	(erf) = vrcp.f32 v2;
	v2 =	vsub.f32 $1.000000000e+00, v4  }
.Ltmp0:
0x89: {  	v3 =	vmul.f32 v3, v14;
	v10 =	vadd.f32 $1.000000000e+00, v10;
	v16 =	vpop (erf);
	(erf) = vpow2.f32 v13;
	[tilespmem:s26+$0xF100] =	vst v12;
	(pc) =	sbr.rel @p0 .LBB2_2-.Ltmp0, $4  }
0x8a: {  	v14 =	vmul.f32 v22, v11;
	v17 =	vadd.f32 $1.000000000e+00, v16;
	(erf) = vpow2.f32 v7  }
0x8b: {  	v16 =	vmul.f32 v9, v11;
	(erf) = vpow2.f32 v6;
	v7 =	vpop (erf);
	[tilespmem:s4+$0xC000] =	vst v3;
	s4 =	smov.u32 s11  }
0x8c: {  	v3 =	vmul.f32 v15, v0;
	v6 =	vld [tilespmem:s0+$0x3010];
	(erf) = vpow2.f32 v8;
	v12 =	vpop (erf);
	[tilespmem:s26+$0xF200] =	vst v14  }
0x8d: {  	s10 =	sadd.s32 $0x20, s10;
	s9 =	sadd.s32 $0x100, s9;
	v8 =	vsub.f32 $1.000000000e+00, v7;
	v9 =	vld [tilespmem:s0+$0x3090];
	v11 =	vsub.f32 $1.000000000e+00, v12;
	(erf) = vrcp.f32 v17;
	v13 =	vpop (erf);
	[tilespmem:s26+$0xF280] =	vst v16  }
0x8e: {  	v14 =	vld [tilespmem:s0+$0x3110]  }
0x8f: {  	v15 =	vpop (erf);
	v16 =	vld [tilespmem:s0+$0x3190]  }
0x90: {  	v17 =	vpop (erf)  }
0x91: {  	v13 =	vadd.f32 $1.000000000e+00, v13;
	v18 =	vpop (erf)  }
0x92: {  	[tilespmem:s0+$0xC010] =	vst v7;
	v12 =	vmul.f32 v12, v7;
	v7 =	vmul.f32 v11, v7;
	v6 =	vsub.f32 v9, v6;
	v9 =	vpop (erf)  }
0x93: {  	v11 =	vmul.f32 v15, v8;
	(erf) = vrcp.f32 v10;
	v9 =	vadd.f32 $1.000000000e+00, v9  }
0x94: {  	v10 =	vsub.f32 $1.000000000e+00, v15;
	(erf) = vrcp.f32 v13;
	v14 =	vsub.f32 v16, v14  }
0x95: {  	[tilespmem:s0+$0xC090] =	vst v8;
	v13 =	vpop (erf);
	v6 =	vmul.f32 $1.442695020e+00, v6;
	(erf) = vrcp.f32 v9;
	v9 =	vsub.f32 $1.000000000e+00, v17  }
0x96: {  	[tilespmem:s0+$0xC110] =	vst v12;
	v8 =	vmul.f32 v10, v8;
	v10 =	vadd.f32 $1.000000000e+00, v13;
	v13 =	vmul.f32 $1.442695020e+00, v14  }
0x97: {  	[tilespmem:s0+$0xC190] =	vst v7;
	(erf) = vpow2.f32 v6;
	v6 =	vsub.f32 $1.000000000e+00, v18;
	v9 =	vmul.f32 v9, v12  }
0x98: {  	[tilespmem:s0+$0xC210] =	vst v11;
	v14 =	vmul.f32 v17, v12;
	(erf) = vrcp.f32 v10  }
0x99: {  	[tilespmem:s0+$0xC290] =	vst v8;
	(erf) = vpow2.f32 v13;
	v6 =	vmul.f32 v6, v8  }
0x9a: {  	v0 =	vmul.f32 v5, v0;
	[tilespmem:s7+$0xC000] =	vst v14;
	v10 =	vpop (erf)  }
0x9b: {  	v4 =	vmul.f32 v4, v1;
	[tilespmem:s8+$0xC000] =	vst v9;
	v9 =	vpop (erf)  }
0x9c: {  	[tilespmem:s26+$0xF010] =	vst v3;
	v1 =	vmul.f32 v2, v1;
	v10 =	vadd.f32 $1.000000000e+00, v10;
	v5 =	vpop (erf)  }
0x9d: {  	[tilespmem:s0+$0xF290] =	vst v6;
	v2 =	vadd.f32 $1.000000000e+00, v9;
	v6 =	vpop (erf)  }
0x9e: {  	[tilespmem:s26+$0xF090] =	vst v0;
	v3 =	vmul.f32 v18, v8;
	(erf) = vrcp.f32 v10;
	v8 =	vsub.f32 $1.000000000e+00, v5;
	v0 =	vpop (erf)  }
0x9f: {  	[tilespmem:s26+$0xF110] =	vst v4;
	v4 =	vpop (erf)  }
0xa0: {  	[tilespmem:s26+$0xF190] =	vst v1;
	v1 =	vpop (erf)  }
0xa1: {  	(erf) = vrcp.f32 v2;
	v2 =	vpop (erf)  }
0xa2: {  	[tilespmem:s0+$0xF210] =	vst v3;
	v9 =	vsub.f32 $1.000000000e+00, v6;
	v3 =	vmul.f32 v8, v6;
	v8 =	vpop (erf)  }
0xa3: {  	v5 =	vmul.f32 v5, v6;
	[tilespmem:s0+$0xC000] =	vst v6;
	v1 =	vadd.f32 $1.000000000e+00, v1;
	v6 =	vadd.f32 $1.000000000e+00, v8  }
0xa4: {  	v10 =	vsub.f32 $1.000000000e+00, v0;
	[tilespmem:s0+$0xC080] =	vst v9  }
0xa5: {  	v0 =	vmul.f32 v0, v9;
	[tilespmem:s0+$0xC100] =	vst v5;
	(erf) = vrcp.f32 v1;
	v8 =	vsub.f32 $1.000000000e+00, v4  }
0xa6: {  	[tilespmem:s1+$0xC000] =	vst v3;
	v1 =	vmul.f32 v10, v9;
	(erf) = vrcp.f32 v6  }
0xa7: {  	[tilespmem:s0+$0xC200] =	vst v0;
	v4 =	vmul.f32 v4, v5;
	v5 =	vmul.f32 v8, v5;
	v6 =	vpop (erf)  }
0xa8: {  	[tilespmem:s0+$0xC280] =	vst v1;
	v9 =	vsub.f32 $1.000000000e+00, v6  }
0xa9: {  	[tilespmem:s3+$0xC000] =	vst v4;
	v4 =	vmul.f32 v6, v3;
	v6 =	vsub.f32 $1.000000000e+00, v2  }
0xaa: {  	[tilespmem:s5+$0xC000] =	vst v5;
	v2 =	vmul.f32 v2, v0;
	v3 =	vmul.f32 v9, v3  }
0xab: {  	v5 =	vpop (erf);
	[tilespmem:s0+$0xF000] =	vst v4;
	v0 =	vmul.f32 v6, v0  }
0xac: {  	v4 =	vsub.f32 $1.000000000e+00, v5;
	[tilespmem:s0+$0xF100] =	vst v2  }
0xad: {  	v2 =	vmul.f32 v5, v1;
	[tilespmem:s0+$0xF080] =	vst v3  }
0xae: {  	v1 =	vmul.f32 v4, v1;
	[tilespmem:s4+$0xC000] =	vst v0;
	v3 =	vpop (erf)  }
0xaf: {  	[tilespmem:s0+$0xF200] =	vst v2;
	v5 =	vsub.f32 $1.000000000e+00, v3;
	v0 =	vpop (erf);
	v2 =	vmul.f32 v3, v7  }
0xb0: {  	[tilespmem:s0+$0xF280] =	vst v1;
	v3 =	vsub.f32 $1.000000000e+00, v0;
	v0 =	vmul.f32 v0, v11  }
0xb1: {  	v1 =	vmul.f32 v5, v7;
	[tilespmem:s0+$0xF010] =	vst v2  }
0xb2: {  	v2 =	vmul.f32 v3, v11;
	[tilespmem:s0+$0xF110] =	vst v0  }
0xb3: {  	[tilespmem:s0+$0xF090] =	vst v1  }
0xb4: {  	[tilespmem:s0+$0xF190] =	vst v2  }
0xb5: {  	s11 =	simm.s32 $0x0;
	s1 =	rddreg [dreg:$0x1f]  }
0xb6: {  	[hbm4b:s1+s11] =	stream.linear.scatter [tilespmem:s19], [sflag:$0x3], $0x1000, $0x38;
	[tilespmem:$0x18000] =	vst v63  }
0xb7: {  	s2 =	simm.s32 $0xF000;
	s12 =	sld [smem:$0x7F7];
	s1 =	sadd.s32 $0x20000, s1  }
0xb8: {  	[hbm4b:s1+s11] =	stream.linear.scatter [tilespmem:s2], [sflag:$0x3], $0x1000, $0x38;
	[tilespmem:$0x18000] =	vst v63  }
0xb9: {  	_ = 	snop  }
0xba: {  	[tilespmem:s11], [sflag:$0x1] =	stream.strided.gather [hbm4b:s12+s17], $0x6000, s18, s17, $0x38;
	[tilespmem:$0x18000] =	vst v63  }
0xbb: {  	s13 =	sand.u32 $0x60, s11;
	_ =	swait.ge [sflag:s20], $0x6000  }
0xbc: {  	s15 =	sand.u32 $0x3C00, s11;
	s17 =	sor.u32 $0x10, s13;
	[sflag:s20] =	ssyncset.done $0x0  }
0xbd: {  	s3 =	sor.u32 s15, s17;
	[sflag:s20] =	ssyncadd.s32 $0xFFFFA000  }
0xbe: {  	v0 =	vld [tilespmem:s3+$0x6000]  }
0xbf: {  	s0 =	sand.u32 $0x3, s11;
	v1 =	vld [tilespmem:s3+$0x6080]  }
0xc0: {  	s0 =	sshll.u32 s0, $0x5;
	v2 =	vld [tilespmem:s3+$0x6100]  }
0xc1: {  	s6 =	sadd.s32 $0x0, s0;
	v3 =	vld [tilespmem:s3+$0x6180]  }
0xc2: {  	s0 =	sadd.s32 $0x10, s6;
	v4 =	vld [tilespmem:s3+$0x6200]  }
0xc3: {  	s9 =	sor.u32 $0x300, s0;
	v5 =	vld [tilespmem:s3+$0x6280]  }
0xc4: {  	s25 =	sor.u32 $0x380, s0;
	s18 =	sadd.s32 $0x3000, s15;
	v6 =	vld [tilespmem:s9+$0x6000];
	v0 =	vsub.f32 v1, v0  }
0xc5: {  	s10 =	sadd.s32 $0x3100, s15;
	s19 =	sadd.s32 $0x3080, s15;
	s16 =	sor.u32 s17, s18;
	v7 =	vld [tilespmem:s25+$0x6000]  }
0xc6: {  	s11 =	sadd.s32 $0x3180, s15;
	s14 =	sor.u32 s17, s19;
	s20 =	sor.u32 s17, s10;
	v1 =	vld [tilespmem:s16+$0x6000];
	v0 =	vmul.f32 $1.442695020e+00, v0  }
0xc7: {  	s21 =	sadd.s32 $0x3200, s15;
	s12 =	sor.u32 s17, s11;
	v2 =	vsub.f32 v3, v2;
	v3 =	vld [tilespmem:s14+$0x6000];
	[smem:$0x7F2] =	sst s20  }
0xc8: {  	s22 =	sadd.s32 $0x3280, s15;
	s23 =	sor.u32 s17, s21;
	v8 =	vld [tilespmem:s20+$0x6000];
	[smem:$0x7F3] =	sst s12;
	(erf) = vpow2.f32 v0  }
0xc9: {  	s5 =	sor.u32 s17, s22;
	v4 =	vsub.f32 v5, v4;
	v2 =	vmul.f32 $1.442695020e+00, v2;
	v5 =	vld [tilespmem:s12+$0x6000];
	[smem:$0x7F4] =	sst s23  }
0xca: {  	v0 =	vld [tilespmem:s23+$0x6000];
	[smem:$0x7F5] =	sst s5  }
0xcb: {  	v6 =	vsub.f32 v7, v6;
	v4 =	vmul.f32 $1.442695020e+00, v4;
	s23 =	sor.u32 s13, s15;
	(erf) = vpow2.f32 v2;
	v2 =	vld [tilespmem:s5+$0x6000]  }
0xcc: {  	v1 =	vsub.f32 v3, v1;
	v3 =	vld [tilespmem:s23+$0x6000]  }
0xcd: {  	v6 =	vmul.f32 $1.442695020e+00, v6;
	(erf) = vpow2.f32 v4;
	v4 =	vld [tilespmem:s23+$0x6080]  }
0xce: {  	v7 =	vld [tilespmem:s23+$0x6180];
	v1 =	vmul.f32 $1.442695020e+00, v1  }
0xcf: {  	v5 =	vsub.f32 v5, v8;
	(erf) = vpow2.f32 v6;
	v6 =	vld [tilespmem:s23+$0x6100]  }
0xd0: {  	(erf) = vpow2.f32 v1;
	v1 =	vld [tilespmem:s23+$0x6200]  }
0xd1: {  	s24 =	sor.u32 $0x300, s6;
	v5 =	vmul.f32 $1.442695020e+00, v5;
	v0 =	vsub.f32 v2, v0;
	v2 =	vld [tilespmem:s23+$0x6280];
	v8 =	vpop (erf)  }
0xd2: {  	[dreg:$0x3] =	wrdreg s24;
	v3 =	vsub.f32 v4, v3;
	v4 =	vadd.f32 $1.000000000e+00, v8  }
0xd3: {  	s20 =	sor.u32 $0x380, s6;
	(erf) = vpow2.f32 v5;
	v5 =	vld [tilespmem:s24+$0x6000];
	v0 =	vmul.f32 $1.442695020e+00, v0  }
0xd4: {  	v9 =	vld [tilespmem:s20+$0x6000];
	v6 =	vsub.f32 v7, v6;
	v8 =	vpop (erf)  }
0xd5: {  	s6 =	sor.u32 s13, s19;
	v3 =	vmul.f32 $1.442695020e+00, v3;
	(erf) = vpow2.f32 v0;
	v8 =	vadd.f32 $1.000000000e+00, v8  }
0xd6: {  	s7 =	sor.u32 s13, s18;
	v7 =	vld [tilespmem:s6+$0x6000];
	v1 =	vsub.f32 v2, v1;
	(erf) = vrcp.f32 v4;
	v4 =	vpop (erf)  }
0xd7: {  	v0 =	vld [tilespmem:s7+$0x6000];
	v2 =	vmul.f32 $1.442695020e+00, v6;
	(erf) = vrcp.f32 v8;
	v4 =	vadd.f32 $1.000000000e+00, v4  }
0xd8: {  	s18 =	sor.u32 s13, s11;
	(erf) = vpow2.f32 v3  }
0xd9: {  	s12 =	sor.u32 s13, s10;
	v6 =	vld [tilespmem:s18+$0x6000];
	v3 =	vpop (erf);
	(erf) = vrcp.f32 v4;
	v4 =	vsub.f32 v9, v5  }
0xda: {  	s4 =	sor.u32 s13, s21;
	v8 =	vld [tilespmem:s12+$0x6000];
	v1 =	vmul.f32 $1.442695020e+00, v1;
	v3 =	vadd.f32 $1.000000000e+00, v3  }
0xdb: {  	s19 =	sor.u32 s13, s22;
	v5 =	vld [tilespmem:s4+$0x6000];
	(erf) = vpow2.f32 v2;
	v2 =	vpop (erf);
	v4 =	vmul.f32 $1.442695020e+00, v4  }
0xdc: {  	v0 =	vsub.f32 v7, v0;
	v2 =	vadd.f32 $1.000000000e+00, v2;
	(erf) = vrcp.f32 v3;
	v3 =	vld [tilespmem:s19+$0x6000]  }
0xdd: {  	(erf) = vpow2.f32 v1  }
0xde: {  	v0 =	vmul.f32 $1.442695020e+00, v0;
	v1 =	vpop (erf);
	(erf) = vrcp.f32 v2  }
0xdf: {  	v1 =	vadd.f32 $1.000000000e+00, v1;
	v2 =	vsub.f32 v6, v8;
	(erf) = vpow2.f32 v4;
	v4 =	vpop (erf)  }
0xe0: {  	v4 =	vadd.f32 $1.000000000e+00, v4  }
0xe1: {  	s26 =	simm.s32 $0x20;
	(erf) = vrcp.f32 v1;
	v1 =	vmul.f32 $1.442695020e+00, v2;
	v6 =	vpop (erf);
	v2 =	vsub.f32 v3, v5  }
0xe2: {  	s2 =	sand.u32 $0x60, s26;
	s24 =	simm.s32 $0x100;
	(erf) = vpow2.f32 v0;
	v0 =	vpop (erf)  }
0xe3: {  	s0 =	sor.u32 $0x10, s2;
	s5 =	simm.s32 $0x1;
	s11 =	sand.u32 $0x3C00, s24;
	v3 =	vpop (erf);
	(erf) = vrcp.f32 v4;
	v2 =	vmul.f32 $1.442695020e+00, v2  }
0xe4: {  	s28 =	sand.u32 $0x3, s5;
	s21 =	sor.u32 s11, s0;
	(erf) = vpow2.f32 v1;
	v4 =	vpop (erf)  }
0xe5: {  	s1 =	sshll.u32 s28, $0x5;
	v11 =	vld [tilespmem:s21+$0x6080];
	v7 =	vsub.f32 $1.000000000e+00, v6;
	v3 =	vadd.f32 $1.000000000e+00, v3;
	v5 =	vpop (erf)  }
0xe6: {  	s26 =	sadd.s32 $0x100, s1;
	v14 =	vld [tilespmem:s21+$0x6100];
	v1 =	vsub.f32 $1.000000000e+00, v0;
	v8 =	vpop (erf);
	(erf) = vpow2.f32 v2  }
0xe7: {  	s1 =	sadd.s32 $0x10, s26;
	v15 =	vld [tilespmem:s21+$0x6180];
	v10 =	vsub.f32 $1.000000000e+00, v4;
	v12 =	vmul.f32 v4, v7;
	v2 =	vpop (erf);
	v4 =	vsub.f32 $1.000000000e+00, v8  }
0xe8: {  	s10 =	sor.u32 $0x380, s1;
	v9 =	vld [tilespmem:s21+$0x6000];
	v5 =	vadd.f32 $1.000000000e+00, v5;
	v13 =	vpop (erf);
	v2 =	vadd.f32 $1.000000000e+00, v2  }
0xe9: {  	v22 =	vld [tilespmem:s10+$0x6000];
	v0 =	vmul.f32 v0, v6;
	(erf) = vrcp.f32 v3;
	v3 =	vpop (erf)  }
0xea: {  	s15 =	sadd.s32 $0x3000, s11;
	v17 =	vld [tilespmem:s21+$0x6200];
	v1 =	vmul.f32 v1, v6;
	(erf) = vrcp.f32 v5;
	v5 =	vsub.f32 $1.000000000e+00, v13;
	v16 =	vpop (erf)  }
0xeb: {  	s8 =	sor.u32 $0x300, s1;
	s13 =	sadd.s32 $0x3080, s11;
	v19 =	vld [tilespmem:s21+$0x6280];
	s29 =	sor.u32 s0, s15;
	v18 =	vmul.f32 v4, v0;
	v3 =	vadd.f32 $1.000000000e+00, v3;
	v4 =	vpop (erf)  }
0xec: {  	s28 =	sadd.s32 $0x3100, s11;
	s30 =	sor.u32 s0, s13;
	(erf) = vrcp.f32 v2;
	v20 =	vmul.f32 v5, v1;
	v5 =	vld [tilespmem:s8+$0x6000];
	[dreg:$0x5] =	wrdreg s29;
	v2 =	vpop (erf);
	v4 =	vadd.f32 $1.000000000e+00, v4  }
0xed: {  	s17 =	sor.u32 s0, s28;
	v14 =	vsub.f32 v15, v14;
	v9 =	vsub.f32 v11, v9;
	(erf) = vrcp.f32 v3;
	v3 =	vld [tilespmem:s29+$0x6000];
	[dreg:$0x7] =	wrdreg s30;
	s29 =	sadd.s32 $0x3180, s11;
	v11 =	vpop (erf)  }
0xee: {  	v15 =	vsub.f32 $1.000000000e+00, v16;
	s22 =	sor.u32 s0, s29;
	v11 =	vadd.f32 $1.000000000e+00, v11;
	(erf) = vrcp.f32 v4;
	v4 =	vld [tilespmem:s30+$0x6000];
	[dreg:$0xb] =	wrdreg s17  }
0xef: {  	v9 =	vmul.f32 $1.442695020e+00, v9;
	v21 =	vmul.f32 v16, v12;
	s30 =	sadd.s32 $0x3200, s11;
	v16 =	vpop (erf);
	v23 =	vld [tilespmem:s17+$0x6000];
	[dreg:$0xd] =	wrdreg s22  }
0xf0: {  	s17 =	sor.u32 s0, s30;
	(erf) = vrcp.f32 v11;
	v11 =	vmul.f32 v15, v12;
	v15 =	vadd.f32 $1.000000000e+00, v16;
	v16 =	vld [tilespmem:s22+$0x6000];
	s22 =	sadd.s32 $0x3280, s11  }
0xf1: {  	v14 =	vmul.f32 $1.442695020e+00, v14;
	[dreg:$0x11] =	wrdreg s17;
	s0 =	sor.u32 s0, s22  }
0xf2: {  	v10 =	vmul.f32 v10, v7;
	(erf) = vpow2.f32 v9;
	v9 =	vld [tilespmem:s17+$0x6000];
	[dreg:$0xf] =	wrdreg s0  }
0xf3: {  	v17 =	vsub.f32 v19, v17;
	[tilespmem:s3+$0x12000] =	vst v6  }
0xf4: {  	v19 =	vmul.f32 v2, v10;
	s17 =	sor.u32 s2, s11;
	(erf) = vpow2.f32 v14;
	v14 =	vsub.f32 $1.000000000e+00, v2;
	v2 =	vld [tilespmem:s0+$0x6000];
	[tilespmem:s3+$0x12080] =	vst v7  }
0xf5: {  	v24 =	vld [tilespmem:s17+$0x6080];
	[tilespmem:s3+$0x12100] =	vst v0  }
0xf6: {  	v17 =	vmul.f32 $1.442695020e+00, v17;
	v8 =	vmul.f32 v8, v0;
	v60 =	vpop (erf);
	v26 =	vld [tilespmem:s17+$0x6100];
	[tilespmem:s3+$0x12180] =	vst v1  }
0xf7: {  	(erf) = vrcp.f32 v15;
	v27 =	vld [tilespmem:s17+$0x6180];
	[tilespmem:s3+$0x12200] =	vst v12;
	v15 =	vpop (erf);
	v6 =	vmul.f32 v14, v10;
	v14 =	vsub.f32 $1.000000000e+00, v60  }
0xf8: {  	v3 =	vsub.f32 v4, v3;
	[tilespmem:s3+$0x12280] =	vst v10;
	(erf) = vpow2.f32 v17;
	v17 =	vld [tilespmem:s17+$0x6000];
	v4 =	vsub.f32 $1.000000000e+00, v15;
	v7 =	vpop (erf)  }
0xf9: {  	s11 =	sor.u32 $0x300, s26;
	[tilespmem:s9+$0x12000] =	vst v8;
	v0 =	vsub.f32 $1.000000000e+00, v7;
	v25 =	vmul.f32 v7, v14;
	v7 =	vmul.f32 v15, v60;
	v15 =	vld [tilespmem:s17+$0x6280]  }
0xfa: {  	v13 =	vmul.f32 v13, v1;
	v2 =	vsub.f32 v2, v9;
	v9 =	vld [tilespmem:s17+$0x6200];
	[dreg:$0x9] =	wrdreg s11  }
0xfb: {  	[tilespmem:s25+$0x12000] =	vst v18  }
0xfc: {  	[tilespmem:s16+$0x12000] =	vst v13  }
0xfd: {  	v5 =	vsub.f32 v22, v5;
	[tilespmem:s14+$0x12000] =	vst v20  }
0xfe: {  	s1 =	sor.u32 s2, s28;
	s28 =	sld [smem:$0x7F2]  }
0xff: {  	v5 =	vmul.f32 $1.442695020e+00, v5;
	v16 =	vsub.f32 v16, v23;
	v61 =	vmul.f32 v4, v60;
	v4 =	vpop (erf)  }
0x100: {  	v3 =	vmul.f32 $1.442695020e+00, v3;
	v1 =	vpop (erf)  }
0x101: {  	(erf) = vpow2.f32 v5;
	v16 =	vmul.f32 $1.442695020e+00, v16;
	v12 =	vpop (erf);
	[tilespmem:s28+$0x12000] =	vst v21  }
0x102: {  	(erf) = vpow2.f32 v3;
	v28 =	vmul.f32 $1.442695020e+00, v2;
	v2 =	vpop (erf);
	s0 =	sld [smem:$0x7F3]  }
0x103: {  	(erf) = vpow2.f32 v16;
	v16 =	vsub.f32 v24, v17;
	v17 =	vadd.f32 $1.000000000e+00, v2  }
0x104: {  	s31 =	sor.u32 $0x380, s26;
	v5 =	vmul.f32 v0, v14;
	v3 =	vsub.f32 $1.000000000e+00, v4;
	v13 =	vsub.f32 v27, v26  }
0x105: {  	v18 =	vld [tilespmem:s31+$0x6000];
	v10 =	vsub.f32 $1.000000000e+00, v1;
	v0 =	vmul.f32 v1, v61;
	v16 =	vmul.f32 $1.442695020e+00, v16;
	v8 =	vpop (erf);
	[tilespmem:s0+$0x12000] =	vst v11  }
0x106: {  	v1 =	vld [tilespmem:s11+$0x6000];
	s11 =	sor.u32 s2, s15;
	(erf) = vpow2.f32 v28;
	v13 =	vmul.f32 $1.442695020e+00, v13;
	v62 =	vadd.f32 $1.000000000e+00, v8;
	v8 =	vpop (erf);
	s0 =	sld [smem:$0x7F4]  }
0x107: {  	s9 =	sor.u32 s2, s13;
	v63 =	vld [tilespmem:s11+$0x6000];
	v2 =	vmul.f32 v3, v7;
	(erf) = vrcp.f32 v17;
	v17 =	vpop (erf)  }
0x108: {  	v3 =	vmul.f32 v10, v61;
	v10 =	vld [tilespmem:s9+$0x6000];
	(erf) = vrcp.f32 v62;
	v17 =	vadd.f32 $1.000000000e+00, v17  }
0x109: {  	s3 =	sor.u32 s2, s29;
	v9 =	vsub.f32 v15, v9;
	v15 =	vld [tilespmem:s1+$0x6000];
	(erf) = vpow2.f32 v16;
	[tilespmem:s0+$0x12000] =	vst v19  }
0x10a: {  	v16 =	vpop (erf);
	(erf) = vrcp.f32 v17;
	v17 =	vld [tilespmem:s3+$0x6000];
	s0 =	sld [smem:$0x7F5]  }
0x10b: {  	v9 =	vmul.f32 $1.442695020e+00, v9;
	v18 =	vsub.f32 v18, v1;
	v16 =	vadd.f32 $1.000000000e+00, v16  }
0x10c: {  	s15 =	sor.u32 s2, s22;
	v1 =	vmul.f32 v12, v25;
	(erf) = vpow2.f32 v13;
	v13 =	vpop (erf)  }
0x10d: {  	s13 =	sor.u32 s2, s30;
	v11 =	vsub.f32 $1.000000000e+00, v12;
	v12 =	vld [tilespmem:s15+$0x6000];
	[tilespmem:s0+$0x12000] =	vst v6;
	v6 =	vadd.f32 $1.000000000e+00, v13;
	v13 =	vmul.f32 $1.442695020e+00, v18  }
0x10e: {  	(erf) = vrcp.f32 v16;
	v19 =	vld [tilespmem:s13+$0x6000]  }
0x10f: {  	v10 =	vsub.f32 v10, v63;
	(erf) = vpow2.f32 v9;
	v16 =	vpop (erf);
	[tilespmem:s23+$0x12000] =	vst v60;
	v15 =	vsub.f32 v17, v15  }
0x110: {  	[tilespmem:s23+$0x12080] =	vst v14;
	v14 =	vadd.f32 $1.000000000e+00, v16;
	(erf) = vrcp.f32 v6  }
0x111: {  	v10 =	vmul.f32 $1.442695020e+00, v10;
	v9 =	vsub.f32 $1.000000000e+00, v8;
	[tilespmem:s23+$0x12180] =	vst v61;
	(erf) = vpow2.f32 v13;
	v13 =	vpop (erf)  }
0x112: {  	[tilespmem:s23+$0x12200] =	vst v25;
	v6 =	vmul.f32 v11, v25;
	(erf) = vrcp.f32 v14;
	v17 =	vadd.f32 $1.000000000e+00, v13;
	v11 =	vpop (erf)  }
0x113: {  	[tilespmem:s23+$0x12280] =	vst v5;
	v13 =	vsub.f32 v12, v19;
	v12 =	vmul.f32 $1.442695020e+00, v15;
	(erf) = vpow2.f32 v10;
	v15 =	vpop (erf)  }
0x114: {  	s2 =	simm.s32 $0x40;
	[tilespmem:s23+$0x12100] =	vst v7;
	s23 =	simm.s32 $0x2;
	v10 =	vsub.f32 $1.000000000e+00, v11;
	v14 =	vsub.f32 $1.000000000e+00, v15;
	v16 =	vpop (erf);
	(erf) = vrcp.f32 v17  }
.LBB2_4:
0x115: {  	[dreg:$0x1b] =	wrdreg s3  }
0x116: {  	[dreg:$0x19] =	wrdreg s13  }
0x117: {  	[dreg:$0x17] =	wrdreg s19  }
0x118: {  	[dreg:$0x15] =	wrdreg s4  }
0x119: {  	[dreg:$0x13] =	wrdreg s1;
	s26 =	sand.u32 $0x60, s2;
	v16 =	vadd.f32 $1.000000000e+00, v16;
	v15 =	vmul.f32 v15, v11;
	[tilespmem:s21+$0x12000] =	vst v11;
	s24 =	sadd.s32 $0x100, s24;
	v17 =	vpop (erf)  }
0x11a: {  	s22 =	rddreg [dreg:$0x5];
	v19 =	vmul.f32 $1.442695020e+00, v13;
	s29 =	sand.u32 $0x3C00, s24;
	s28 =	sor.u32 $0x10, s26;
	v18 =	vsub.f32 $1.000000000e+00, v17;
	v11 =	vmul.f32 v14, v11;
	[tilespmem:s21+$0x12080] =	vst v10;
	v14 =	vpop (erf)  }
0x11b: {  	s14 =	sadd.s32 $0x1, s5;
	s5 =	rddreg [dreg:$0x7];
	(erf) = vpow2.f32 v12;
	s0 =	sor.u32 s29, s28;
	v21 =	vadd.f32 $1.000000000e+00, v14;
	v14 =	vmul.f32 v17, v10;
	[tilespmem:s21+$0x12100] =	vst v15;
	v13 =	vpop (erf)  }
0x11c: {  	s13 =	rddreg [dreg:$0xb];
	s16 =	sand.u32 $0x3, s14;
	(erf) = vpow2.f32 v19;
	v17 =	vld [tilespmem:s0+$0x6000];
	v23 =	vsub.f32 $1.000000000e+00, v13;
	v18 =	vmul.f32 v18, v10;
	[tilespmem:s21+$0x12180] =	vst v11;
	v10 =	vpop (erf)  }
0x11d: {  	s1 =	sshll.u32 s16, $0x5;
	s16 =	smov.u32 s31;
	s3 =	sadd.s32 $0x3000, s29;
	v24 =	vmul.f32 v13, v15;
	(erf) = vrcp.f32 v16;
	v16 =	vld [tilespmem:s0+$0x6080];
	v20 =	vadd.f32 $1.000000000e+00, v10;
	[tilespmem:s21+$0x12200] =	vst v14;
	v12 =	vpop (erf)  }
0x11e: {  	s4 =	sadd.s32 $0x3080, s29;
	s19 =	sadd.s32 s1, s24;
	v10 =	vmul.f32 v8, v5;
	v45 =	vld [tilespmem:s0+$0x6100];
	v22 =	vsub.f32 $1.000000000e+00, v12;
	v25 =	vmul.f32 v23, v15;
	[tilespmem:s21+$0x12280] =	vst v18;
	v19 =	vpop (erf);
	s21 =	smov.u32 s0  }
0x11f: {  	s1 =	sor.u32 s28, s3;
	s31 =	sor.u32 $0x300, s19;
	s30 =	sor.u32 $0x380, s19;
	(erf) = vrcp.f32 v21;
	v26 =	vmul.f32 v12, v11;
	v8 =	vld [tilespmem:s21+$0x6180];
	[tilespmem:s8+$0x12000] =	vst v24;
	v13 =	vpop (erf)  }
0x120: {  	[dreg:$0x5] =	wrdreg s1;
	s0 =	sadd.s32 $0x10, s19;
	s19 =	sor.u32 s28, s4;
	(erf) = vrcp.f32 v20;
	v46 =	vld [tilespmem:s21+$0x6200];
	v47 =	vsub.f32 $1.000000000e+00, v13;
	v22 =	vmul.f32 v22, v11;
	[tilespmem:s10+$0x12000] =	vst v25  }
0x121: {  	v19 =	vadd.f32 $1.000000000e+00, v19;
	s8 =	sor.u32 $0x300, s0;
	[dreg:$0x7] =	wrdreg s19;
	v15 =	vpop (erf);
	v11 =	vmul.f32 v9, v5;
	v13 =	vmul.f32 v13, v14;
	s10 =	sor.u32 $0x380, s0;
	v5 =	vld [tilespmem:s21+$0x6280];
	[tilespmem:s22+$0x12000] =	vst v26  }
0x122: {  	v4 =	vmul.f32 v4, v7;
	s0 =	sor.u32 s26, s3;
	s3 =	smov.u32 s12;
	s12 =	smov.u32 s20;
	v48 =	vadd.f32 $1.000000000e+00, v15;
	v12 =	vpop (erf);
	v15 =	vld [tilespmem:s8+$0x6000];
	v23 =	vmul.f32 v47, v14;
	[tilespmem:s5+$0x12000] =	vst v22  }
0x123: {  	(erf) = vrcp.f32 v19;
	s22 =	rddreg [dreg:$0xd];
	v19 =	vsub.f32 $1.000000000e+00, v12;
	v49 =	vmul.f32 v12, v18;
	v7 =	vld [tilespmem:s10+$0x6000];
	[tilespmem:s13+$0x12000] =	vst v13;
	s13 =	smov.u32 s18;
	s18 =	sadd.s32 $0x3100, s29  }
0x124: {  	s20 =	sadd.s32 $0x3180, s29;
	v13 =	vld [tilespmem:s1+$0x6000];
	[tilespmem:s22+$0x12000] =	vst v23;
	s5 =	sor.u32 s28, s18;
	s22 =	rddreg [dreg:$0x11]  }
0x125: {  	v16 =	vsub.f32 v16, v17;
	v9 =	vpop (erf);
	v50 =	vmul.f32 v19, v18;
	s1 =	sor.u32 s26, s4;
	v18 =	vld [tilespmem:s19+$0x6000];
	[tilespmem:s22+$0x12000] =	vst v49;
	s22 =	smov.u32 s9;
	[dreg:$0xb] =	wrdreg s5  }
0x126: {  	v8 =	vsub.f32 v8, v45;
	v9 =	vadd.f32 $1.000000000e+00, v9;
	v14 =	vpop (erf);
	s9 =	smov.u32 s6;
	s6 =	sadd.s32 $0x3200, s29;
	v19 =	vld [tilespmem:s5+$0x6000];
	s5 =	rddreg [dreg:$0xf]  }
0x127: {  	(erf) = vrcp.f32 v48;
	v16 =	vmul.f32 $1.442695020e+00, v16;
	s4 =	sor.u32 s28, s20;
	v14 =	vadd.f32 $1.000000000e+00, v14;
	v12 =	vpop (erf);
	[tilespmem:s5+$0x12000] =	vst v50;
	s5 =	smov.u32 s15;
	s15 =	sor.u32 s28, s6  }
0x128: {  	s19 =	smov.u32 s11;
	v51 =	vmul.f32 $1.442695020e+00, v8;
	v5 =	vsub.f32 v5, v46;
	v17 =	vpop (erf);
	(erf) = vrcp.f32 v9;
	v9 =	vld [tilespmem:s4+$0x6000];
	[dreg:$0x11] =	wrdreg s15  }
0x129: {  	s11 =	smov.u32 s7;
	s7 =	sadd.s32 $0x3280, s29;
	[tilespmem:s17+$0x12000] =	vst v12;
	(erf) = vpow2.f32 v16;
	v16 =	vsub.f32 $1.000000000e+00, v12;
	v52 =	vsub.f32 $1.000000000e+00, v17;
	v21 =	vld [tilespmem:s15+$0x6000];
	s15 =	rddreg [dreg:$0x3]  }
0x12a: {  	s28 =	sor.u32 s28, s7;
	v5 =	vmul.f32 $1.442695020e+00, v5;
	v7 =	vsub.f32 v7, v15;
	v8 =	vpop (erf);
	(erf) = vpow2.f32 v51;
	[tilespmem:s15+$0x12000] =	vst v4  }
0x12b: {  	s25 =	sor.u32 s26, s29;
	v15 =	vld [tilespmem:s28+$0x6000];
	v53 =	vsub.f32 $1.000000000e+00, v8;
	v20 =	vmul.f32 v52, v12;
	[tilespmem:s17+$0x12080] =	vst v16;
	(erf) = vrcp.f32 v14  }
0x12c: {  	v7 =	vmul.f32 $1.442695020e+00, v7;
	v13 =	vsub.f32 v18, v13;
	v14 =	vld [tilespmem:s25+$0x6000];
	(erf) = vpow2.f32 v5;
	[tilespmem:s12+$0x12000] =	vst v2  }
0x12d: {  	v54 =	vmul.f32 v8, v16;
	v5 =	vmul.f32 v53, v16;
	v18 =	vld [tilespmem:s25+$0x6080];
	[tilespmem:s17+$0x12180] =	vst v20  }
0x12e: {  	v4 =	vpop (erf);
	v13 =	vmul.f32 $1.442695020e+00, v13;
	(erf) = vpow2.f32 v7;
	v8 =	vld [tilespmem:s25+$0x6100];
	v9 =	vsub.f32 v9, v19;
	[tilespmem:s11+$0x12000] =	vst v0  }
0x12f: {  	v7 =	vmul.f32 v17, v12;
	v19 =	vld [tilespmem:s25+$0x6180];
	[tilespmem:s17+$0x12200] =	vst v54  }
0x130: {  	v16 =	vpop (erf);
	v15 =	vsub.f32 v15, v21;
	(erf) = vpow2.f32 v13;
	v12 =	vld [tilespmem:s25+$0x6200];
	v56 =	vmul.f32 $1.442695020e+00, v9;
	[tilespmem:s17+$0x12280] =	vst v5  }
0x131: {  	s15 =	smov.u32 s31;
	v55 =	vsub.f32 $1.000000000e+00, v16;
	v0 =	vmul.f32 v16, v20;
	v13 =	vld [tilespmem:s25+$0x6280];
	[tilespmem:s17+$0x12100] =	vst v7;
	v17 =	vpop (erf)  }
0x132: {  	s31 =	smov.u32 s30;
	v15 =	vmul.f32 $1.442695020e+00, v15;
	v57 =	vld [tilespmem:s15+$0x6000];
	v14 =	vsub.f32 v18, v14;
	v18 =	vpop (erf);
	(erf) = vpow2.f32 v56;
	[tilespmem:s9+$0x12000] =	vst v3  }
0x133: {  	v16 =	vmul.f32 v55, v20;
	v58 =	vld [tilespmem:s31+$0x6000];
	v59 =	vadd.f32 $1.000000000e+00, v18;
	v9 =	vpop (erf);
	[tilespmem:s3+$0x12000] =	vst v1;
	v1 =	vmul.f32 v17, v54  }
0x134: {  	s18 =	sor.u32 s26, s18;
	[dreg:$0xd] =	wrdreg s4;
	s11 =	smov.u32 s0;
	(erf) = vpow2.f32 v15;
	v19 =	vsub.f32 v19, v8;
	v60 =	vadd.f32 $1.000000000e+00, v9;
	v8 =	vpop (erf)  }
0x135: {  	s17 =	smov.u32 s25;
	s25 =	rddreg [dreg:$0x15];
	s9 =	smov.u32 s1;
	v18 =	vsub.f32 $1.000000000e+00, v17;
	v17 =	vld [tilespmem:s11+$0x6000];
	[tilespmem:s13+$0x12000] =	vst v6;
	v61 =	vmul.f32 $1.442695020e+00, v14;
	(erf) = vrcp.f32 v59;
	v3 =	vpop (erf)  }
0x136: {  	s4 =	sor.u32 s26, s20;
	s30 =	rddreg [dreg:$0x17];
	s1 =	smov.u32 s18;
	v15 =	vld [tilespmem:s9+$0x6000];
	[tilespmem:s25+$0x12000] =	vst v10;
	v12 =	vsub.f32 v13, v12;
	v13 =	vadd.f32 $1.000000000e+00, v3;
	(erf) = vrcp.f32 v60  }
0x137: {  	s29 =	sor.u32 s26, s6;
	s3 =	smov.u32 s4;
	v10 =	vld [tilespmem:s1+$0x6000];
	[tilespmem:s30+$0x12000] =	vst v11;
	v62 =	vmul.f32 $1.442695020e+00, v19;
	v6 =	vpop (erf);
	(erf) = vpow2.f32 v61  }
0x138: {  	s26 =	sor.u32 s26, s7;
	s20 =	rddreg [dreg:$0x9];
	v2 =	vsub.f32 $1.000000000e+00, v4;
	s13 =	smov.u32 s29;
	v3 =	vmovc v16;
	v11 =	vld [tilespmem:s3+$0x6000];
	v19 =	vadd.f32 $1.000000000e+00, v6;
	(erf) = vrcp.f32 v13  }
0x139: {  	[dreg:$0x9] =	wrdreg s15;
	s15 =	smov.u32 s26;
	v16 =	vld [tilespmem:s13+$0x6000];
	v63 =	vmul.f32 $1.442695020e+00, v12;
	v20 =	vsub.f32 v58, v57;
	v14 =	vpop (erf);
	(erf) = vpow2.f32 v62  }
0x13a: {  	s23 =	sadd.s32 $0x2, s23;
	v2 =	vmul.f32 v2, v7;
	v13 =	vld [tilespmem:s15+$0x6000];
	v14 =	vadd.f32 $1.000000000e+00, v14;
	(erf) = vrcp.f32 v19  }
0x13b: {  	p0 =	slt.u32 s23, $0x5E;
	s6 =	smov.u32 s22;
	s22 =	rddreg [dreg:$0x1b];
	v15 =	vsub.f32 v15, v17;
	v17 =	vmul.f32 $1.442695020e+00, v20;
	(erf) = vpow2.f32 v63;
	v12 =	vpop (erf)  }
.Ltmp1:
0x13c: {  	[dreg:$0xf] =	wrdreg s28;
	v9 =	vsub.f32 $1.000000000e+00, v8;
	v12 =	vadd.f32 $1.000000000e+00, v12;
	(erf) = vrcp.f32 v14;
	(pc) =	sbr.rel @p0 .LBB2_4-.Ltmp1, $4  }
0x13d: {  	s7 =	smov.u32 s19;
	s19 =	rddreg [dreg:$0x13];
	s28 =	smov.u32 s20;
	v10 =	vsub.f32 v11, v10;
	v14 =	vmul.f32 $1.442695020e+00, v15;
	v11 =	vpop (erf);
	(erf) = vpow2.f32 v17  }
0x13e: {  	s2 =	sadd.s32 $0x20, s2;
	s20 =	smov.u32 s16;
	[dreg:$0x3] =	wrdreg s28;
	v6 =	vmul.f32 v18, v54;
	v17 =	vadd.f32 $1.000000000e+00, v11;
	v11 =	vpop (erf);
	(erf) = vrcp.f32 v12  }
0x13f: {  	s28 =	rddreg [dreg:$0x19];
	s12 =	smov.u32 s19;
	s19 =	smov.u32 s5;
	v13 =	vsub.f32 v13, v16;
	v12 =	vmul.f32 $1.442695020e+00, v10;
	(erf) = vpow2.f32 v14;
	v15 =	vpop (erf)  }
0x140: {  	s5 =	smov.u32 s14;
	s18 =	smov.u32 s22;
	s4 =	smov.u32 s28;
	v10 =	vsub.f32 $1.000000000e+00, v11;
	v14 =	vsub.f32 $1.000000000e+00, v15;
	v16 =	vpop (erf);
	(erf) = vrcp.f32 v17  }
0x141: {  	v13 =	vmul.f32 $1.442695020e+00, v13;
	_ =	sdelay $0x1  }
0x142: {  	v16 =	vadd.f32 $1.000000000e+00, v16;
	v15 =	vmul.f32 v15, v11;
	[tilespmem:s21+$0x12000] =	vst v11;
	v17 =	vpop (erf)  }
0x143: {  	v18 =	vsub.f32 $1.000000000e+00, v17;
	v11 =	vmul.f32 v14, v11;
	[tilespmem:s21+$0x12080] =	vst v10;
	v14 =	vpop (erf);
	(erf) = vpow2.f32 v12  }
0x144: {  	v12 =	vadd.f32 $1.000000000e+00, v14;
	v14 =	vmul.f32 v17, v10;
	[tilespmem:s21+$0x12100] =	vst v15;
	(erf) = vpow2.f32 v13;
	v13 =	vpop (erf)  }
0x145: {  	v10 =	vmul.f32 v18, v10;
	[tilespmem:s21+$0x12180] =	vst v11;
	v17 =	vsub.f32 $1.000000000e+00, v13  }
0x146: {  	[tilespmem:s21+$0x12200] =	vst v14;
	v13 =	vmul.f32 v13, v15  }
0x147: {  	(erf) = vrcp.f32 v16;
	v16 =	vpop (erf);
	[tilespmem:s21+$0x12280] =	vst v10;
	v15 =	vmul.f32 v17, v15  }
0x148: {  	(erf) = vrcp.f32 v12;
	v12 =	vpop (erf);
	[tilespmem:s8+$0x12000] =	vst v13  }
0x149: {  	v18 =	vsub.f32 $1.000000000e+00, v12;
	v12 =	vmul.f32 v12, v11;
	[tilespmem:s10+$0x12000] =	vst v15  }
0x14a: {  	s0 =	rddreg [dreg:$0x5]  }
0x14b: {  	v16 =	vadd.f32 $1.000000000e+00, v16;
	v17 =	vpop (erf);
	v11 =	vmul.f32 v18, v11;
	[tilespmem:s0+$0x12000] =	vst v12  }
0x14c: {  	v13 =	vpop (erf);
	s0 =	rddreg [dreg:$0x7]  }
0x14d: {  	(erf) = vrcp.f32 v16;
	v16 =	vsub.f32 $1.000000000e+00, v13;
	v15 =	vpop (erf);
	v13 =	vmul.f32 v13, v14;
	[tilespmem:s0+$0x12000] =	vst v11  }
0x14e: {  	v12 =	vpop (erf);
	s0 =	rddreg [dreg:$0xb]  }
0x14f: {  	v14 =	vmul.f32 v16, v14;
	v11 =	vmul.f32 v12, v10;
	[tilespmem:s0+$0x12000] =	vst v13  }
0x150: {  	s0 =	rddreg [dreg:$0xd]  }
0x151: {  	v18 =	vsub.f32 $1.000000000e+00, v12;
	v12 =	vpop (erf);
	[tilespmem:s0+$0x12000] =	vst v14  }
0x152: {  	v13 =	vpop (erf);
	s0 =	rddreg [dreg:$0x11]  }
0x153: {  	v10 =	vmul.f32 v18, v10;
	[tilespmem:s0+$0x12000] =	vst v11;
	v11 =	vpop (erf)  }
0x154: {  	s0 =	rddreg [dreg:$0xf];
	[tilespmem:s17+$0x12000] =	vst v11  }
0x155: {  	v4 =	vmul.f32 v4, v7;
	v14 =	vadd.f32 $1.000000000e+00, v17;
	v7 =	vpop (erf);
	[tilespmem:s0+$0x12000] =	vst v10  }
0x156: {  	v10 =	vsub.f32 $1.000000000e+00, v11;
	v16 =	vsub.f32 $1.000000000e+00, v7;
	s0 =	rddreg [dreg:$0x3]  }
0x157: {  	(erf) = vrcp.f32 v14;
	[tilespmem:s0+$0x12000] =	vst v4  }
0x158: {  	v15 =	vadd.f32 $1.000000000e+00, v15;
	v14 =	vmul.f32 v16, v11;
	[tilespmem:s17+$0x12080] =	vst v10  }
0x159: {  	v12 =	vadd.f32 $1.000000000e+00, v12;
	v4 =	vpop (erf);
	[tilespmem:s20+$0x12000] =	vst v2  }
0x15a: {  	(erf) = vrcp.f32 v15;
	v2 =	vmul.f32 v4, v10;
	[tilespmem:s17+$0x12180] =	vst v14  }
0x15b: {  	(erf) = vrcp.f32 v12;
	[tilespmem:s7+$0x12000] =	vst v0  }
0x15c: {  	v15 =	vsub.f32 $1.000000000e+00, v4;
	v4 =	vadd.f32 $1.000000000e+00, v13;
	v0 =	vmul.f32 v7, v11;
	[tilespmem:s17+$0x12200] =	vst v2  }
0x15d: {  	[tilespmem:s6+$0x12000] =	vst v3  }
0x15e: {  	v10 =	vmul.f32 v15, v10;
	(erf) = vrcp.f32 v4;
	[tilespmem:s17+$0x12100] =	vst v0  }
0x15f: {  	[tilespmem:s12+$0x12000] =	vst v1  }
0x160: {  	v3 =	vmul.f32 v8, v5;
	[tilespmem:s17+$0x12280] =	vst v10;
	v4 =	vpop (erf)  }
0x161: {  	v1 =	vmul.f32 v9, v5;
	[tilespmem:s18+$0x12000] =	vst v6;
	v5 =	vsub.f32 $1.000000000e+00, v4  }
0x162: {  	[tilespmem:s4+$0x12000] =	vst v3  }
0x163: {  	v6 =	vpop (erf);
	v3 =	vmul.f32 v4, v0;
	[tilespmem:s19+$0x12000] =	vst v1  }
0x164: {  	v4 =	vsub.f32 $1.000000000e+00, v6;
	v0 =	vmul.f32 v5, v0;
	s0 =	rddreg [dreg:$0x9]  }
0x165: {  	v1 =	vmul.f32 v6, v14;
	[tilespmem:s0+$0x12000] =	vst v3;
	v5 =	vpop (erf)  }
0x166: {  	v3 =	vmul.f32 v4, v14;
	[tilespmem:s31+$0x12000] =	vst v0;
	v4 =	vsub.f32 $1.000000000e+00, v5  }
0x167: {  	v0 =	vmul.f32 v5, v2;
	[tilespmem:s11+$0x12000] =	vst v1;
	v5 =	vpop (erf)  }
0x168: {  	[tilespmem:s9+$0x12000] =	vst v3;
	v1 =	vsub.f32 $1.000000000e+00, v5;
	v2 =	vmul.f32 v4, v2  }
0x169: {  	v3 =	vmul.f32 v5, v10;
	[tilespmem:s1+$0x12000] =	vst v0  }
0x16a: {  	v0 =	vmul.f32 v1, v10;
	[tilespmem:s3+$0x12000] =	vst v2  }
0x16b: {  	[tilespmem:s13+$0x12000] =	vst v3  }
0x16c: {  	[tilespmem:s15+$0x12000] =	vst v0  }
0x16d: {  	s0 =	sld [smem:$0x7F8]  }
0x16e: {  	s2 =	simm.s32 $0x100000  }
0x16f: {  	s22 =	simm.s32 $0x12000;
	s21 =	simm.s32 $0x3000;
	s24 =	sld [smem:$0x7F9]  }
0x170: {  	[hbm4b:s0+s21] =	stream.strided.scatter [tilespmem:s22], [sflag:$0x4], $0x6000, s2, s21, $0x38;
	[tilespmem:$0x18000] =	vst v63  }
0x171: {  	s23 =	simm.s32 $0x0;
	s25 =	simm.s32 $0x6000  }
0x172: {  	[tilespmem:s25], [sflag:$0x2] =	stream.linear.gather [hbm4b:s24+s23], $0x1000, $0x38;
	[tilespmem:$0x18000] =	vst v63  }
0x173: {  	s26 =	simm.s32 $0x9000;
	s28 =	simm.s32 $0x1;
	s1 =	sadd.s32 $0x20000, s24  }
0x174: {  	[tilespmem:s26], [sflag:$0x2] =	stream.linear.gather [hbm4b:s1+s23], $0x1000, $0x38;
	[tilespmem:$0x18000] =	vst v63  }
0x175: {  	_ =	swait.ge [sflag:s28], $0x6000  }
0x176: {  	[sflag:s28] =	ssyncset.done $0x0  }
0x177: {  	s29 =	simm.s32 $0x3;
	[sflag:s28] =	ssyncadd.s32 $0xFFFFA000  }
0x178: {  	s30 =	sand.u32 $0x60, s23;
	_ =	swait.ge [sflag:s29], $0x2000  }
0x179: {  	s5 =	sor.u32 $0x10, s30;
	s8 =	sand.u32 $0x3C00, s23;
	[sflag:s29] =	ssyncset.done $0x0  }
0x17a: {  	s3 =	sor.u32 s8, s5;
	[sflag:s29] =	ssyncadd.s32 $0xFFFFE000  }
0x17b: {  	v0 =	vld [tilespmem:s3+$0x0]  }
0x17c: {  	s0 =	sand.u32 $0x3, s23;
	v1 =	vld [tilespmem:s3+$0x80]  }
0x17d: {  	s0 =	sshll.u32 s0, $0x5;
	v2 =	vld [tilespmem:s3+$0x100]  }
0x17e: {  	s10 =	sadd.s32 $0x0, s0;
	v3 =	vld [tilespmem:s3+$0x180]  }
0x17f: {  	s0 =	sadd.s32 $0x10, s10;
	v4 =	vld [tilespmem:s3+$0x200]  }
0x180: {  	s9 =	sor.u32 $0x300, s0;
	v5 =	vld [tilespmem:s3+$0x280]  }
0x181: {  	s11 =	sadd.s32 $0x3000, s8;
	s25 =	sor.u32 $0x380, s0;
	v6 =	vld [tilespmem:s9+$0x0];
	v0 =	vsub.f32 v1, v0  }
0x182: {  	s16 =	sor.u32 s5, s11;
	s13 =	sadd.s32 $0x3080, s8;
	s15 =	sadd.s32 $0x3100, s8;
	v7 =	vld [tilespmem:s25+$0x0]  }
0x183: {  	s17 =	sadd.s32 $0x3180, s8;
	s14 =	sor.u32 s5, s13;
	s18 =	sor.u32 s5, s15;
	v1 =	vld [tilespmem:s16+$0x0];
	v0 =	vmul.f32 $1.442695020e+00, v0  }
0x184: {  	s19 =	sadd.s32 $0x3200, s8;
	s21 =	sor.u32 s5, s17;
	v2 =	vsub.f32 v3, v2;
	v3 =	vld [tilespmem:s14+$0x0];
	[smem:$0x7EE] =	sst s18  }
0x185: {  	s22 =	sadd.s32 $0x3280, s8;
	s23 =	sor.u32 s5, s19;
	v8 =	vld [tilespmem:s18+$0x0];
	[smem:$0x7EF] =	sst s21;
	(erf) = vpow2.f32 v0  }
0x186: {  	s5 =	sor.u32 s5, s22;
	v4 =	vsub.f32 v5, v4;
	v2 =	vmul.f32 $1.442695020e+00, v2;
	v5 =	vld [tilespmem:s21+$0x0];
	[smem:$0x7F0] =	sst s23  }
0x187: {  	v0 =	vld [tilespmem:s23+$0x0];
	[smem:$0x7F1] =	sst s5  }
0x188: {  	v6 =	vsub.f32 v7, v6;
	v4 =	vmul.f32 $1.442695020e+00, v4;
	s23 =	sor.u32 s30, s8;
	(erf) = vpow2.f32 v2;
	v2 =	vld [tilespmem:s5+$0x0]  }
0x189: {  	v1 =	vsub.f32 v3, v1;
	v3 =	vld [tilespmem:s23+$0x0]  }
0x18a: {  	v6 =	vmul.f32 $1.442695020e+00, v6;
	(erf) = vpow2.f32 v4;
	v4 =	vld [tilespmem:s23+$0x80]  }
0x18b: {  	v7 =	vld [tilespmem:s23+$0x180];
	v1 =	vmul.f32 $1.442695020e+00, v1  }
0x18c: {  	v5 =	vsub.f32 v5, v8;
	(erf) = vpow2.f32 v6;
	v6 =	vld [tilespmem:s23+$0x100]  }
0x18d: {  	(erf) = vpow2.f32 v1;
	v1 =	vld [tilespmem:s23+$0x200]  }
0x18e: {  	s24 =	sor.u32 $0x300, s10;
	v5 =	vmul.f32 $1.442695020e+00, v5;
	v0 =	vsub.f32 v2, v0;
	v2 =	vld [tilespmem:s23+$0x280];
	v8 =	vpop (erf)  }
0x18f: {  	[dreg:$0x4] =	wrdreg s24;
	v3 =	vsub.f32 v4, v3;
	v4 =	vadd.f32 $1.000000000e+00, v8  }
0x190: {  	s20 =	sor.u32 $0x380, s10;
	(erf) = vpow2.f32 v5;
	v5 =	vld [tilespmem:s24+$0x0];
	v0 =	vmul.f32 $1.442695020e+00, v0  }
0x191: {  	v9 =	vld [tilespmem:s20+$0x0];
	v6 =	vsub.f32 v7, v6;
	v8 =	vpop (erf)  }
0x192: {  	s6 =	sor.u32 s30, s13;
	v3 =	vmul.f32 $1.442695020e+00, v3;
	(erf) = vpow2.f32 v0;
	v8 =	vadd.f32 $1.000000000e+00, v8  }
0x193: {  	s7 =	sor.u32 s30, s11;
	v7 =	vld [tilespmem:s6+$0x0];
	v1 =	vsub.f32 v2, v1;
	(erf) = vrcp.f32 v4;
	v4 =	vpop (erf)  }
0x194: {  	v0 =	vld [tilespmem:s7+$0x0];
	v2 =	vmul.f32 $1.442695020e+00, v6;
	(erf) = vrcp.f32 v8;
	v4 =	vadd.f32 $1.000000000e+00, v4  }
0x195: {  	s18 =	sor.u32 s30, s17;
	(erf) = vpow2.f32 v3  }
0x196: {  	s12 =	sor.u32 s30, s15;
	v6 =	vld [tilespmem:s18+$0x0];
	v3 =	vpop (erf);
	(erf) = vrcp.f32 v4;
	v4 =	vsub.f32 v9, v5  }
0x197: {  	s4 =	sor.u32 s30, s19;
	v8 =	vld [tilespmem:s12+$0x0];
	v1 =	vmul.f32 $1.442695020e+00, v1;
	v3 =	vadd.f32 $1.000000000e+00, v3  }
0x198: {  	s19 =	sor.u32 s30, s22;
	v5 =	vld [tilespmem:s4+$0x0];
	(erf) = vpow2.f32 v2;
	v2 =	vpop (erf);
	v4 =	vmul.f32 $1.442695020e+00, v4  }
0x199: {  	v0 =	vsub.f32 v7, v0;
	v2 =	vadd.f32 $1.000000000e+00, v2;
	(erf) = vrcp.f32 v3;
	v3 =	vld [tilespmem:s19+$0x0]  }
0x19a: {  	(erf) = vpow2.f32 v1  }
0x19b: {  	v0 =	vmul.f32 $1.442695020e+00, v0;
	v1 =	vpop (erf);
	(erf) = vrcp.f32 v2  }
0x19c: {  	v1 =	vadd.f32 $1.000000000e+00, v1;
	v2 =	vsub.f32 v6, v8;
	(erf) = vpow2.f32 v4;
	v4 =	vpop (erf)  }
0x19d: {  	v4 =	vadd.f32 $1.000000000e+00, v4  }
0x19e: {  	s26 =	simm.s32 $0x20;
	(erf) = vrcp.f32 v1;
	v1 =	vmul.f32 $1.442695020e+00, v2;
	v6 =	vpop (erf);
	v2 =	vsub.f32 v3, v5  }
0x19f: {  	s2 =	sand.u32 $0x60, s26;
	s24 =	simm.s32 $0x100;
	(erf) = vpow2.f32 v0;
	v0 =	vpop (erf)  }
0x1a0: {  	s0 =	sor.u32 $0x10, s2;
	s5 =	simm.s32 $0x1;
	s11 =	sand.u32 $0x3C00, s24;
	v3 =	vpop (erf);
	(erf) = vrcp.f32 v4;
	v2 =	vmul.f32 $1.442695020e+00, v2  }
0x1a1: {  	s28 =	sand.u32 $0x3, s5;
	s21 =	sor.u32 s11, s0;
	(erf) = vpow2.f32 v1;
	v4 =	vpop (erf)  }
0x1a2: {  	s1 =	sshll.u32 s28, $0x5;
	v11 =	vld [tilespmem:s21+$0x80];
	v7 =	vsub.f32 $1.000000000e+00, v6;
	v3 =	vadd.f32 $1.000000000e+00, v3;
	v5 =	vpop (erf)  }
0x1a3: {  	s26 =	sadd.s32 $0x100, s1;
	v14 =	vld [tilespmem:s21+$0x100];
	v1 =	vsub.f32 $1.000000000e+00, v0;
	v8 =	vpop (erf);
	(erf) = vpow2.f32 v2  }
0x1a4: {  	s1 =	sadd.s32 $0x10, s26;
	v15 =	vld [tilespmem:s21+$0x180];
	v10 =	vsub.f32 $1.000000000e+00, v4;
	v12 =	vmul.f32 v4, v7;
	v2 =	vpop (erf);
	v4 =	vsub.f32 $1.000000000e+00, v8  }
0x1a5: {  	s10 =	sor.u32 $0x380, s1;
	v9 =	vld [tilespmem:s21+$0x0];
	v5 =	vadd.f32 $1.000000000e+00, v5;
	v13 =	vpop (erf);
	v2 =	vadd.f32 $1.000000000e+00, v2  }
0x1a6: {  	v22 =	vld [tilespmem:s10+$0x0];
	v0 =	vmul.f32 v0, v6;
	(erf) = vrcp.f32 v3;
	v3 =	vpop (erf)  }
0x1a7: {  	s15 =	sadd.s32 $0x3000, s11;
	v17 =	vld [tilespmem:s21+$0x200];
	v1 =	vmul.f32 v1, v6;
	(erf) = vrcp.f32 v5;
	v5 =	vsub.f32 $1.000000000e+00, v13;
	v16 =	vpop (erf)  }
0x1a8: {  	s8 =	sor.u32 $0x300, s1;
	s13 =	sadd.s32 $0x3080, s11;
	v19 =	vld [tilespmem:s21+$0x280];
	s29 =	sor.u32 s0, s15;
	v18 =	vmul.f32 v4, v0;
	v3 =	vadd.f32 $1.000000000e+00, v3;
	v4 =	vpop (erf)  }
0x1a9: {  	s28 =	sadd.s32 $0x3100, s11;
	s30 =	sor.u32 s0, s13;
	(erf) = vrcp.f32 v2;
	v20 =	vmul.f32 v5, v1;
	v5 =	vld [tilespmem:s8+$0x0];
	[dreg:$0x6] =	wrdreg s29;
	v2 =	vpop (erf);
	v4 =	vadd.f32 $1.000000000e+00, v4  }
0x1aa: {  	s17 =	sor.u32 s0, s28;
	v14 =	vsub.f32 v15, v14;
	v9 =	vsub.f32 v11, v9;
	(erf) = vrcp.f32 v3;
	v3 =	vld [tilespmem:s29+$0x0];
	[dreg:$0x8] =	wrdreg s30;
	s29 =	sadd.s32 $0x3180, s11;
	v11 =	vpop (erf)  }
0x1ab: {  	v15 =	vsub.f32 $1.000000000e+00, v16;
	s22 =	sor.u32 s0, s29;
	v11 =	vadd.f32 $1.000000000e+00, v11;
	(erf) = vrcp.f32 v4;
	v4 =	vld [tilespmem:s30+$0x0];
	[dreg:$0xc] =	wrdreg s17  }
0x1ac: {  	v9 =	vmul.f32 $1.442695020e+00, v9;
	v21 =	vmul.f32 v16, v12;
	s30 =	sadd.s32 $0x3200, s11;
	v16 =	vpop (erf);
	v23 =	vld [tilespmem:s17+$0x0];
	[dreg:$0xe] =	wrdreg s22  }
0x1ad: {  	s17 =	sor.u32 s0, s30;
	(erf) = vrcp.f32 v11;
	v11 =	vmul.f32 v15, v12;
	v15 =	vadd.f32 $1.000000000e+00, v16;
	v16 =	vld [tilespmem:s22+$0x0];
	s22 =	sadd.s32 $0x3280, s11  }
0x1ae: {  	v14 =	vmul.f32 $1.442695020e+00, v14;
	[dreg:$0x12] =	wrdreg s17;
	s0 =	sor.u32 s0, s22  }
0x1af: {  	v10 =	vmul.f32 v10, v7;
	(erf) = vpow2.f32 v9;
	v9 =	vld [tilespmem:s17+$0x0];
	[dreg:$0x10] =	wrdreg s0  }
0x1b0: {  	v17 =	vsub.f32 v19, v17;
	[tilespmem:s3+$0xC000] =	vst v6  }
0x1b1: {  	v19 =	vmul.f32 v2, v10;
	s17 =	sor.u32 s2, s11;
	(erf) = vpow2.f32 v14;
	v14 =	vsub.f32 $1.000000000e+00, v2;
	v2 =	vld [tilespmem:s0+$0x0];
	[tilespmem:s3+$0xC080] =	vst v7  }
0x1b2: {  	v24 =	vld [tilespmem:s17+$0x80];
	[tilespmem:s3+$0xC100] =	vst v0  }
0x1b3: {  	v17 =	vmul.f32 $1.442695020e+00, v17;
	v8 =	vmul.f32 v8, v0;
	v60 =	vpop (erf);
	v26 =	vld [tilespmem:s17+$0x100];
	[tilespmem:s3+$0xC180] =	vst v1  }
0x1b4: {  	(erf) = vrcp.f32 v15;
	v27 =	vld [tilespmem:s17+$0x180];
	[tilespmem:s3+$0xC200] =	vst v12;
	v15 =	vpop (erf);
	v6 =	vmul.f32 v14, v10;
	v14 =	vsub.f32 $1.000000000e+00, v60  }
0x1b5: {  	v3 =	vsub.f32 v4, v3;
	[tilespmem:s3+$0xC280] =	vst v10;
	(erf) = vpow2.f32 v17;
	v17 =	vld [tilespmem:s17+$0x0];
	v4 =	vsub.f32 $1.000000000e+00, v15;
	v7 =	vpop (erf)  }
0x1b6: {  	s11 =	sor.u32 $0x300, s26;
	[tilespmem:s9+$0xC000] =	vst v8;
	v0 =	vsub.f32 $1.000000000e+00, v7;
	v25 =	vmul.f32 v7, v14;
	v7 =	vmul.f32 v15, v60;
	v15 =	vld [tilespmem:s17+$0x280]  }
0x1b7: {  	v13 =	vmul.f32 v13, v1;
	v2 =	vsub.f32 v2, v9;
	v9 =	vld [tilespmem:s17+$0x200];
	[dreg:$0xa] =	wrdreg s11  }
0x1b8: {  	[tilespmem:s25+$0xC000] =	vst v18  }
0x1b9: {  	[tilespmem:s16+$0xC000] =	vst v13  }
0x1ba: {  	v5 =	vsub.f32 v22, v5;
	[tilespmem:s14+$0xC000] =	vst v20  }
0x1bb: {  	s1 =	sor.u32 s2, s28;
	s28 =	sld [smem:$0x7EE]  }
0x1bc: {  	v5 =	vmul.f32 $1.442695020e+00, v5;
	v16 =	vsub.f32 v16, v23;
	v61 =	vmul.f32 v4, v60;
	v4 =	vpop (erf)  }
0x1bd: {  	v3 =	vmul.f32 $1.442695020e+00, v3;
	v1 =	vpop (erf)  }
0x1be: {  	(erf) = vpow2.f32 v5;
	v16 =	vmul.f32 $1.442695020e+00, v16;
	v12 =	vpop (erf);
	[tilespmem:s28+$0xC000] =	vst v21  }
0x1bf: {  	(erf) = vpow2.f32 v3;
	v28 =	vmul.f32 $1.442695020e+00, v2;
	v2 =	vpop (erf);
	s0 =	sld [smem:$0x7EF]  }
0x1c0: {  	(erf) = vpow2.f32 v16;
	v16 =	vsub.f32 v24, v17;
	v17 =	vadd.f32 $1.000000000e+00, v2  }
0x1c1: {  	s31 =	sor.u32 $0x380, s26;
	v5 =	vmul.f32 v0, v14;
	v3 =	vsub.f32 $1.000000000e+00, v4;
	v13 =	vsub.f32 v27, v26  }
0x1c2: {  	v18 =	vld [tilespmem:s31+$0x0];
	v10 =	vsub.f32 $1.000000000e+00, v1;
	v0 =	vmul.f32 v1, v61;
	v16 =	vmul.f32 $1.442695020e+00, v16;
	v8 =	vpop (erf);
	[tilespmem:s0+$0xC000] =	vst v11  }
0x1c3: {  	v1 =	vld [tilespmem:s11+$0x0];
	s11 =	sor.u32 s2, s15;
	(erf) = vpow2.f32 v28;
	v13 =	vmul.f32 $1.442695020e+00, v13;
	v62 =	vadd.f32 $1.000000000e+00, v8;
	v8 =	vpop (erf);
	s0 =	sld [smem:$0x7F0]  }
0x1c4: {  	s9 =	sor.u32 s2, s13;
	v63 =	vld [tilespmem:s11+$0x0];
	v2 =	vmul.f32 v3, v7;
	(erf) = vrcp.f32 v17;
	v17 =	vpop (erf)  }
0x1c5: {  	v3 =	vmul.f32 v10, v61;
	v10 =	vld [tilespmem:s9+$0x0];
	(erf) = vrcp.f32 v62;
	v17 =	vadd.f32 $1.000000000e+00, v17  }
0x1c6: {  	s3 =	sor.u32 s2, s29;
	v9 =	vsub.f32 v15, v9;
	v15 =	vld [tilespmem:s1+$0x0];
	(erf) = vpow2.f32 v16;
	[tilespmem:s0+$0xC000] =	vst v19  }
0x1c7: {  	v16 =	vpop (erf);
	(erf) = vrcp.f32 v17;
	v17 =	vld [tilespmem:s3+$0x0];
	s0 =	sld [smem:$0x7F1]  }
0x1c8: {  	v9 =	vmul.f32 $1.442695020e+00, v9;
	v18 =	vsub.f32 v18, v1;
	v16 =	vadd.f32 $1.000000000e+00, v16  }
0x1c9: {  	s15 =	sor.u32 s2, s22;
	v1 =	vmul.f32 v12, v25;
	(erf) = vpow2.f32 v13;
	v13 =	vpop (erf)  }
0x1ca: {  	s13 =	sor.u32 s2, s30;
	v11 =	vsub.f32 $1.000000000e+00, v12;
	v12 =	vld [tilespmem:s15+$0x0];
	[tilespmem:s0+$0xC000] =	vst v6;
	v6 =	vadd.f32 $1.000000000e+00, v13;
	v13 =	vmul.f32 $1.442695020e+00, v18  }
0x1cb: {  	(erf) = vrcp.f32 v16;
	v19 =	vld [tilespmem:s13+$0x0]  }
0x1cc: {  	v10 =	vsub.f32 v10, v63;
	(erf) = vpow2.f32 v9;
	v16 =	vpop (erf);
	[tilespmem:s23+$0xC000] =	vst v60;
	v15 =	vsub.f32 v17, v15  }
0x1cd: {  	[tilespmem:s23+$0xC080] =	vst v14;
	v14 =	vadd.f32 $1.000000000e+00, v16;
	(erf) = vrcp.f32 v6  }
0x1ce: {  	v10 =	vmul.f32 $1.442695020e+00, v10;
	v9 =	vsub.f32 $1.000000000e+00, v8;
	[tilespmem:s23+$0xC180] =	vst v61;
	(erf) = vpow2.f32 v13;
	v13 =	vpop (erf)  }
0x1cf: {  	[tilespmem:s23+$0xC200] =	vst v25;
	v6 =	vmul.f32 v11, v25;
	(erf) = vrcp.f32 v14;
	v17 =	vadd.f32 $1.000000000e+00, v13;
	v11 =	vpop (erf)  }
0x1d0: {  	[tilespmem:s23+$0xC280] =	vst v5;
	v13 =	vsub.f32 v12, v19;
	v12 =	vmul.f32 $1.442695020e+00, v15;
	(erf) = vpow2.f32 v10;
	v15 =	vpop (erf)  }
0x1d1: {  	s2 =	simm.s32 $0x40;
	[tilespmem:s23+$0xC100] =	vst v7;
	s23 =	simm.s32 $0x2;
	v10 =	vsub.f32 $1.000000000e+00, v11;
	v14 =	vsub.f32 $1.000000000e+00, v15;
	v16 =	vpop (erf);
	(erf) = vrcp.f32 v17  }
.LBB2_6:
0x1d2: {  	[dreg:$0x1c] =	wrdreg s3  }
0x1d3: {  	[dreg:$0x1a] =	wrdreg s13  }
0x1d4: {  	[dreg:$0x18] =	wrdreg s19  }
0x1d5: {  	[dreg:$0x16] =	wrdreg s4  }
0x1d6: {  	[dreg:$0x14] =	wrdreg s1;
	s26 =	sand.u32 $0x60, s2;
	v16 =	vadd.f32 $1.000000000e+00, v16;
	v15 =	vmul.f32 v15, v11;
	[tilespmem:s21+$0xC000] =	vst v11;
	s24 =	sadd.s32 $0x100, s24;
	v17 =	vpop (erf)  }
0x1d7: {  	s22 =	rddreg [dreg:$0x6];
	v19 =	vmul.f32 $1.442695020e+00, v13;
	s29 =	sand.u32 $0x3C00, s24;
	s28 =	sor.u32 $0x10, s26;
	v18 =	vsub.f32 $1.000000000e+00, v17;
	v11 =	vmul.f32 v14, v11;
	[tilespmem:s21+$0xC080] =	vst v10;
	v14 =	vpop (erf)  }
0x1d8: {  	s14 =	sadd.s32 $0x1, s5;
	s5 =	rddreg [dreg:$0x8];
	(erf) = vpow2.f32 v12;
	s0 =	sor.u32 s29, s28;
	v21 =	vadd.f32 $1.000000000e+00, v14;
	v14 =	vmul.f32 v17, v10;
	[tilespmem:s21+$0xC100] =	vst v15;
	v13 =	vpop (erf)  }
0x1d9: {  	s13 =	rddreg [dreg:$0xc];
	s16 =	sand.u32 $0x3, s14;
	(erf) = vpow2.f32 v19;
	v17 =	vld [tilespmem:s0+$0x0];
	v23 =	vsub.f32 $1.000000000e+00, v13;
	v18 =	vmul.f32 v18, v10;
	[tilespmem:s21+$0xC180] =	vst v11;
	v10 =	vpop (erf)  }
0x1da: {  	s1 =	sshll.u32 s16, $0x5;
	s16 =	smov.u32 s31;
	s3 =	sadd.s32 $0x3000, s29;
	v24 =	vmul.f32 v13, v15;
	(erf) = vrcp.f32 v16;
	v16 =	vld [tilespmem:s0+$0x80];
	v20 =	vadd.f32 $1.000000000e+00, v10;
	[tilespmem:s21+$0xC200] =	vst v14;
	v12 =	vpop (erf)  }
0x1db: {  	s4 =	sadd.s32 $0x3080, s29;
	s19 =	sadd.s32 s1, s24;
	v10 =	vmul.f32 v8, v5;
	v45 =	vld [tilespmem:s0+$0x100];
	v22 =	vsub.f32 $1.000000000e+00, v12;
	v25 =	vmul.f32 v23, v15;
	[tilespmem:s21+$0xC280] =	vst v18;
	v19 =	vpop (erf);
	s21 =	smov.u32 s0  }
0x1dc: {  	s1 =	sor.u32 s28, s3;
	s31 =	sor.u32 $0x300, s19;
	s30 =	sor.u32 $0x380, s19;
	(erf) = vrcp.f32 v21;
	v26 =	vmul.f32 v12, v11;
	v8 =	vld [tilespmem:s21+$0x180];
	[tilespmem:s8+$0xC000] =	vst v24;
	v13 =	vpop (erf)  }
0x1dd: {  	[dreg:$0x6] =	wrdreg s1;
	s0 =	sadd.s32 $0x10, s19;
	s19 =	sor.u32 s28, s4;
	(erf) = vrcp.f32 v20;
	v46 =	vld [tilespmem:s21+$0x200];
	v47 =	vsub.f32 $1.000000000e+00, v13;
	v22 =	vmul.f32 v22, v11;
	[tilespmem:s10+$0xC000] =	vst v25  }
0x1de: {  	v19 =	vadd.f32 $1.000000000e+00, v19;
	s8 =	sor.u32 $0x300, s0;
	[dreg:$0x8] =	wrdreg s19;
	v15 =	vpop (erf);
	v11 =	vmul.f32 v9, v5;
	v13 =	vmul.f32 v13, v14;
	s10 =	sor.u32 $0x380, s0;
	v5 =	vld [tilespmem:s21+$0x280];
	[tilespmem:s22+$0xC000] =	vst v26  }
0x1df: {  	v4 =	vmul.f32 v4, v7;
	s0 =	sor.u32 s26, s3;
	s3 =	smov.u32 s12;
	s12 =	smov.u32 s20;
	v48 =	vadd.f32 $1.000000000e+00, v15;
	v12 =	vpop (erf);
	v15 =	vld [tilespmem:s8+$0x0];
	v23 =	vmul.f32 v47, v14;
	[tilespmem:s5+$0xC000] =	vst v22  }
0x1e0: {  	(erf) = vrcp.f32 v19;
	s22 =	rddreg [dreg:$0xe];
	v19 =	vsub.f32 $1.000000000e+00, v12;
	v49 =	vmul.f32 v12, v18;
	v7 =	vld [tilespmem:s10+$0x0];
	[tilespmem:s13+$0xC000] =	vst v13;
	s13 =	smov.u32 s18;
	s18 =	sadd.s32 $0x3100, s29  }
0x1e1: {  	s20 =	sadd.s32 $0x3180, s29;
	v13 =	vld [tilespmem:s1+$0x0];
	[tilespmem:s22+$0xC000] =	vst v23;
	s5 =	sor.u32 s28, s18;
	s22 =	rddreg [dreg:$0x12]  }
0x1e2: {  	v16 =	vsub.f32 v16, v17;
	v9 =	vpop (erf);
	v50 =	vmul.f32 v19, v18;
	s1 =	sor.u32 s26, s4;
	v18 =	vld [tilespmem:s19+$0x0];
	[tilespmem:s22+$0xC000] =	vst v49;
	s22 =	smov.u32 s9;
	[dreg:$0xc] =	wrdreg s5  }
0x1e3: {  	v8 =	vsub.f32 v8, v45;
	v9 =	vadd.f32 $1.000000000e+00, v9;
	v14 =	vpop (erf);
	s9 =	smov.u32 s6;
	s6 =	sadd.s32 $0x3200, s29;
	v19 =	vld [tilespmem:s5+$0x0];
	s5 =	rddreg [dreg:$0x10]  }
0x1e4: {  	(erf) = vrcp.f32 v48;
	v16 =	vmul.f32 $1.442695020e+00, v16;
	s4 =	sor.u32 s28, s20;
	v14 =	vadd.f32 $1.000000000e+00, v14;
	v12 =	vpop (erf);
	[tilespmem:s5+$0xC000] =	vst v50;
	s5 =	smov.u32 s15;
	s15 =	sor.u32 s28, s6  }
0x1e5: {  	s19 =	smov.u32 s11;
	v51 =	vmul.f32 $1.442695020e+00, v8;
	v5 =	vsub.f32 v5, v46;
	v17 =	vpop (erf);
	(erf) = vrcp.f32 v9;
	v9 =	vld [tilespmem:s4+$0x0];
	[dreg:$0x12] =	wrdreg s15  }
0x1e6: {  	s11 =	smov.u32 s7;
	s7 =	sadd.s32 $0x3280, s29;
	[tilespmem:s17+$0xC000] =	vst v12;
	(erf) = vpow2.f32 v16;
	v16 =	vsub.f32 $1.000000000e+00, v12;
	v52 =	vsub.f32 $1.000000000e+00, v17;
	v21 =	vld [tilespmem:s15+$0x0];
	s15 =	rddreg [dreg:$0x4]  }
0x1e7: {  	s28 =	sor.u32 s28, s7;
	v5 =	vmul.f32 $1.442695020e+00, v5;
	v7 =	vsub.f32 v7, v15;
	v8 =	vpop (erf);
	(erf) = vpow2.f32 v51;
	[tilespmem:s15+$0xC000] =	vst v4  }
0x1e8: {  	s25 =	sor.u32 s26, s29;
	v15 =	vld [tilespmem:s28+$0x0];
	v53 =	vsub.f32 $1.000000000e+00, v8;
	v20 =	vmul.f32 v52, v12;
	[tilespmem:s17+$0xC080] =	vst v16;
	(erf) = vrcp.f32 v14  }
0x1e9: {  	v7 =	vmul.f32 $1.442695020e+00, v7;
	v13 =	vsub.f32 v18, v13;
	v14 =	vld [tilespmem:s25+$0x0];
	(erf) = vpow2.f32 v5;
	[tilespmem:s12+$0xC000] =	vst v2  }
0x1ea: {  	v54 =	vmul.f32 v8, v16;
	v5 =	vmul.f32 v53, v16;
	v18 =	vld [tilespmem:s25+$0x80];
	[tilespmem:s17+$0xC180] =	vst v20  }
0x1eb: {  	v4 =	vpop (erf);
	v13 =	vmul.f32 $1.442695020e+00, v13;
	(erf) = vpow2.f32 v7;
	v8 =	vld [tilespmem:s25+$0x100];
	v9 =	vsub.f32 v9, v19;
	[tilespmem:s11+$0xC000] =	vst v0  }
0x1ec: {  	v7 =	vmul.f32 v17, v12;
	v19 =	vld [tilespmem:s25+$0x180];
	[tilespmem:s17+$0xC200] =	vst v54  }
0x1ed: {  	v16 =	vpop (erf);
	v15 =	vsub.f32 v15, v21;
	(erf) = vpow2.f32 v13;
	v12 =	vld [tilespmem:s25+$0x200];
	v56 =	vmul.f32 $1.442695020e+00, v9;
	[tilespmem:s17+$0xC280] =	vst v5  }
0x1ee: {  	s15 =	smov.u32 s31;
	v55 =	vsub.f32 $1.000000000e+00, v16;
	v0 =	vmul.f32 v16, v20;
	v13 =	vld [tilespmem:s25+$0x280];
	[tilespmem:s17+$0xC100] =	vst v7;
	v17 =	vpop (erf)  }
0x1ef: {  	s31 =	smov.u32 s30;
	v15 =	vmul.f32 $1.442695020e+00, v15;
	v57 =	vld [tilespmem:s15+$0x0];
	v14 =	vsub.f32 v18, v14;
	v18 =	vpop (erf);
	(erf) = vpow2.f32 v56;
	[tilespmem:s9+$0xC000] =	vst v3  }
0x1f0: {  	v16 =	vmul.f32 v55, v20;
	v58 =	vld [tilespmem:s31+$0x0];
	v59 =	vadd.f32 $1.000000000e+00, v18;
	v9 =	vpop (erf);
	[tilespmem:s3+$0xC000] =	vst v1;
	v1 =	vmul.f32 v17, v54  }
0x1f1: {  	s18 =	sor.u32 s26, s18;
	[dreg:$0xe] =	wrdreg s4;
	s11 =	smov.u32 s0;
	(erf) = vpow2.f32 v15;
	v19 =	vsub.f32 v19, v8;
	v60 =	vadd.f32 $1.000000000e+00, v9;
	v8 =	vpop (erf)  }
0x1f2: {  	s17 =	smov.u32 s25;
	s25 =	rddreg [dreg:$0x16];
	s9 =	smov.u32 s1;
	v18 =	vsub.f32 $1.000000000e+00, v17;
	v17 =	vld [tilespmem:s11+$0x0];
	[tilespmem:s13+$0xC000] =	vst v6;
	v61 =	vmul.f32 $1.442695020e+00, v14;
	(erf) = vrcp.f32 v59;
	v3 =	vpop (erf)  }
0x1f3: {  	s4 =	sor.u32 s26, s20;
	s30 =	rddreg [dreg:$0x18];
	s1 =	smov.u32 s18;
	v15 =	vld [tilespmem:s9+$0x0];
	[tilespmem:s25+$0xC000] =	vst v10;
	v12 =	vsub.f32 v13, v12;
	v13 =	vadd.f32 $1.000000000e+00, v3;
	(erf) = vrcp.f32 v60  }
0x1f4: {  	s29 =	sor.u32 s26, s6;
	s3 =	smov.u32 s4;
	v10 =	vld [tilespmem:s1+$0x0];
	[tilespmem:s30+$0xC000] =	vst v11;
	v62 =	vmul.f32 $1.442695020e+00, v19;
	v6 =	vpop (erf);
	(erf) = vpow2.f32 v61  }
0x1f5: {  	s26 =	sor.u32 s26, s7;
	s20 =	rddreg [dreg:$0xa];
	v2 =	vsub.f32 $1.000000000e+00, v4;
	s13 =	smov.u32 s29;
	v3 =	vmovc v16;
	v11 =	vld [tilespmem:s3+$0x0];
	v19 =	vadd.f32 $1.000000000e+00, v6;
	(erf) = vrcp.f32 v13  }
0x1f6: {  	[dreg:$0xa] =	wrdreg s15;
	s15 =	smov.u32 s26;
	v16 =	vld [tilespmem:s13+$0x0];
	v63 =	vmul.f32 $1.442695020e+00, v12;
	v20 =	vsub.f32 v58, v57;
	v14 =	vpop (erf);
	(erf) = vpow2.f32 v62  }
0x1f7: {  	s23 =	sadd.s32 $0x2, s23;
	v2 =	vmul.f32 v2, v7;
	v13 =	vld [tilespmem:s15+$0x0];
	v14 =	vadd.f32 $1.000000000e+00, v14;
	(erf) = vrcp.f32 v19  }
0x1f8: {  	p0 =	slt.u32 s23, $0x5E;
	s6 =	smov.u32 s22;
	s22 =	rddreg [dreg:$0x1c];
	v15 =	vsub.f32 v15, v17;
	v17 =	vmul.f32 $1.442695020e+00, v20;
	(erf) = vpow2.f32 v63;
	v12 =	vpop (erf)  }
.Ltmp2:
0x1f9: {  	[dreg:$0x10] =	wrdreg s28;
	v9 =	vsub.f32 $1.000000000e+00, v8;
	v12 =	vadd.f32 $1.000000000e+00, v12;
	(erf) = vrcp.f32 v14;
	(pc) =	sbr.rel @p0 .LBB2_6-.Ltmp2, $4  }
0x1fa: {  	s7 =	smov.u32 s19;
	s19 =	rddreg [dreg:$0x14];
	s28 =	smov.u32 s20;
	v10 =	vsub.f32 v11, v10;
	v14 =	vmul.f32 $1.442695020e+00, v15;
	v11 =	vpop (erf);
	(erf) = vpow2.f32 v17  }
0x1fb: {  	s2 =	sadd.s32 $0x20, s2;
	s20 =	smov.u32 s16;
	[dreg:$0x4] =	wrdreg s28;
	v6 =	vmul.f32 v18, v54;
	v17 =	vadd.f32 $1.000000000e+00, v11;
	v11 =	vpop (erf);
	(erf) = vrcp.f32 v12  }
0x1fc: {  	s28 =	rddreg [dreg:$0x1a];
	s12 =	smov.u32 s19;
	s19 =	smov.u32 s5;
	v13 =	vsub.f32 v13, v16;
	v12 =	vmul.f32 $1.442695020e+00, v10;
	(erf) = vpow2.f32 v14;
	v15 =	vpop (erf)  }
0x1fd: {  	s5 =	smov.u32 s14;
	s18 =	smov.u32 s22;
	s4 =	smov.u32 s28;
	v10 =	vsub.f32 $1.000000000e+00, v11;
	v14 =	vsub.f32 $1.000000000e+00, v15;
	v16 =	vpop (erf);
	(erf) = vrcp.f32 v17  }
0x1fe: {  	v13 =	vmul.f32 $1.442695020e+00, v13;
	_ =	sdelay $0x1  }
0x1ff: {  	v15 =	vmul.f32 v15, v11;
	[tilespmem:s21+$0xC000] =	vst v11;
	v17 =	vpop (erf)  }
0x200: {  	(erf) = vpow2.f32 v12;
	v18 =	vsub.f32 $1.000000000e+00, v17;
	v11 =	vmul.f32 v14, v11;
	[tilespmem:s21+$0xC080] =	vst v10;
	v14 =	vpop (erf)  }
0x201: {  	v12 =	vadd.f32 $1.000000000e+00, v14;
	v14 =	vmul.f32 v17, v10;
	[tilespmem:s21+$0xC100] =	vst v15;
	(erf) = vpow2.f32 v13;
	v13 =	vpop (erf)  }
0x202: {  	v16 =	vadd.f32 $1.000000000e+00, v16;
	v10 =	vmul.f32 v18, v10;
	[tilespmem:s21+$0xC180] =	vst v11;
	v43 =	vsub.f32 $1.000000000e+00, v13  }
0x203: {  	[tilespmem:s21+$0xC200] =	vst v14;
	v13 =	vmul.f32 v13, v15  }
0x204: {  	(erf) = vrcp.f32 v16;
	v44 =	vpop (erf);
	[tilespmem:s21+$0xC280] =	vst v10;
	v15 =	vmul.f32 v43, v15  }
0x205: {  	(erf) = vrcp.f32 v12;
	v12 =	vpop (erf);
	[tilespmem:s8+$0xC000] =	vst v13  }
0x206: {  	v45 =	vsub.f32 $1.000000000e+00, v12;
	v12 =	vmul.f32 v12, v11;
	[tilespmem:s10+$0xC000] =	vst v15  }
0x207: {  	v46 =	vpop (erf);
	s0 =	rddreg [dreg:$0x6]  }
0x208: {  	v13 =	vpop (erf);
	v11 =	vmul.f32 v45, v11;
	[tilespmem:s0+$0xC000] =	vst v12  }
0x209: {  	v47 =	vpop (erf);
	s0 =	rddreg [dreg:$0x8]  }
0x20a: {  	v15 =	vsub.f32 $1.000000000e+00, v13;
	v12 =	vmul.f32 v13, v14;
	v13 =	vpop (erf);
	[tilespmem:s0+$0xC000] =	vst v11  }
0x20b: {  	v11 =	vsub.f32 $1.000000000e+00, v13;
	s0 =	rddreg [dreg:$0xc]  }
0x20c: {  	v14 =	vmul.f32 v15, v14;
	[tilespmem:s0+$0xC000] =	vst v12  }
0x20d: {  	v16 =	vadd.f32 $1.000000000e+00, v44;
	v12 =	vmul.f32 v13, v10;
	s0 =	rddreg [dreg:$0xe]  }
0x20e: {  	v13 =	vpop (erf);
	[tilespmem:s0+$0xC000] =	vst v14  }
0x20f: {  	(erf) = vrcp.f32 v16;
	v10 =	vmul.f32 v11, v10;
	v11 =	vpop (erf);
	s0 =	rddreg [dreg:$0x12]  }
0x210: {  	v4 =	vmul.f32 v4, v7;
	v7 =	vpop (erf);
	[tilespmem:s0+$0xC000] =	vst v12  }
0x211: {  	v12 =	vpop (erf);
	s0 =	rddreg [dreg:$0x10]  }
0x212: {  	v14 =	vsub.f32 $1.000000000e+00, v12;
	[tilespmem:s0+$0xC000] =	vst v10;
	v10 =	vadd.f32 $1.000000000e+00, v46  }
0x213: {  	s0 =	rddreg [dreg:$0x4];
	[tilespmem:s17+$0xC000] =	vst v7  }
0x214: {  	v14 =	vmul.f32 v14, v7;
	[tilespmem:s0+$0xC000] =	vst v4;
	(erf) = vrcp.f32 v10  }
0x215: {  	v15 =	vadd.f32 $1.000000000e+00, v47;
	v4 =	vsub.f32 $1.000000000e+00, v7;
	[tilespmem:s20+$0xC000] =	vst v2  }
0x216: {  	v13 =	vadd.f32 $1.000000000e+00, v13;
	[tilespmem:s17+$0xC180] =	vst v14  }
0x217: {  	(erf) = vrcp.f32 v15;
	[tilespmem:s17+$0xC080] =	vst v4  }
0x218: {  	v10 =	vpop (erf);
	(erf) = vrcp.f32 v13;
	[tilespmem:s7+$0xC000] =	vst v0;
	v0 =	vmul.f32 v12, v7  }
0x219: {  	v15 =	vsub.f32 $1.000000000e+00, v10;
	v2 =	vmul.f32 v10, v4;
	v10 =	vadd.f32 $1.000000000e+00, v11;
	[tilespmem:s6+$0xC000] =	vst v3  }
0x21a: {  	[tilespmem:s17+$0xC100] =	vst v0  }
0x21b: {  	[tilespmem:s12+$0xC000] =	vst v1;
	(erf) = vrcp.f32 v10  }
0x21c: {  	v3 =	vmul.f32 v8, v5;
	[tilespmem:s17+$0xC200] =	vst v2  }
0x21d: {  	v4 =	vmul.f32 v15, v4;
	[tilespmem:s18+$0xC000] =	vst v6;
	v7 =	vpop (erf)  }
0x21e: {  	v1 =	vmul.f32 v9, v5;
	[tilespmem:s4+$0xC000] =	vst v3;
	v5 =	vsub.f32 $1.000000000e+00, v7  }
0x21f: {  	[tilespmem:s17+$0xC280] =	vst v4  }
0x220: {  	[tilespmem:s19+$0xC000] =	vst v1;
	v6 =	vpop (erf);
	v3 =	vmul.f32 v7, v0  }
0x221: {  	s0 =	rddreg [dreg:$0xa];
	v7 =	vsub.f32 $1.000000000e+00, v6;
	v0 =	vmul.f32 v5, v0  }
0x222: {  	v1 =	vmul.f32 v6, v14;
	[tilespmem:s0+$0xC000] =	vst v3;
	v5 =	vpop (erf)  }
0x223: {  	v3 =	vmul.f32 v7, v14;
	[tilespmem:s31+$0xC000] =	vst v0;
	v6 =	vsub.f32 $1.000000000e+00, v5  }
0x224: {  	v0 =	vmul.f32 v5, v2;
	v5 =	vpop (erf);
	[tilespmem:s11+$0xC000] =	vst v1  }
0x225: {  	v1 =	vsub.f32 $1.000000000e+00, v5;
	[tilespmem:s9+$0xC000] =	vst v3;
	v2 =	vmul.f32 v6, v2  }
0x226: {  	v3 =	vmul.f32 v5, v4;
	[tilespmem:s1+$0xC000] =	vst v0  }
0x227: {  	v0 =	vmul.f32 v1, v4;
	[tilespmem:s3+$0xC000] =	vst v2  }
0x228: {  	[tilespmem:s13+$0xC000] =	vst v3  }
0x229: {  	[tilespmem:s15+$0xC000] =	vst v0  }
0x22a: {  	s0 =	sld [smem:$0x7FA]  }
0x22b: {  	s20 =	simm.s32 $0x2  }
0x22c: {  	s18 =	simm.s32 $0x100000;
	s17 =	simm.s32 $0x3000;
	s19 =	simm.s32 $0xC000  }
0x22d: {  	[hbm4b:s0+s17] =	stream.strided.scatter [tilespmem:s19], [sflag:$0x3], $0x6000, s18, s17, $0x38;
	[tilespmem:$0x18000] =	vst v63  }
0x22e: {  	_ =	swait.ge [sflag:s20], $0x2000  }
0x22f: {  	[sflag:s20] =	ssyncset.done $0x0  }
0x230: {  	s21 =	simm.s32 $0x4;
	[sflag:s20] =	ssyncadd.s32 $0xFFFFE000  }
0x231: {  	s8 =	simm.s32 $0x0;
	_ =	swait.ge [sflag:s21], $0x6000  }
0x232: {  	s2 =	sand.u32 $0xC00, s8;
	s9 =	sand.u32 $0x60, s8;
	[sflag:s21] =	ssyncset.done $0x0  }
0x233: {  	s26 =	sor.u32 s9, s2;
	[sflag:s21] =	ssyncadd.s32 $0xFFFFA000  }
0x234: {  	v0 =	vld [tilespmem:s26+$0x9210]  }
0x235: {  	v1 =	vld [tilespmem:s26+$0x6010]  }
0x236: {  	s10 =	sand.u32 $0x3, s8;
	v2 =	vld [tilespmem:s26+$0x6090]  }
0x237: {  	s1 =	sshll.u32 s10, $0x5;
	v3 =	vld [tilespmem:s26+$0x6110]  }
0x238: {  	s1 =	sadd.s32 $0x0, s1;
	v4 =	vld [tilespmem:s26+$0x6190]  }
0x239: {  	s11 =	sadd.s32 $0x10, s1;
	v5 =	vld [tilespmem:s26+$0x6210]  }
0x23a: {  	s12 =	sor.u32 $0x300, s11;
	v6 =	vld [tilespmem:s26+$0x6290]  }
0x23b: {  	s15 =	sor.u32 $0x380, s11;
	v7 =	vld [tilespmem:s12+$0x6000]  }
0x23c: {  	s16 =	sand.u32 $0xFFFFFC00, s8;
	v8 =	vld [tilespmem:s15+$0x6000]  }
0x23d: {  	s2 =	sadd.s32 $0x0, s16;
	v9 =	vld [tilespmem:s26+$0x6000];
	v1 =	vsub.f32 v2, v1  }
0x23e: {  	s22 =	sor.u32 $0x180, s2;
	v2 =	vld [tilespmem:s26+$0x9290]  }
0x23f: {  	v3 =	vsub.f32 v4, v3;
	v4 =	vld [tilespmem:s22+$0x6000];
	v1 =	vmul.f32 $1.442695020e+00, v1  }
0x240: {  	v5 =	vsub.f32 v6, v5;
	v6 =	vld [tilespmem:s26+$0x6080]  }
0x241: {  	v3 =	vmul.f32 $1.442695020e+00, v3;
	(erf) = vpow2.f32 v1;
	v1 =	vsub.f32 v8, v7;
	v7 =	vld [tilespmem:s26+$0x6100];
	_ =	sdelay $0x1  }
0x242: {  	v5 =	vmul.f32 $1.442695020e+00, v5;
	(erf) = vpow2.f32 v3;
	_ =	sdelay $0x1  }
0x243: {  	v0 =	vsub.f32 v2, v0;
	(erf) = vpow2.f32 v5;
	v5 =	vsub.f32 v6, v9  }
0x244: {  	v10 =	vld [tilespmem:s26+$0x9280];
	v1 =	vmul.f32 $1.442695020e+00, v1;
	v4 =	vsub.f32 v4, v7  }
0x245: {  	v2 =	vld [tilespmem:s26+$0x6200];
	v0 =	vmul.f32 $1.442695020e+00, v0;
	v5 =	vmul.f32 $1.442695020e+00, v5  }
0x246: {  	s0 =	sor.u32 s8, s8;
	v3 =	vld [tilespmem:s26+$0x6280];
	(erf) = vpow2.f32 v1;
	v4 =	vmul.f32 $1.442695020e+00, v4  }
0x247: {  	s24 =	sor.u32 $0x380, s0;
	v8 =	vld [tilespmem:s26+$0x9080];
	(erf) = vpow2.f32 v0  }
0x248: {  	s23 =	sor.u32 $0x300, s1;
	v6 =	vld [tilespmem:s24+$0x6000]  }
0x249: {  	s2 =	sor.u32 $0x3180, s2;
	v1 =	vld [tilespmem:s23+$0x6000];
	(erf) = vpow2.f32 v5;
	v5 =	vpop (erf)  }
0x24a: {  	v0 =	vld [tilespmem:s2+$0x6000];
	(erf) = vpow2.f32 v4;
	v5 =	vadd.f32 $1.000000000e+00, v5;
	v4 =	vpop (erf)  }
0x24b: {  	v2 =	vsub.f32 v3, v2;
	v3 =	vld [tilespmem:s26+$0x9100];
	v4 =	vadd.f32 $1.000000000e+00, v4  }
0x24c: {  	v7 =	vld [tilespmem:s26+$0x9000]  }
0x24d: {  	v9 =	vld [tilespmem:s26+$0x9200]  }
0x24e: {  	v2 =	vmul.f32 $1.442695020e+00, v2;
	(erf) = vrcp.f32 v5;
	v5 =	vpop (erf)  }
0x24f: {  	v1 =	vsub.f32 v6, v1;
	(erf) = vrcp.f32 v4;
	v5 =	vadd.f32 $1.000000000e+00, v5;
	v4 =	vpop (erf)  }
0x250: {  	v0 =	vsub.f32 v0, v3;
	(erf) = vpow2.f32 v2;
	v2 =	vadd.f32 $1.000000000e+00, v4;
	v4 =	vpop (erf)  }
0x251: {  	(erf) = vrcp.f32 v5;
	v3 =	vadd.f32 $1.000000000e+00, v4;
	v4 =	vsub.f32 v8, v7  }
0x252: {  	v1 =	vmul.f32 $1.442695020e+00, v1;
	(erf) = vrcp.f32 v2;
	v2 =	vsub.f32 v10, v9  }
0x253: {  	v0 =	vmul.f32 $1.442695020e+00, v0;
	(erf) = vrcp.f32 v3  }
0x254: {  	v3 =	vmul.f32 $1.442695020e+00, v4;
	(erf) = vpow2.f32 v1  }
0x255: {  	v1 =	vmul.f32 $1.442695020e+00, v2;
	v4 =	vpop (erf);
	(erf) = vpow2.f32 v0  }
0x256: {  	v6 =	vld [tilespmem:s26+$0x9110];
	v2 =	vpop (erf);
	(erf) = vpow2.f32 v3  }
0x257: {  	v5 =	vld [tilespmem:s26+$0x9090];
	(erf) = vpow2.f32 v1;
	v1 =	vadd.f32 $1.000000000e+00, v4  }
0x258: {  	s25 =	simm.s32 $0x100;
	s5 =	simm.s32 $0x20;
	v9 =	vld [tilespmem:s26+$0x9190];
	v0 =	vadd.f32 $1.000000000e+00, v2;
	v3 =	vpop (erf)  }
0x259: {  	s28 =	sand.u32 $0x60, s5;
	s29 =	sand.u32 $0xC00, s25;
	v2 =	vld [tilespmem:s26+$0x9010];
	v4 =	vpop (erf)  }
0x25a: {  	s0 =	sor.u32 s28, s29;
	(erf) = vrcp.f32 v0;
	v7 =	vpop (erf)  }
0x25b: {  	s6 =	simm.s32 $0x1;
	v14 =	vld [tilespmem:s0+$0x6090];
	(erf) = vrcp.f32 v1;
	v1 =	vpop (erf)  }
0x25c: {  	s30 =	sand.u32 $0x3, s6;
	v48 =	vld [tilespmem:s0+$0x6110];
	v11 =	vpop (erf)  }
0x25d: {  	s1 =	sshll.u32 s30, $0x5;
	v19 =	vld [tilespmem:s0+$0x6210];
	v6 =	vsub.f32 v9, v6;
	v7 =	vadd.f32 $1.000000000e+00, v7;
	v12 =	vpop (erf)  }
0x25e: {  	s31 =	sadd.s32 $0x100, s1;
	v20 =	vld [tilespmem:s0+$0x6290];
	v0 =	vsub.f32 $1.000000000e+00, v4;
	v2 =	vsub.f32 v5, v2;
	v5 =	vpop (erf)  }
0x25f: {  	s1 =	sadd.s32 $0x10, s31;
	v4 =	vmul.f32 v4, v3;
	(erf) = vrcp.f32 v7;
	v7 =	vld [tilespmem:s0+$0x6010];
	v5 =	vadd.f32 $1.000000000e+00, v5  }
0x260: {  	s8 =	sor.u32 $0x380, s1;
	v50 =	vld [tilespmem:s0+$0x6190];
	v8 =	vsub.f32 $1.000000000e+00, v3;
	v6 =	vmul.f32 $1.442695020e+00, v6;
	v2 =	vmul.f32 $1.442695020e+00, v2;
	v49 =	vpop (erf)  }
0x261: {  	s7 =	sor.u32 $0x300, s1;
	v23 =	vld [tilespmem:s8+$0x6000];
	v10 =	vsub.f32 $1.000000000e+00, v1;
	v9 =	vpop (erf);
	v17 =	vadd.f32 $1.000000000e+00, v49;
	(erf) = vrcp.f32 v5  }
0x262: {  	v0 =	vmul.f32 v0, v3;
	(erf) = vpow2.f32 v2;
	v2 =	vadd.f32 $1.000000000e+00, v9;
	v9 =	vld [tilespmem:s7+$0x6000]  }
0x263: {  	v24 =	vld [tilespmem:s0+$0x6080];
	v19 =	vsub.f32 v20, v19;
	v10 =	vmul.f32 v10, v8;
	v5 =	vpop (erf);
	(erf) = vrcp.f32 v17  }
0x264: {  	[tilespmem:s26+$0x12010] =	vst v3;
	v3 =	vld [tilespmem:s0+$0x9210];
	v7 =	vsub.f32 v14, v7;
	v5 =	vadd.f32 $1.000000000e+00, v5;
	(erf) = vpow2.f32 v6  }
0x265: {  	s14 =	sand.u32 $0xFFFFFC00, s25;
	v15 =	vsub.f32 $1.000000000e+00, v12;
	v6 =	vmul.f32 v12, v10;
	v12 =	vld [tilespmem:s0+$0x9290];
	(erf) = vrcp.f32 v2  }
0x266: {  	s14 =	sadd.s32 $0x20, s14;
	v14 =	vsub.f32 v50, v48;
	v7 =	vmul.f32 $1.442695020e+00, v7;
	v21 =	vpop (erf);
	(erf) = vrcp.f32 v5;
	v5 =	vld [tilespmem:s0+$0x6000]  }
0x267: {  	s1 =	sor.u32 $0x180, s14;
	[tilespmem:s26+$0x12090] =	vst v8;
	v1 =	vmul.f32 v1, v8;
	v8 =	vmul.f32 $1.442695020e+00, v19;
	v9 =	vsub.f32 v23, v9  }
0x268: {  	v14 =	vmul.f32 $1.442695020e+00, v14;
	v51 =	vpop (erf);
	v2 =	vld [tilespmem:s1+$0x6000];
	(erf) = vpow2.f32 v7  }
0x269: {  	v54 =	vpop (erf);
	v7 =	vld [tilespmem:s0+$0x6100];
	v9 =	vmul.f32 $1.442695020e+00, v9  }
0x26a: {  	[tilespmem:s26+$0x12110] =	vst v4;
	v13 =	vsub.f32 $1.000000000e+00, v11;
	(erf) = vpow2.f32 v14;
	v3 =	vsub.f32 v12, v3;
	v56 =	vpop (erf)  }
0x26b: {  	v57 =	vld [tilespmem:s0+$0x6280];
	v11 =	vmul.f32 v11, v4;
	[tilespmem:s26+$0x12190] =	vst v0;
	(erf) = vpow2.f32 v8;
	v8 =	vpop (erf);
	v5 =	vsub.f32 v24, v5  }
0x26c: {  	[tilespmem:s26+$0x12210] =	vst v1;
	v13 =	vmul.f32 v13, v4;
	v4 =	vld [tilespmem:s0+$0x6200];
	v3 =	vmul.f32 $1.442695020e+00, v3;
	v25 =	vpop (erf)  }
0x26d: {  	v60 =	vld [tilespmem:s0+$0x9080];
	[tilespmem:s26+$0x12290] =	vst v10;
	(erf) = vpow2.f32 v9;
	v8 =	vadd.f32 $1.000000000e+00, v8;
	v9 =	vpop (erf);
	v5 =	vmul.f32 $1.442695020e+00, v5  }
0x26e: {  	[tilespmem:s12+$0x12000] =	vst v11;
	v11 =	vld [tilespmem:s0+$0x9000];
	v2 =	vsub.f32 v2, v7;
	(erf) = vpow2.f32 v3;
	v3 =	vadd.f32 $1.000000000e+00, v9  }
0x26f: {  	v9 =	vpop (erf);
	(erf) = vrcp.f32 v8  }
0x270: {  	[tilespmem:s15+$0x12000] =	vst v13;
	v2 =	vmul.f32 $1.442695020e+00, v2;
	v13 =	vpop (erf);
	(erf) = vrcp.f32 v3  }
0x271: {  	s3 =	sor.u32 $0x300, s31;
	v4 =	vsub.f32 v57, v4;
	(erf) = vpow2.f32 v5;
	v5 =	vpop (erf)  }
0x272: {  	s5 =	sor.u32 s25, s5;
	v58 =	vld [tilespmem:s3+$0x6000];
	v15 =	vmul.f32 v15, v10;
	v22 =	vsub.f32 $1.000000000e+00, v21;
	v5 =	vadd.f32 $1.000000000e+00, v5  }
0x273: {  	s5 =	sor.u32 $0x380, s5;
	v61 =	vld [tilespmem:s0+$0x9100];
	v53 =	vsub.f32 $1.000000000e+00, v51;
	v4 =	vmul.f32 $1.442695020e+00, v4;
	[tilespmem:s26+$0x15210] =	vst v6;
	v6 =	vsub.f32 v60, v11  }
0x274: {  	v52 =	vmul.f32 v22, v51;
	v55 =	vsub.f32 $1.000000000e+00, v54;
	v7 =	vld [tilespmem:s5+$0x6000];
	(erf) = vpow2.f32 v2;
	v2 =	vpop (erf)  }
0x275: {  	s4 =	sor.u32 $0x3180, s14;
	v62 =	vld [tilespmem:s0+$0x9200];
	[tilespmem:s26+$0x12000] =	vst v51;
	v22 =	vmul.f32 v54, v53;
	v12 =	vmul.f32 v21, v51;
	v2 =	vadd.f32 $1.000000000e+00, v2  }
0x276: {  	v10 =	vld [tilespmem:s4+$0x6000];
	[tilespmem:s26+$0x12080] =	vst v53;
	v6 =	vmul.f32 $1.442695020e+00, v6;
	v8 =	vsub.f32 $1.000000000e+00, v56;
	(erf) = vrcp.f32 v5;
	v5 =	vpop (erf)  }
0x277: {  	v63 =	vld [tilespmem:s0+$0x9280];
	v14 =	vmul.f32 v55, v53;
	[tilespmem:s26+$0x12100] =	vst v12;
	(erf) = vrcp.f32 v2;
	v5 =	vadd.f32 $1.000000000e+00, v5  }
0x278: {  	[tilespmem:s22+$0x12000] =	vst v52;
	v3 =	vsub.f32 $1.000000000e+00, v9;
	v8 =	vmul.f32 v8, v12;
	(erf) = vpow2.f32 v4;
	v4 =	vpop (erf)  }
0x279: {  	v59 =	vmul.f32 v56, v12;
	[tilespmem:s26+$0x12200] =	vst v22;
	v7 =	vsub.f32 v7, v58;
	v4 =	vadd.f32 $1.000000000e+00, v4  }
0x27a: {  	[tilespmem:s26+$0x12280] =	vst v14;
	v9 =	vmul.f32 v9, v52;
	v3 =	vmul.f32 v3, v52  }
0x27b: {  	[tilespmem:s23+$0x12000] =	vst v59;
	v2 =	vmul.f32 $1.442695020e+00, v7;
	v7 =	vsub.f32 v10, v61;
	(erf) = vrcp.f32 v5;
	v5 =	vpop (erf)  }
0x27c: {  	v12 =	vmul.f32 v25, v22;
	[tilespmem:s24+$0x12000] =	vst v8;
	v10 =	vsub.f32 v63, v62;
	v5 =	vadd.f32 $1.000000000e+00, v5;
	v8 =	vpop (erf)  }
0x27d: {  	[tilespmem:s26+$0x15290] =	vst v15;
	v11 =	vsub.f32 $1.000000000e+00, v25;
	v7 =	vmul.f32 $1.442695020e+00, v7;
	(erf) = vrcp.f32 v4;
	v4 =	vpop (erf)  }
0x27e: {  	[tilespmem:s26+$0x15080] =	vst v3;
	v16 =	vmul.f32 $1.442695020e+00, v10;
	(erf) = vrcp.f32 v5;
	v3 =	vpop (erf)  }
0x27f: {  	v15 =	vsub.f32 $1.000000000e+00, v13;
	[tilespmem:s26+$0x15000] =	vst v9;
	v10 =	vmul.f32 v11, v22;
	(erf) = vpow2.f32 v2;
	v9 =	vpop (erf)  }
0x280: {  	(erf) = vpow2.f32 v7;
	v7 =	vmul.f32 v13, v14;
	v13 =	vadd.f32 $1.000000000e+00, v9  }
0x281: {  	[tilespmem:s26+$0x15100] =	vst v12;
	v5 =	vsub.f32 $1.000000000e+00, v8  }
0x282: {  	[tilespmem:s2+$0x12000] =	vst v10;
	v2 =	vsub.f32 $1.000000000e+00, v4;
	v9 =	vpop (erf);
	v14 =	vmul.f32 v15, v14;
	(erf) = vpow2.f32 v6  }
0x283: {  	v10 =	vadd.f32 $1.000000000e+00, v3;
	v3 =	vmul.f32 v8, v0;
	v8 =	vld [tilespmem:s0+$0x9090];
	v12 =	vpop (erf);
	(erf) = vpow2.f32 v16;
	[tilespmem:s26+$0x15200] =	vst v7  }
0x284: {  	s9 =	simm.s32 $0x200;
	s10 =	simm.s32 $0x40;
	s2 =	simm.s32 $0x2;
	v6 =	vld [tilespmem:s0+$0x9010];
	v7 =	vsub.f32 $1.000000000e+00, v9;
	v11 =	vsub.f32 $1.000000000e+00, v12;
	[tilespmem:s26+$0x15280] =	vst v14;
	(erf) = vrcp.f32 v13;
	v13 =	vpop (erf)  }
.LBB2_8:
0x285: {  	s11 =	sand.u32 $0xFFFFFC00, s9;
	s12 =	sand.u32 $0x60, s10;
	s13 =	sand.u32 $0xC00, s9;
	v13 =	vadd.f32 $1.000000000e+00, v13;
	v14 =	vld [tilespmem:s0+$0x9110];
	v12 =	vmul.f32 v12, v9;
	[tilespmem:s0+$0x12010] =	vst v9;
	(erf) = vrcp.f32 v10;
	v10 =	vpop (erf)  }
0x286: {  	v5 =	vmul.f32 v5, v0;
	s15 =	sor.u32 s12, s13;
	s11 =	sadd.s32 s11, s10;
	s12 =	sor.u32 s9, s10;
	v15 =	vld [tilespmem:s0+$0x9190];
	v18 =	vsub.f32 $1.000000000e+00, v10;
	[tilespmem:s0+$0x12090] =	vst v7;
	v0 =	vmul.f32 v11, v9  }
0x287: {  	v10 =	vmul.f32 v10, v7;
	s13 =	sor.u32 $0x180, s11;
	s12 =	sor.u32 $0x380, s12;
	s11 =	sor.u32 $0x3180, s11;
	v9 =	vld [tilespmem:s15+$0x9210];
	[tilespmem:s0+$0x12110] =	vst v12;
	(erf) = vrcp.f32 v13;
	v11 =	vpop (erf)  }
0x288: {  	s6 =	sadd.s32 $0x1, s6;
	v4 =	vmul.f32 v4, v1;
	v13 =	vld [tilespmem:s15+$0x6010];
	v21 =	vsub.f32 $1.000000000e+00, v11;
	v7 =	vmul.f32 v18, v7;
	[tilespmem:s0+$0x12190] =	vst v0;
	v16 =	vpop (erf)  }
0x289: {  	s14 =	sand.u32 $0x3, s6;
	v22 =	vmul.f32 v11, v12;
	v18 =	vld [tilespmem:s15+$0x6090];
	v6 =	vsub.f32 v8, v6;
	v8 =	vsub.f32 $1.000000000e+00, v16;
	[tilespmem:s0+$0x12210] =	vst v10;
	v19 =	vpop (erf)  }
0x28a: {  	v2 =	vmul.f32 v2, v1;
	s14 =	sshll.u32 s14, $0x5;
	v20 =	vld [tilespmem:s15+$0x6110];
	v19 =	vadd.f32 $1.000000000e+00, v19;
	v23 =	vmul.f32 v21, v12;
	[tilespmem:s0+$0x12290] =	vst v7;
	v17 =	vpop (erf)  }
0x28b: {  	s2 =	sadd.s32 $0x2, s2;
	s16 =	sadd.s32 s14, s9;
	v21 =	vld [tilespmem:s15+$0x6190];
	v1 =	vmul.f32 $1.442695020e+00, v6;
	v6 =	vsub.f32 v15, v14;
	v24 =	vmul.f32 v8, v7;
	[tilespmem:s7+$0x12000] =	vst v22;
	v11 =	vpop (erf)  }
0x28c: {  	p0 =	slt.u32 s2, $0x1E;
	s14 =	sor.u32 $0x300, s16;
	s16 =	sadd.s32 $0x10, s16;
	v15 =	vadd.f32 $1.000000000e+00, v17;
	v14 =	vld [tilespmem:s15+$0x6210];
	v11 =	vadd.f32 $1.000000000e+00, v11;
	[tilespmem:s8+$0x12000] =	vst v23;
	(erf) = vrcp.f32 v19;
	v12 =	vpop (erf)  }
0x28d: {  	s7 =	sor.u32 $0x300, s16;
	v17 =	vld [tilespmem:s15+$0x6290];
	v12 =	vadd.f32 $1.000000000e+00, v12;
	v6 =	vmul.f32 $1.442695020e+00, v6;
	[tilespmem:s0+$0x15290] =	vst v24;
	v8 =	vpop (erf);
	(erf) = vpow2.f32 v1  }
0x28e: {  	v7 =	vmul.f32 v16, v7;
	s8 =	sor.u32 $0x380, s16;
	v19 =	vld [tilespmem:s7+$0x6000];
	v22 =	vsub.f32 $1.000000000e+00, v8;
	v16 =	vpop (erf);
	(erf) = vrcp.f32 v15;
	[tilespmem:s26+$0x15010] =	vst v3  }
0x28f: {  	v13 =	vsub.f32 v18, v13;
	v3 =	vld [tilespmem:s8+$0x6000];
	v15 =	vsub.f32 $1.000000000e+00, v16;
	(erf) = vpow2.f32 v6;
	[tilespmem:s26+$0x15090] =	vst v5;
	v1 =	vmovc v10  }
0x290: {  	v5 =	vld [tilespmem:s15+$0x9290];
	v6 =	vsub.f32 v21, v20;
	v10 =	vmul.f32 v22, v16;
	v18 =	vpop (erf);
	(erf) = vrcp.f32 v11;
	[tilespmem:s26+$0x15110] =	vst v4  }
0x291: {  	v11 =	vmul.f32 $1.442695020e+00, v13;
	v4 =	vld [tilespmem:s13+$0x6000];
	v13 =	vsub.f32 $1.000000000e+00, v18;
	(erf) = vrcp.f32 v12;
	[tilespmem:s26+$0x15190] =	vst v2;
	s26 =	smov.u32 s0;
	s0 =	smov.u32 s15  }
0x292: {  	v2 =	vld [tilespmem:s0+$0x6000];
	v6 =	vmul.f32 $1.442695020e+00, v6;
	v12 =	vsub.f32 v17, v14;
	v14 =	vmul.f32 v18, v15;
	[tilespmem:s26+$0x15210] =	vst v7  }
0x293: {  	v7 =	vld [tilespmem:s0+$0x6080];
	(erf) = vpow2.f32 v11;
	v11 =	vmul.f32 v13, v15;
	[tilespmem:s26+$0x12080] =	vst v15  }
0x294: {  	v13 =	vld [tilespmem:s0+$0x6100];
	v12 =	vmul.f32 $1.442695020e+00, v12;
	v3 =	vsub.f32 v3, v19;
	(erf) = vpow2.f32 v6;
	[tilespmem:s26+$0x12000] =	vst v16  }
0x295: {  	v8 =	vmul.f32 v8, v16;
	v6 =	vld [tilespmem:s0+$0x6200];
	v5 =	vsub.f32 v5, v9;
	v9 =	vpop (erf)  }
0x296: {  	v15 =	vld [tilespmem:s0+$0x6280];
	v3 =	vmul.f32 $1.442695020e+00, v3;
	(erf) = vpow2.f32 v12;
	v12 =	vsub.f32 $1.000000000e+00, v9;
	v16 =	vpop (erf)  }
0x297: {  	v9 =	vmul.f32 v9, v8;
	v17 =	vld [tilespmem:s14+$0x6000];
	v5 =	vmul.f32 $1.442695020e+00, v5;
	[tilespmem:s26+$0x12100] =	vst v8;
	v16 =	vadd.f32 $1.000000000e+00, v16;
	v18 =	vpop (erf)  }
0x298: {  	v19 =	vld [tilespmem:s11+$0x6000];
	v2 =	vsub.f32 v7, v2;
	(erf) = vpow2.f32 v3;
	v3 =	vsub.f32 $1.000000000e+00, v18;
	[tilespmem:s1+$0x12000] =	vst v10;
	v7 =	vpop (erf);
	s1 =	smov.u32 s13  }
0x299: {  	v20 =	vld [tilespmem:s12+$0x6000];
	v4 =	vsub.f32 v4, v13;
	(erf) = vpow2.f32 v5;
	[tilespmem:s26+$0x12200] =	vst v14;
	v5 =	vadd.f32 $1.000000000e+00, v7;
	v7 =	vpop (erf)  }
0x29a: {  	v13 =	vld [tilespmem:s0+$0x9000];
	v23 =	vmul.f32 $1.442695020e+00, v2;
	v21 =	vsub.f32 $1.000000000e+00, v7;
	[tilespmem:s26+$0x12280] =	vst v11;
	v22 =	vpop (erf);
	(erf) = vrcp.f32 v16  }
0x29b: {  	v16 =	vld [tilespmem:s0+$0x9080];
	v24 =	vmul.f32 $1.442695020e+00, v4;
	v6 =	vsub.f32 v15, v6;
	[tilespmem:s3+$0x12000] =	vst v9;
	(erf) = vrcp.f32 v5;
	s3 =	smov.u32 s14  }
0x29c: {  	v7 =	vmul.f32 v7, v10;
	v15 =	vsub.f32 $1.000000000e+00, v22;
	v5 =	vld [tilespmem:s0+$0x9100];
	(erf) = vpow2.f32 v23;
	v2 =	vpop (erf)  }
0x29d: {  	v9 =	vld [tilespmem:s0+$0x9200];
	v6 =	vmul.f32 $1.442695020e+00, v6;
	v25 =	vadd.f32 $1.000000000e+00, v2;
	(erf) = vpow2.f32 v24;
	v4 =	vpop (erf)  }
0x29e: {  	v10 =	vmul.f32 v21, v10;
	v23 =	vld [tilespmem:s0+$0x9280];
	v17 =	vsub.f32 v20, v17;
	v4 =	vadd.f32 $1.000000000e+00, v4  }
0x29f: {  	v8 =	vmul.f32 v12, v8;
	(erf) = vrcp.f32 v25;
	v2 =	vpop (erf)  }
0x2a0: {  	v12 =	vsub.f32 v16, v13;
	v20 =	vadd.f32 $1.000000000e+00, v2;
	(erf) = vrcp.f32 v4  }
0x2a1: {  	v13 =	vmul.f32 $1.442695020e+00, v17;
	v17 =	vsub.f32 v19, v5;
	(erf) = vpow2.f32 v6;
	v5 =	vpop (erf);
	[tilespmem:s5+$0x12000] =	vst v8;
	s5 =	smov.u32 s12  }
0x2a2: {  	v6 =	vmul.f32 $1.442695020e+00, v12;
	v5 =	vadd.f32 $1.000000000e+00, v5;
	(erf) = vrcp.f32 v20;
	v2 =	vpop (erf);
	[tilespmem:s26+$0x15000] =	vst v7  }
0x2a3: {  	v7 =	vmul.f32 $1.442695020e+00, v17;
	v8 =	vsub.f32 v23, v9;
	v2 =	vadd.f32 $1.000000000e+00, v2;
	[tilespmem:s26+$0x15080] =	vst v10;
	v16 =	vpop (erf)  }
0x2a4: {  	v9 =	vmul.f32 v18, v14;
	(erf) = vrcp.f32 v5;
	v5 =	vsub.f32 $1.000000000e+00, v16;
	v4 =	vpop (erf)  }
0x2a5: {  	v8 =	vmul.f32 $1.442695020e+00, v8;
	v10 =	vpop (erf);
	(erf) = vrcp.f32 v2;
	v2 =	vsub.f32 $1.000000000e+00, v4  }
.Ltmp3:
0x2a6: {  	v3 =	vmul.f32 v3, v14;
	v10 =	vadd.f32 $1.000000000e+00, v10;
	v12 =	vpop (erf);
	(erf) = vpow2.f32 v13;
	[tilespmem:s26+$0x15100] =	vst v9;
	(pc) =	sbr.rel @p0 .LBB2_8-.Ltmp3, $4  }
0x2a7: {  	v17 =	vadd.f32 $1.000000000e+00, v12;
	(erf) = vpow2.f32 v7;
	v7 =	vmul.f32 v22, v11  }
0x2a8: {  	v14 =	vmul.f32 v15, v11;
	(erf) = vpow2.f32 v6;
	v9 =	vpop (erf);
	[tilespmem:s4+$0x12000] =	vst v3;
	s4 =	smov.u32 s11  }
0x2a9: {  	v3 =	vmul.f32 v16, v0;
	v6 =	vld [tilespmem:s0+$0x9010];
	(erf) = vpow2.f32 v8;
	v12 =	vpop (erf);
	[tilespmem:s26+$0x15200] =	vst v7  }
0x2aa: {  	s10 =	sadd.s32 $0x20, s10;
	s9 =	sadd.s32 $0x100, s9;
	v7 =	vsub.f32 $1.000000000e+00, v9;
	v8 =	vld [tilespmem:s0+$0x9090];
	v11 =	vsub.f32 $1.000000000e+00, v12;
	(erf) = vrcp.f32 v17;
	v13 =	vpop (erf);
	[tilespmem:s26+$0x15280] =	vst v14  }
0x2ab: {  	v14 =	vld [tilespmem:s0+$0x9110]  }
0x2ac: {  	v15 =	vpop (erf);
	v16 =	vld [tilespmem:s0+$0x9190]  }
0x2ad: {  	v17 =	vpop (erf)  }
0x2ae: {  	v20 =	vpop (erf)  }
0x2af: {  	v13 =	vadd.f32 $1.000000000e+00, v13;
	v12 =	vmul.f32 v12, v9;
	v6 =	vsub.f32 v8, v6;
	v22 =	vpop (erf)  }
0x2b0: {  	[tilespmem:s0+$0x12010] =	vst v9;
	v0 =	vmul.f32 v5, v0;
	(erf) = vrcp.f32 v10;
	v8 =	vadd.f32 $1.000000000e+00, v22  }
0x2b1: {  	[tilespmem:s26+$0x15010] =	vst v3;
	(erf) = vrcp.f32 v13;
	v14 =	vsub.f32 v16, v14;
	v25 =	vpop (erf);
	v6 =	vmul.f32 $1.442695020e+00, v6  }
0x2b2: {  	v4 =	vmul.f32 v4, v1;
	[tilespmem:s0+$0x12090] =	vst v7;
	v27 =	vadd.f32 $1.000000000e+00, v25;
	(erf) = vrcp.f32 v8  }
0x2b3: {  	[tilespmem:s0+$0x12110] =	vst v12;
	v14 =	vmul.f32 $1.442695020e+00, v14;
	(erf) = vpow2.f32 v6  }
0x2b4: {  	v35 =	vmul.f32 v2, v1;
	[tilespmem:s26+$0x15090] =	vst v0;
	(erf) = vrcp.f32 v27  }
0x2b5: {  	v21 =	vmul.f32 v11, v9;
	v23 =	vsub.f32 $1.000000000e+00, v15;
	[tilespmem:s26+$0x15110] =	vst v4;
	(erf) = vpow2.f32 v14  }
0x2b6: {  	v24 =	vmul.f32 v15, v7;
	[tilespmem:s26+$0x15190] =	vst v35;
	v31 =	vpop (erf)  }
0x2b7: {  	v26 =	vmul.f32 v23, v7;
	v28 =	vsub.f32 $1.000000000e+00, v17;
	[tilespmem:s0+$0x12190] =	vst v21;
	v32 =	vpop (erf)  }
0x2b8: {  	v30 =	vmul.f32 v17, v12;
	[tilespmem:s0+$0x12210] =	vst v24;
	v29 =	vsub.f32 $1.000000000e+00, v20;
	v11 =	vadd.f32 $1.000000000e+00, v31;
	v33 =	vpop (erf)  }
0x2b9: {  	[tilespmem:s0+$0x12290] =	vst v26;
	v8 =	vmul.f32 v28, v12;
	v34 =	vpop (erf)  }
0x2ba: {  	[tilespmem:s7+$0x12000] =	vst v30;
	v6 =	vmul.f32 v29, v26;
	(erf) = vrcp.f32 v11;
	v36 =	vpop (erf)  }
0x2bb: {  	v38 =	vmul.f32 v20, v26;
	v37 =	vadd.f32 $1.000000000e+00, v32;
	[tilespmem:s8+$0x12000] =	vst v8;
	v39 =	vpop (erf)  }
0x2bc: {  	v40 =	vsub.f32 $1.000000000e+00, v33;
	[tilespmem:s0+$0x15290] =	vst v6;
	v42 =	vpop (erf)  }
0x2bd: {  	[tilespmem:s0+$0x15210] =	vst v38;
	v41 =	vsub.f32 $1.000000000e+00, v34;
	(erf) = vrcp.f32 v37;
	v1 =	vadd.f32 $1.000000000e+00, v42;
	v43 =	vpop (erf)  }
0x2be: {  	v44 =	vmul.f32 v40, v34;
	v5 =	vmul.f32 v33, v34;
	[tilespmem:s0+$0x12000] =	vst v34;
	v45 =	vpop (erf)  }
0x2bf: {  	[tilespmem:s0+$0x12080] =	vst v41;
	v46 =	vsub.f32 $1.000000000e+00, v36;
	v47 =	vadd.f32 $1.000000000e+00, v45;
	(erf) = vrcp.f32 v1  }
0x2c0: {  	v0 =	vmul.f32 v36, v41;
	[tilespmem:s0+$0x12100] =	vst v5  }
0x2c1: {  	[tilespmem:s1+$0x12000] =	vst v44;
	v48 =	vmul.f32 v46, v41;
	v49 =	vsub.f32 $1.000000000e+00, v39;
	(erf) = vrcp.f32 v47  }
0x2c2: {  	[tilespmem:s0+$0x12200] =	vst v0;
	v4 =	vmul.f32 v39, v5  }
0x2c3: {  	[tilespmem:s0+$0x12280] =	vst v48;
	v5 =	vmul.f32 v49, v5;
	v50 =	vpop (erf)  }
0x2c4: {  	[tilespmem:s3+$0x12000] =	vst v4;
	v2 =	vmul.f32 v43, v0;
	v51 =	vsub.f32 $1.000000000e+00, v50  }
0x2c5: {  	v53 =	vsub.f32 $1.000000000e+00, v43;
	v52 =	vmul.f32 v50, v44;
	[tilespmem:s5+$0x12000] =	vst v5  }
0x2c6: {  	v54 =	vpop (erf);
	[tilespmem:s0+$0x15100] =	vst v2;
	v3 =	vmul.f32 v51, v44  }
0x2c7: {  	v0 =	vmul.f32 v53, v0;
	v55 =	vsub.f32 $1.000000000e+00, v54;
	[tilespmem:s0+$0x15000] =	vst v52  }
0x2c8: {  	v57 =	vmul.f32 v54, v48;
	[tilespmem:s0+$0x15080] =	vst v3;
	v56 =	vpop (erf)  }
0x2c9: {  	v1 =	vmul.f32 v55, v48;
	[tilespmem:s4+$0x12000] =	vst v0;
	v58 =	vsub.f32 $1.000000000e+00, v56  }
0x2ca: {  	[tilespmem:s0+$0x15200] =	vst v57;
	v60 =	vmul.f32 v56, v21;
	v59 =	vpop (erf)  }
0x2cb: {  	[tilespmem:s0+$0x15280] =	vst v1;
	v61 =	vsub.f32 $1.000000000e+00, v59;
	v62 =	vmul.f32 v58, v21  }
0x2cc: {  	v0 =	vmul.f32 v59, v24;
	[tilespmem:s0+$0x15010] =	vst v60  }
0x2cd: {  	v63 =	vmul.f32 v61, v24;
	[tilespmem:s0+$0x15090] =	vst v62  }
0x2ce: {  	[tilespmem:s0+$0x15110] =	vst v0  }
0x2cf: {  	[tilespmem:s0+$0x15190] =	vst v63  }
0x2d0: {  	s0 =	sld [smem:$0x7FB];
	_ =	sdelay $0x1  }
0x2d1: {  	s6 =	simm.s32 $0x0;
	s26 =	simm.s32 $0x12000  }
0x2d2: {  	[hbm4b:s0+s6] =	stream.linear.scatter [tilespmem:s26], [sflag:$0x4], $0x1000, $0x38;
	[tilespmem:$0x18000] =	vst v63  }
0x2d3: {  	s28 =	simm.s32 $0x15000;
	s29 =	simm.s32 $0x3;
	s0 =	sadd.s32 $0x20000, s0  }
0x2d4: {  	[hbm4b:s0+s6] =	stream.linear.scatter [tilespmem:s28], [sflag:$0x4], $0x1000, $0x38;
	[tilespmem:$0x18000] =	vst v63  }
0x2d5: {  	_ =	swait.ge [sflag:s29], $0x6000  }
0x2d6: {  	[sflag:s29] =	ssyncset.done $0x0  }
0x2d7: {  	[sflag:s29] =	ssyncadd.s32 $0xFFFFA000  }
0x2d8: {  	_ =	swait.ge [sflag:s21], $0x2000  }
0x2d9: {  	s30 =	sld [smem:$0x7F6]  }
0x2da: {  	s31 =	sld [smem:$0x7FC];
	_ =	sdelay $0x1  }
0x2db: {  	s1 =	sadd.s32 $0x1, s30  }
0x2dc: {  	p0 =	sne.s32 s1, s31  }
.Ltmp4:
0x2dd: {  	_ = 	snop;
	(pc) =	sbr.rel @p0 .LBB2_1-.Ltmp4, $3  }
0x2de: {  	_ =	sdelay $0x1  }
0x2df: {  	[sflag:s21] =	ssyncset.done $0x0  }
0x2e0: {  	[sflag:s21] =	ssyncadd.s32 $0xFFFFE000  }
0x2e1: {  	_ =	sfence.sel $0x180000  }
0x2e2: {  	[bflag:$0x0] =	sbarrier.arrive $0xFFFF  }
0x2e3: {  	_ =	strace $0x90000047  }
0x2e4: {  	s0 =	stileid.u32;
	[bflag:$0x2] =	sbarrier.arrive $0xFFFF  }
0x2e5: {  	p0 =	sne.s32 s0, $0x0;
	s0 =	rddreg [dreg:$0x2]  }
0x2e6: {  	s0 =	sadd.s32 @!p0 $0x100000, s0  }
0x2e7: {  	[sflag:s0] =	ssyncadd.tile.s32 @!p0 $0x1;
	_ =	shalt  }
.Lfunc_end2:
_tile_overlayer_lowered:
.L_overlay_start_2:
0x2e8: {  	(tag) =	ssettag $0x2  }
0x2e9: {  	s0 =	rddreg [dreg:$0x0];
	s2 =	stileid.u32  }
0x2ea: {  	s1 =	rddreg [dreg:$0x1];
	p0 =	sne.s32 s2, $0x0  }
0x2eb: {  	s3 =	rddreg [dreg:$0x2];
	[bflag:$0x3] =	sbarrier.arrive $0xFFFF;
	s2 =	simm.s32 @!p0 $0x1C05  }
0x2ec: {  	[timem:s3], [sflag:s2] =	dma.local @!p0 [hbm:s0], s1  }
0x2ed: {  	s0 =	simm.s32 @!p0 $0x5  }
0x2ee: {  	_ =	swait.ge @!p0 [sflag:s0], s1  }
0x2ef: {  	s1 =	ssub.s32 @!p0 $0x0, s1;
	[sflag:s0] =	ssyncset.done @!p0 $0x0  }
0x2f0: {  	[sflag:s0] =	ssyncadd.s32 @!p0 s1  }
0x2f1: {  	[bflag:$0x3] =	sbarrier.arrive $0xFFFF  }
0x2f2: {  	_ =	shalt  }

</sc_bundles>
